<compile_context>
chip_gen: v7x
topology: tpu7x:2x2x1
jax: 0.10.2.dev20260603
libtpu: 0.0.44.dev20260713+nightly
codegen_flags: <defaults>
</compile_context>

<pallas_src>
import functools

import jax
import jax.numpy as jnp
from jax import lax
from jax.experimental import pallas as pl
from jax.experimental.pallas import tpu as pltpu
from jax.experimental.pallas import tpu_sc as plsc

_NC, _NS = 2, 16
_NW = _NC * _NS
_LANES = 16


def _dval_table(W, Wl, bl, Vp):

    def body(w_ref, wl_ref, bl_ref, out_ref):
        u = jnp.dot(w_ref[...], wl_ref[...], preferred_element_type=jnp.float32)
        u = jnp.maximum(u + bl_ref[...], 0.0)
        row = lax.broadcasted_iota(jnp.int32, u.shape, 0)
        u = jnp.where(row == 0, 0.0, u)
        out_ref[pl.ds(0, u.shape[0]), :] = u
        out_ref[pl.ds(u.shape[0], Vp - u.shape[0]), :] = jnp.zeros(
            (Vp - u.shape[0], 1), jnp.float32)

    return pl.pallas_call(
        body,
        out_shape=jax.ShapeDtypeStruct((Vp, 1), jnp.float32),
    )(W, Wl, bl)


def _sc_bow(qvalb_flat, qidx_flat, didx_flat, dval_pad, V, B, L):
    CPW = B // _NW
    NG = CPW // _LANES
    Vp = dval_pad.shape[0]
    GW = _LANES * L
    UNR = 5
    assert L % UNR == 0

    mesh = plsc.VectorSubcoreMesh(
        core_axis_name="c", subcore_axis_name="s",
        num_cores=_NC, num_subcores=_NS)

    @functools.partial(
        pl.kernel,
        out_type=(jax.ShapeDtypeStruct((B,), jnp.float32),
                  jax.ShapeDtypeStruct((V, B), jnp.float32)),
        mesh=mesh,
        compiler_params=pltpu.CompilerParams(
            needs_layout_passes=False, skip_device_barrier=True),
        scratch_types=[
            pltpu.VMEM((GW,), jnp.int32),
            pltpu.VMEM((GW,), jnp.int32),
            pltpu.VMEM((Vp,), jnp.float32),
            pltpu.VMEM((V, CPW), jnp.float32),
            pltpu.SemaphoreType.DMA,
            pltpu.SemaphoreType.DMA,
            pltpu.SemaphoreType.DMA,
            pltpu.SemaphoreType.DMA,
        ])
    def k(qvalb_hbm, qidx_hbm, didx_hbm, dval_hbm, rel_hbm, dbow_hbm,
          buf_a, buf_b, dval_v, acc_v, sem_a, sem_b, sem_d, sem_o):
        wid = lax.axis_index("s") * _NC + lax.axis_index("c")
        bs = wid * CPW
        lane = lax.iota(jnp.int32, _LANES)
        zero16 = jnp.zeros((_LANES,), jnp.float32)
        fbase = lane * L
        bufs, sems = [buf_a, buf_b], [sem_a, sem_b]

        cp_d = pltpu.async_copy(dval_hbm, dval_v, sem_d)
        cps = [pltpu.async_copy(didx_hbm.at[pl.ds(bs * L, GW)], buf_a, sem_a),
               None]

        rows_per_it = 4
        def zrow(r, carry):
            for rr in range(rows_per_it):
                for c in range(CPW // _LANES):
                    acc_v[r * rows_per_it + rr, pl.ds(c * _LANES, _LANES)] = zero16
            return carry
        lax.fori_loop(0, V // rows_per_it, zrow, 0)
        cp_d.wait()

        for g in range(NG):
            cps[g % 2].wait()
            if g + 1 < NG:
                cps[(g + 1) % 2] = pltpu.async_copy(
                    didx_hbm.at[pl.ds((bs + (g + 1) * _LANES) * L, GW)],
                    bufs[(g + 1) % 2], sems[(g + 1) % 2])
            cur = bufs[g % 2]
            jloc = g * _LANES + lane

            def dbody(i, carry):
                for u in range(UNR):
                    dtok = plsc.load_gather(cur, [fbase + (i * UNR + u)])
                    dv = plsc.load_gather(dval_v, [dtok])
                    plsc.addupdate_scatter(acc_v, [dtok, jloc], dv)
                return carry
            lax.fori_loop(0, L // UNR, dbody, 0)

        cp_out = pltpu.async_copy(acc_v, dbow_hbm.at[:, pl.ds(bs, CPW)], sem_o)

        for g in range(NG):
            goff = (bs + g * _LANES) * L
            pltpu.sync_copy(qidx_hbm.at[pl.ds(goff, GW)], buf_a)
            pltpu.sync_copy(qvalb_hbm.at[pl.ds(goff, GW)], buf_b)
            jloc = g * _LANES + lane

            def qbody(i, racc):
                for u in range(UNR):
                    qtok = plsc.load_gather(buf_a, [fbase + (i * UNR + u)])
                    qvb = plsc.load_gather(buf_b, [fbase + (i * UNR + u)])
                    dcol = plsc.load_gather(acc_v, [qtok, jloc])
                    racc = racc + plsc.bitcast(qvb, jnp.float32) * dcol
                return racc
            racc = lax.fori_loop(0, L // UNR, qbody, zero16)
            dval_v[pl.ds(g * _LANES, _LANES)] = racc

        pltpu.sync_copy(dval_v.at[pl.ds(0, CPW)], rel_hbm.at[pl.ds(bs, CPW)])
        cp_out.wait()

    return k(qvalb_flat, qidx_flat, didx_flat, dval_pad)


def kernel(q_index_float_32, q_index, q_sparse_index, d_index, d_sparse_index,
           W, Wl, bl):
    B, L = q_index.shape
    V = W.shape[0]
    assert B % (_NW * _LANES) == 0 and V % 8 == 0

    Vp = ((V + _LANES - 1) // _LANES) * _LANES
    dval_pad = _dval_table(W, Wl, bl, Vp).reshape(Vp)

    qvalb = lax.bitcast_convert_type(q_index_float_32, jnp.int32).reshape(-1)
    qidx = q_index.astype(jnp.int32).reshape(-1)
    didx = d_index.astype(jnp.int32).reshape(-1)

    rel, d_bow = _sc_bow(qvalb, qidx, didx, dval_pad, V, B, L)
    return rel, d_bow

# --- scband reference (transcript-rebuilt; emitter-appended) ---
"""Pipeline reference for scband-diff-simple-tf-65790309040205 (READ-ONLY COPY).

The authoritative reference and input builder live on the scoring server;
editing this copy changes nothing except your own understanding.
"""

import jax, jax.numpy as jnp
import numpy as np

V, B, L, E = 1000, 4096, 50, 128


def _make_bow(seq, index, sparse_index):
    # mask_zero semantics: token id 0 contributes 0
    mask = (index != 0).astype(jnp.float32)
    vals = (mask * jnp.squeeze(seq)).reshape(-1)
    tok = sparse_index[:, 0]
    col = sparse_index[:, 1]
    # TF path: SparseTensor -> unique -> segment_sum -> to_dense == coalescing scatter-add
    return jnp.zeros((V, index.shape[0]), jnp.float32).at[tok, col].add(vals)


def setup_inputs(seed: int = 0):
    key = jax.random.key(seed)
    ks = jax.random.split(key, 6)
    q_index = jax.random.randint(ks[0], (B, L), 0, V)
    d_index = jax.random.randint(ks[1], (B, L), 0, V)
    batch_ids = jnp.repeat(jnp.arange(B), L)
    # sparse_index rows are [token_id, batch_idx] for each flattened (b, l) position,
    # consistent with the corresponding index tensor (as the TF caller must provide)
    q_sparse_index = jnp.stack([q_index.reshape(-1), batch_ids], axis=1)
    d_sparse_index = jnp.stack([d_index.reshape(-1), batch_ids], axis=1)
    q_index_float_32 = jax.random.normal(ks[2], (B, L), dtype=jnp.float32)
    W = jax.random.normal(ks[3], (V, E), dtype=jnp.float32) * 0.02
    Wl = jax.random.normal(ks[4], (E, 1), dtype=jnp.float32) * 0.05
    bl = jnp.ones((1,), jnp.float32)  # bias_initializer = ones
    return {"q_index_float_32": q_index_float_32, "q_index": q_index, "q_sparse_index": q_sparse_index, "d_index": d_index, "d_sparse_index": d_sparse_index, "W": W, "Wl": Wl, "bl": bl}


def reference(q_index_float_32, q_index, q_sparse_index, d_index, d_sparse_index, W, Wl, bl):
    # q branch: weights provided directly, turned into a [V, B] bag-of-words
    q = _make_bow(q_index_float_32, q_index, q_sparse_index)
    # d branch: embedding gather -> Dense(1, relu) -> BoW (dropout_rate=0.0 -> identity)
    emb = jnp.take(W, d_index, axis=0)  # [B, L, E]
    d = jax.nn.relu(jnp.einsum('ble,eo->blo', emb, Wl) + bl)  # [B, L, 1]
    d_bow = _make_bow(d, d_index, d_sparse_index)  # [V, B]
    rel = jnp.sum(q * d_bow, axis=0)  # [B]
    return (rel, d_bow)

if __name__ == "__main__":
    import jax
    _d = setup_inputs()
    print(jax.jit(kernel)(*tuple(_d.values())))

</pallas_src>

<mosaic_0001>
#map = affine_map<(d0, d1) -> (0)>
#map1 = affine_map<(d0, d1) -> (0, 0)>
module attributes {stable_mosaic.version = 14 : i64} {
  func.func @k(%arg0: i32, %arg1: i32, %arg2: memref<204800xi32, #tpu.memory_space<hbm>>, %arg3: memref<204800xi32, #tpu.memory_space<hbm>>, %arg4: memref<204800xi32, #tpu.memory_space<hbm>>, %arg5: memref<1008xf32, #tpu.memory_space<hbm>>, %arg6: memref<4096xf32, #tpu.memory_space<hbm>>, %arg7: memref<1000x4096xf32, #tpu.memory_space<hbm>>, %arg8: memref<800xi32, #tpu.memory_space<vmem>>, %arg9: memref<800xi32, #tpu.memory_space<vmem>>, %arg10: memref<1008xf32, #tpu.memory_space<vmem>>, %arg11: memref<1000x128xf32, #tpu.memory_space<vmem>>, %arg12: memref<!tpu.dma_semaphore, #tpu.memory_space<semaphore_mem>>, %arg13: memref<!tpu.dma_semaphore, #tpu.memory_space<semaphore_mem>>, %arg14: memref<!tpu.dma_semaphore, #tpu.memory_space<semaphore_mem>>, %arg15: memref<!tpu.dma_semaphore, #tpu.memory_space<semaphore_mem>>) attributes {dimension_semantics = [#tpu.dimension_semantics<core_parallel>, #tpu.dimension_semantics<subcore_parallel>], iteration_bounds = array<i64: 2, 16>, scalar_prefetch = 0 : i64, scratch_operands = 8 : i64, tpu.core_type = #tpu.core_type<sc_vector_subcore>, window_params = [{transform_indices = #map}, {transform_indices = #map}, {transform_indices = #map}, {transform_indices = #map}, {transform_indices = #map}, {transform_indices = #map1}]} {
    %mul3A = arith.constant 2 : i32
    %mul3A_0 = arith.muli %arg1, %mul3A : i32
    %add3A = arith.addi %mul3A_0, %arg0 : i32
    %mul3A_1 = arith.constant 128 : i32
    %mul3A_2 = arith.muli %add3A, %mul3A_1 : i32
    %iota3A = tpu.iota {dimensions = array<i32: 0>} : vector<16xi32>
    %broadcast_in_dim3A = arith.constant 0.000000e+00 : f32
    %broadcast_in_dim3A_3 = vector.broadcast %broadcast_in_dim3A : f32 to vector<16xf32>
    %mul3A_4 = arith.constant 50 : i32
    %mul3A_5 = vector.broadcast %mul3A_4 : i32 to vector<16xi32>
    %mul3A_6 = arith.muli %iota3A, %mul3A_5 : vector<16xi32>
    tpu.enqueue_dma source(%arg5 : memref<1008xf32, #tpu.memory_space<hbm>>) target(%arg10 : memref<1008xf32, #tpu.memory_space<vmem>>) target_semaphore(%arg14 : memref<!tpu.dma_semaphore, #tpu.memory_space<semaphore_mem>>)
    %mul3A_7 = arith.constant 50 : i32
    %mul3A_8 = arith.muli %mul3A_2, %mul3A_7 : i32
    %dma_start3A = tpu.memref_slice %arg4[%mul3A_8] : memref<204800xi32, #tpu.memory_space<hbm>> -> memref<800xi32, #tpu.memory_space<hbm>>
    %dma_start3A_9 = tpu.memref_slice %arg4[%mul3A_8] : memref<204800xi32, #tpu.memory_space<hbm>> -> memref<800xi32, #tpu.memory_space<hbm>>
    tpu.enqueue_dma source(%dma_start3A_9 : memref<800xi32, #tpu.memory_space<hbm>>) target(%arg8 : memref<800xi32, #tpu.memory_space<vmem>>) target_semaphore(%arg12 : memref<!tpu.dma_semaphore, #tpu.memory_space<semaphore_mem>>)
    %scan3A = arith.constant 0 : i32
    %scan3A_10 = arith.constant 0 : i32
    %scan3A_11 = arith.constant 250 : i32
    %scan3A_12 = arith.addi %scan3A_10, %scan3A_11 : i32
    %scan3A_13 = arith.constant 1 : i32
    scf.for %scan3A_271 = %scan3A_10 to %scan3A_12 step %scan3A_13  : i32 {
      %mul3A_272 = arith.constant 4 : i32
      %mul3A_273 = arith.muli %scan3A_271, %mul3A_272 : i32
      %add3A_274 = arith.constant 0 : i32
      %add3A_275 = arith.addi %mul3A_273, %add3A_274 : i32
      %swap3A_276 = arith.index_cast %add3A_275 : i32 to index
      %swap3A_277 = arith.constant 0 : index
      %swap3A_278 = tpu.vector_load %arg11[%swap3A_276, %swap3A_277] {strides = array<i32>} : memref<1000x128xf32, #tpu.memory_space<vmem>>, vector<16xf32>,
      tpu.vector_store %arg11[%swap3A_276, %swap3A_277], %broadcast_in_dim3A_3 {strides = array<i32>} : memref<1000x128xf32, #tpu.memory_space<vmem>>, vector<16xf32>,
      %mul3A_279 = arith.constant 4 : i32
      %mul3A_280 = arith.muli %scan3A_271, %mul3A_279 : i32
      %add3A_281 = arith.constant 0 : i32
      %add3A_282 = arith.addi %mul3A_280, %add3A_281 : i32
      %swap3A_283 = arith.index_cast %add3A_282 : i32 to index
      %swap3A_284 = arith.constant 16 : index
      %swap3A_285 = tpu.vector_load %arg11[%swap3A_283, %swap3A_284] {strides = array<i32>} : memref<1000x128xf32, #tpu.memory_space<vmem>>, vector<16xf32>,
      tpu.vector_store %arg11[%swap3A_283, %swap3A_284], %broadcast_in_dim3A_3 {strides = array<i32>} : memref<1000x128xf32, #tpu.memory_space<vmem>>, vector<16xf32>,
      %mul3A_286 = arith.constant 4 : i32
      %mul3A_287 = arith.muli %scan3A_271, %mul3A_286 : i32
      %add3A_288 = arith.constant 0 : i32
      %add3A_289 = arith.addi %mul3A_287, %add3A_288 : i32
      %swap3A_290 = arith.index_cast %add3A_289 : i32 to index
      %swap3A_291 = arith.constant 32 : index
      %swap3A_292 = tpu.vector_load %arg11[%swap3A_290, %swap3A_291] {strides = array<i32>} : memref<1000x128xf32, #tpu.memory_space<vmem>>, vector<16xf32>,
      tpu.vector_store %arg11[%swap3A_290, %swap3A_291], %broadcast_in_dim3A_3 {strides = array<i32>} : memref<1000x128xf32, #tpu.memory_space<vmem>>, vector<16xf32>,
      %mul3A_293 = arith.constant 4 : i32
      %mul3A_294 = arith.muli %scan3A_271, %mul3A_293 : i32
      %add3A_295 = arith.constant 0 : i32
      %add3A_296 = arith.addi %mul3A_294, %add3A_295 : i32
      %swap3A_297 = arith.index_cast %add3A_296 : i32 to index
      %swap3A_298 = arith.constant 48 : index
      %swap3A_299 = tpu.vector_load %arg11[%swap3A_297, %swap3A_298] {strides = array<i32>} : memref<1000x128xf32, #tpu.memory_space<vmem>>, vector<16xf32>,
      tpu.vector_store %arg11[%swap3A_297, %swap3A_298], %broadcast_in_dim3A_3 {strides = array<i32>} : memref<1000x128xf32, #tpu.memory_space<vmem>>, vector<16xf32>,
      %mul3A_300 = arith.constant 4 : i32
      %mul3A_301 = arith.muli %scan3A_271, %mul3A_300 : i32
      %add3A_302 = arith.constant 0 : i32
      %add3A_303 = arith.addi %mul3A_301, %add3A_302 : i32
      %swap3A_304 = arith.index_cast %add3A_303 : i32 to index
      %swap3A_305 = arith.constant 64 : index
      %swap3A_306 = tpu.vector_load %arg11[%swap3A_304, %swap3A_305] {strides = array<i32>} : memref<1000x128xf32, #tpu.memory_space<vmem>>, vector<16xf32>,
      tpu.vector_store %arg11[%swap3A_304, %swap3A_305], %broadcast_in_dim3A_3 {strides = array<i32>} : memref<1000x128xf32, #tpu.memory_space<vmem>>, vector<16xf32>,
      %mul3A_307 = arith.constant 4 : i32
      %mul3A_308 = arith.muli %scan3A_271, %mul3A_307 : i32
      %add3A_309 = arith.constant 0 : i32
      %add3A_310 = arith.addi %mul3A_308, %add3A_309 : i32
      %swap3A_311 = arith.index_cast %add3A_310 : i32 to index
      %swap3A_312 = arith.constant 80 : index
      %swap3A_313 = tpu.vector_load %arg11[%swap3A_311, %swap3A_312] {strides = array<i32>} : memref<1000x128xf32, #tpu.memory_space<vmem>>, vector<16xf32>,
      tpu.vector_store %arg11[%swap3A_311, %swap3A_312], %broadcast_in_dim3A_3 {strides = array<i32>} : memref<1000x128xf32, #tpu.memory_space<vmem>>, vector<16xf32>,
      %mul3A_314 = arith.constant 4 : i32
      %mul3A_315 = arith.muli %scan3A_271, %mul3A_314 : i32
      %add3A_316 = arith.constant 0 : i32
      %add3A_317 = arith.addi %mul3A_315, %add3A_316 : i32
      %swap3A_318 = arith.index_cast %add3A_317 : i32 to index
      %swap3A_319 = arith.constant 96 : index
      %swap3A_320 = tpu.vector_load %arg11[%swap3A_318, %swap3A_319] {strides = array<i32>} : memref<1000x128xf32, #tpu.memory_space<vmem>>, vector<16xf32>,
      tpu.vector_store %arg11[%swap3A_318, %swap3A_319], %broadcast_in_dim3A_3 {strides = array<i32>} : memref<1000x128xf32, #tpu.memory_space<vmem>>, vector<16xf32>,
      %mul3A_321 = arith.constant 4 : i32
      %mul3A_322 = arith.muli %scan3A_271, %mul3A_321 : i32
      %add3A_323 = arith.constant 0 : i32
      %add3A_324 = arith.addi %mul3A_322, %add3A_323 : i32
      %swap3A_325 = arith.index_cast %add3A_324 : i32 to index
      %swap3A_326 = arith.constant 112 : index
      %swap3A_327 = tpu.vector_load %arg11[%swap3A_325, %swap3A_326] {strides = array<i32>} : memref<1000x128xf32, #tpu.memory_space<vmem>>, vector<16xf32>,
      tpu.vector_store %arg11[%swap3A_325, %swap3A_326], %broadcast_in_dim3A_3 {strides = array<i32>} : memref<1000x128xf32, #tpu.memory_space<vmem>>, vector<16xf32>,
      %mul3A_328 = arith.constant 4 : i32
      %mul3A_329 = arith.muli %scan3A_271, %mul3A_328 : i32
      %add3A_330 = arith.constant 1 : i32
      %add3A_331 = arith.addi %mul3A_329, %add3A_330 : i32
      %swap3A_332 = arith.index_cast %add3A_331 : i32 to index
      %swap3A_333 = arith.constant 0 : index
      %swap3A_334 = tpu.vector_load %arg11[%swap3A_332, %swap3A_333] {strides = array<i32>} : memref<1000x128xf32, #tpu.memory_space<vmem>>, vector<16xf32>,
      tpu.vector_store %arg11[%swap3A_332, %swap3A_333], %broadcast_in_dim3A_3 {strides = array<i32>} : memref<1000x128xf32, #tpu.memory_space<vmem>>, vector<16xf32>,
      %mul3A_335 = arith.constant 4 : i32
      %mul3A_336 = arith.muli %scan3A_271, %mul3A_335 : i32
      %add3A_337 = arith.constant 1 : i32
      %add3A_338 = arith.addi %mul3A_336, %add3A_337 : i32
      %swap3A_339 = arith.index_cast %add3A_338 : i32 to index
      %swap3A_340 = arith.constant 16 : index
      %swap3A_341 = tpu.vector_load %arg11[%swap3A_339, %swap3A_340] {strides = array<i32>} : memref<1000x128xf32, #tpu.memory_space<vmem>>, vector<16xf32>,
      tpu.vector_store %arg11[%swap3A_339, %swap3A_340], %broadcast_in_dim3A_3 {strides = array<i32>} : memref<1000x128xf32, #tpu.memory_space<vmem>>, vector<16xf32>,
      %mul3A_342 = arith.constant 4 : i32
      %mul3A_343 = arith.muli %scan3A_271, %mul3A_342 : i32
      %add3A_344 = arith.constant 1 : i32
      %add3A_345 = arith.addi %mul3A_343, %add3A_344 : i32
      %swap3A_346 = arith.index_cast %add3A_345 : i32 to index
      %swap3A_347 = arith.constant 32 : index
      %swap3A_348 = tpu.vector_load %arg11[%swap3A_346, %swap3A_347] {strides = array<i32>} : memref<1000x128xf32, #tpu.memory_space<vmem>>, vector<16xf32>,
      tpu.vector_store %arg11[%swap3A_346, %swap3A_347], %broadcast_in_dim3A_3 {strides = array<i32>} : memref<1000x128xf32, #tpu.memory_space<vmem>>, vector<16xf32>,
      %mul3A_349 = arith.constant 4 : i32
      %mul3A_350 = arith.muli %scan3A_271, %mul3A_349 : i32
      %add3A_351 = arith.constant 1 : i32
      %add3A_352 = arith.addi %mul3A_350, %add3A_351 : i32
      %swap3A_353 = arith.index_cast %add3A_352 : i32 to index
      %swap3A_354 = arith.constant 48 : index
      %swap3A_355 = tpu.vector_load %arg11[%swap3A_353, %swap3A_354] {strides = array<i32>} : memref<1000x128xf32, #tpu.memory_space<vmem>>, vector<16xf32>,
      tpu.vector_store %arg11[%swap3A_353, %swap3A_354], %broadcast_in_dim3A_3 {strides = array<i32>} : memref<1000x128xf32, #tpu.memory_space<vmem>>, vector<16xf32>,
      %mul3A_356 = arith.constant 4 : i32
      %mul3A_357 = arith.muli %scan3A_271, %mul3A_356 : i32
      %add3A_358 = arith.constant 1 : i32
      %add3A_359 = arith.addi %mul3A_357, %add3A_358 : i32
      %swap3A_360 = arith.index_cast %add3A_359 : i32 to index
      %swap3A_361 = arith.constant 64 : index
      %swap3A_362 = tpu.vector_load %arg11[%swap3A_360, %swap3A_361] {strides = array<i32>} : memref<1000x128xf32, #tpu.memory_space<vmem>>, vector<16xf32>,
      tpu.vector_store %arg11[%swap3A_360, %swap3A_361], %broadcast_in_dim3A_3 {strides = array<i32>} : memref<1000x128xf32, #tpu.memory_space<vmem>>, vector<16xf32>,
      %mul3A_363 = arith.constant 4 : i32
      %mul3A_364 = arith.muli %scan3A_271, %mul3A_363 : i32
      %add3A_365 = arith.constant 1 : i32
      %add3A_366 = arith.addi %mul3A_364, %add3A_365 : i32
      %swap3A_367 = arith.index_cast %add3A_366 : i32 to index
      %swap3A_368 = arith.constant 80 : index
      %swap3A_369 = tpu.vector_load %arg11[%swap3A_367, %swap3A_368] {strides = array<i32>} : memref<1000x128xf32, #tpu.memory_space<vmem>>, vector<16xf32>,
      tpu.vector_store %arg11[%swap3A_367, %swap3A_368], %broadcast_in_dim3A_3 {strides = array<i32>} : memref<1000x128xf32, #tpu.memory_space<vmem>>, vector<16xf32>,
      %mul3A_370 = arith.constant 4 : i32
      %mul3A_371 = arith.muli %scan3A_271, %mul3A_370 : i32
      %add3A_372 = arith.constant 1 : i32
      %add3A_373 = arith.addi %mul3A_371, %add3A_372 : i32
      %swap3A_374 = arith.index_cast %add3A_373 : i32 to index
      %swap3A_375 = arith.constant 96 : index
      %swap3A_376 = tpu.vector_load %arg11[%swap3A_374, %swap3A_375] {strides = array<i32>} : memref<1000x128xf32, #tpu.memory_space<vmem>>, vector<16xf32>,
      tpu.vector_store %arg11[%swap3A_374, %swap3A_375], %broadcast_in_dim3A_3 {strides = array<i32>} : memref<1000x128xf32, #tpu.memory_space<vmem>>, vector<16xf32>,
      %mul3A_377 = arith.constant 4 : i32
      %mul3A_378 = arith.muli %scan3A_271, %mul3A_377 : i32
      %add3A_379 = arith.constant 1 : i32
      %add3A_380 = arith.addi %mul3A_378, %add3A_379 : i32
      %swap3A_381 = arith.index_cast %add3A_380 : i32 to index
      %swap3A_382 = arith.constant 112 : index
      %swap3A_383 = tpu.vector_load %arg11[%swap3A_381, %swap3A_382] {strides = array<i32>} : memref<1000x128xf32, #tpu.memory_space<vmem>>, vector<16xf32>,
      tpu.vector_store %arg11[%swap3A_381, %swap3A_382], %broadcast_in_dim3A_3 {strides = array<i32>} : memref<1000x128xf32, #tpu.memory_space<vmem>>, vector<16xf32>,
      %mul3A_384 = arith.constant 4 : i32
      %mul3A_385 = arith.muli %scan3A_271, %mul3A_384 : i32
      %add3A_386 = arith.constant 2 : i32
      %add3A_387 = arith.addi %mul3A_385, %add3A_386 : i32
      %swap3A_388 = arith.index_cast %add3A_387 : i32 to index
      %swap3A_389 = arith.constant 0 : index
      %swap3A_390 = tpu.vector_load %arg11[%swap3A_388, %swap3A_389] {strides = array<i32>} : memref<1000x128xf32, #tpu.memory_space<vmem>>, vector<16xf32>,
      tpu.vector_store %arg11[%swap3A_388, %swap3A_389], %broadcast_in_dim3A_3 {strides = array<i32>} : memref<1000x128xf32, #tpu.memory_space<vmem>>, vector<16xf32>,
      %mul3A_391 = arith.constant 4 : i32
      %mul3A_392 = arith.muli %scan3A_271, %mul3A_391 : i32
      %add3A_393 = arith.constant 2 : i32
      %add3A_394 = arith.addi %mul3A_392, %add3A_393 : i32
      %swap3A_395 = arith.index_cast %add3A_394 : i32 to index
      %swap3A_396 = arith.constant 16 : index
      %swap3A_397 = tpu.vector_load %arg11[%swap3A_395, %swap3A_396] {strides = array<i32>} : memref<1000x128xf32, #tpu.memory_space<vmem>>, vector<16xf32>,
      tpu.vector_store %arg11[%swap3A_395, %swap3A_396], %broadcast_in_dim3A_3 {strides = array<i32>} : memref<1000x128xf32, #tpu.memory_space<vmem>>, vector<16xf32>,
      %mul3A_398 = arith.constant 4 : i32
      %mul3A_399 = arith.muli %scan3A_271, %mul3A_398 : i32
      %add3A_400 = arith.constant 2 : i32
      %add3A_401 = arith.addi %mul3A_399, %add3A_400 : i32
      %swap3A_402 = arith.index_cast %add3A_401 : i32 to index
      %swap3A_403 = arith.constant 32 : index
      %swap3A_404 = tpu.vector_load %arg11[%swap3A_402, %swap3A_403] {strides = array<i32>} : memref<1000x128xf32, #tpu.memory_space<vmem>>, vector<16xf32>,
      tpu.vector_store %arg11[%swap3A_402, %swap3A_403], %broadcast_in_dim3A_3 {strides = array<i32>} : memref<1000x128xf32, #tpu.memory_space<vmem>>, vector<16xf32>,
      %mul3A_405 = arith.constant 4 : i32
      %mul3A_406 = arith.muli %scan3A_271, %mul3A_405 : i32
      %add3A_407 = arith.constant 2 : i32
      %add3A_408 = arith.addi %mul3A_406, %add3A_407 : i32
      %swap3A_409 = arith.index_cast %add3A_408 : i32 to index
      %swap3A_410 = arith.constant 48 : index
      %swap3A_411 = tpu.vector_load %arg11[%swap3A_409, %swap3A_410] {strides = array<i32>} : memref<1000x128xf32, #tpu.memory_space<vmem>>, vector<16xf32>,
      tpu.vector_store %arg11[%swap3A_409, %swap3A_410], %broadcast_in_dim3A_3 {strides = array<i32>} : memref<1000x128xf32, #tpu.memory_space<vmem>>, vector<16xf32>,
      %mul3A_412 = arith.constant 4 : i32
      %mul3A_413 = arith.muli %scan3A_271, %mul3A_412 : i32
      %add3A_414 = arith.constant 2 : i32
      %add3A_415 = arith.addi %mul3A_413, %add3A_414 : i32
      %swap3A_416 = arith.index_cast %add3A_415 : i32 to index
      %swap3A_417 = arith.constant 64 : index
      %swap3A_418 = tpu.vector_load %arg11[%swap3A_416, %swap3A_417] {strides = array<i32>} : memref<1000x128xf32, #tpu.memory_space<vmem>>, vector<16xf32>,
      tpu.vector_store %arg11[%swap3A_416, %swap3A_417], %broadcast_in_dim3A_3 {strides = array<i32>} : memref<1000x128xf32, #tpu.memory_space<vmem>>, vector<16xf32>,
      %mul3A_419 = arith.constant 4 : i32
      %mul3A_420 = arith.muli %scan3A_271, %mul3A_419 : i32
      %add3A_421 = arith.constant 2 : i32
      %add3A_422 = arith.addi %mul3A_420, %add3A_421 : i32
      %swap3A_423 = arith.index_cast %add3A_422 : i32 to index
      %swap3A_424 = arith.constant 80 : index
      %swap3A_425 = tpu.vector_load %arg11[%swap3A_423, %swap3A_424] {strides = array<i32>} : memref<1000x128xf32, #tpu.memory_space<vmem>>, vector<16xf32>,
      tpu.vector_store %arg11[%swap3A_423, %swap3A_424], %broadcast_in_dim3A_3 {strides = array<i32>} : memref<1000x128xf32, #tpu.memory_space<vmem>>, vector<16xf32>,
      %mul3A_426 = arith.constant 4 : i32
      %mul3A_427 = arith.muli %scan3A_271, %mul3A_426 : i32
      %add3A_428 = arith.constant 2 : i32
      %add3A_429 = arith.addi %mul3A_427, %add3A_428 : i32
      %swap3A_430 = arith.index_cast %add3A_429 : i32 to index
      %swap3A_431 = arith.constant 96 : index
      %swap3A_432 = tpu.vector_load %arg11[%swap3A_430, %swap3A_431] {strides = array<i32>} : memref<1000x128xf32, #tpu.memory_space<vmem>>, vector<16xf32>,
      tpu.vector_store %arg11[%swap3A_430, %swap3A_431], %broadcast_in_dim3A_3 {strides = array<i32>} : memref<1000x128xf32, #tpu.memory_space<vmem>>, vector<16xf32>,
      %mul3A_433 = arith.constant 4 : i32
      %mul3A_434 = arith.muli %scan3A_271, %mul3A_433 : i32
      %add3A_435 = arith.constant 2 : i32
      %add3A_436 = arith.addi %mul3A_434, %add3A_435 : i32
      %swap3A_437 = arith.index_cast %add3A_436 : i32 to index
      %swap3A_438 = arith.constant 112 : index
      %swap3A_439 = tpu.vector_load %arg11[%swap3A_437, %swap3A_438] {strides = array<i32>} : memref<1000x128xf32, #tpu.memory_space<vmem>>, vector<16xf32>,
      tpu.vector_store %arg11[%swap3A_437, %swap3A_438], %broadcast_in_dim3A_3 {strides = array<i32>} : memref<1000x128xf32, #tpu.memory_space<vmem>>, vector<16xf32>,
      %mul3A_440 = arith.constant 4 : i32
      %mul3A_441 = arith.muli %scan3A_271, %mul3A_440 : i32
      %add3A_442 = arith.constant 3 : i32
      %add3A_443 = arith.addi %mul3A_441, %add3A_442 : i32
      %swap3A_444 = arith.index_cast %add3A_443 : i32 to index
      %swap3A_445 = arith.constant 0 : index
      %swap3A_446 = tpu.vector_load %arg11[%swap3A_444, %swap3A_445] {strides = array<i32>} : memref<1000x128xf32, #tpu.memory_space<vmem>>, vector<16xf32>,
      tpu.vector_store %arg11[%swap3A_444, %swap3A_445], %broadcast_in_dim3A_3 {strides = array<i32>} : memref<1000x128xf32, #tpu.memory_space<vmem>>, vector<16xf32>,
      %mul3A_447 = arith.constant 4 : i32
      %mul3A_448 = arith.muli %scan3A_271, %mul3A_447 : i32
      %add3A_449 = arith.constant 3 : i32
      %add3A_450 = arith.addi %mul3A_448, %add3A_449 : i32
      %swap3A_451 = arith.index_cast %add3A_450 : i32 to index
      %swap3A_452 = arith.constant 16 : index
      %swap3A_453 = tpu.vector_load %arg11[%swap3A_451, %swap3A_452] {strides = array<i32>} : memref<1000x128xf32, #tpu.memory_space<vmem>>, vector<16xf32>,
      tpu.vector_store %arg11[%swap3A_451, %swap3A_452], %broadcast_in_dim3A_3 {strides = array<i32>} : memref<1000x128xf32, #tpu.memory_space<vmem>>, vector<16xf32>,
      %mul3A_454 = arith.constant 4 : i32
      %mul3A_455 = arith.muli %scan3A_271, %mul3A_454 : i32
      %add3A_456 = arith.constant 3 : i32
      %add3A_457 = arith.addi %mul3A_455, %add3A_456 : i32
      %swap3A_458 = arith.index_cast %add3A_457 : i32 to index
      %swap3A_459 = arith.constant 32 : index
      %swap3A_460 = tpu.vector_load %arg11[%swap3A_458, %swap3A_459] {strides = array<i32>} : memref<1000x128xf32, #tpu.memory_space<vmem>>, vector<16xf32>,
      tpu.vector_store %arg11[%swap3A_458, %swap3A_459], %broadcast_in_dim3A_3 {strides = array<i32>} : memref<1000x128xf32, #tpu.memory_space<vmem>>, vector<16xf32>,
      %mul3A_461 = arith.constant 4 : i32
      %mul3A_462 = arith.muli %scan3A_271, %mul3A_461 : i32
      %add3A_463 = arith.constant 3 : i32
      %add3A_464 = arith.addi %mul3A_462, %add3A_463 : i32
      %swap3A_465 = arith.index_cast %add3A_464 : i32 to index
      %swap3A_466 = arith.constant 48 : index
      %swap3A_467 = tpu.vector_load %arg11[%swap3A_465, %swap3A_466] {strides = array<i32>} : memref<1000x128xf32, #tpu.memory_space<vmem>>, vector<16xf32>,
      tpu.vector_store %arg11[%swap3A_465, %swap3A_466], %broadcast_in_dim3A_3 {strides = array<i32>} : memref<1000x128xf32, #tpu.memory_space<vmem>>, vector<16xf32>,
      %mul3A_468 = arith.constant 4 : i32
      %mul3A_469 = arith.muli %scan3A_271, %mul3A_468 : i32
      %add3A_470 = arith.constant 3 : i32
      %add3A_471 = arith.addi %mul3A_469, %add3A_470 : i32
      %swap3A_472 = arith.index_cast %add3A_471 : i32 to index
      %swap3A_473 = arith.constant 64 : index
      %swap3A_474 = tpu.vector_load %arg11[%swap3A_472, %swap3A_473] {strides = array<i32>} : memref<1000x128xf32, #tpu.memory_space<vmem>>, vector<16xf32>,
      tpu.vector_store %arg11[%swap3A_472, %swap3A_473], %broadcast_in_dim3A_3 {strides = array<i32>} : memref<1000x128xf32, #tpu.memory_space<vmem>>, vector<16xf32>,
      %mul3A_475 = arith.constant 4 : i32
      %mul3A_476 = arith.muli %scan3A_271, %mul3A_475 : i32
      %add3A_477 = arith.constant 3 : i32
      %add3A_478 = arith.addi %mul3A_476, %add3A_477 : i32
      %swap3A_479 = arith.index_cast %add3A_478 : i32 to index
      %swap3A_480 = arith.constant 80 : index
      %swap3A_481 = tpu.vector_load %arg11[%swap3A_479, %swap3A_480] {strides = array<i32>} : memref<1000x128xf32, #tpu.memory_space<vmem>>, vector<16xf32>,
      tpu.vector_store %arg11[%swap3A_479, %swap3A_480], %broadcast_in_dim3A_3 {strides = array<i32>} : memref<1000x128xf32, #tpu.memory_space<vmem>>, vector<16xf32>,
      %mul3A_482 = arith.constant 4 : i32
      %mul3A_483 = arith.muli %scan3A_271, %mul3A_482 : i32
      %add3A_484 = arith.constant 3 : i32
      %add3A_485 = arith.addi %mul3A_483, %add3A_484 : i32
      %swap3A_486 = arith.index_cast %add3A_485 : i32 to index
      %swap3A_487 = arith.constant 96 : index
      %swap3A_488 = tpu.vector_load %arg11[%swap3A_486, %swap3A_487] {strides = array<i32>} : memref<1000x128xf32, #tpu.memory_space<vmem>>, vector<16xf32>,
      tpu.vector_store %arg11[%swap3A_486, %swap3A_487], %broadcast_in_dim3A_3 {strides = array<i32>} : memref<1000x128xf32, #tpu.memory_space<vmem>>, vector<16xf32>,
      %mul3A_489 = arith.constant 4 : i32
      %mul3A_490 = arith.muli %scan3A_271, %mul3A_489 : i32
      %add3A_491 = arith.constant 3 : i32
      %add3A_492 = arith.addi %mul3A_490, %add3A_491 : i32
      %swap3A_493 = arith.index_cast %add3A_492 : i32 to index
      %swap3A_494 = arith.constant 112 : index
      %swap3A_495 = tpu.vector_load %arg11[%swap3A_493, %swap3A_494] {strides = array<i32>} : memref<1000x128xf32, #tpu.memory_space<vmem>>, vector<16xf32>,
      tpu.vector_store %arg11[%swap3A_493, %swap3A_494], %broadcast_in_dim3A_3 {strides = array<i32>} : memref<1000x128xf32, #tpu.memory_space<vmem>>, vector<16xf32>,
    }
    %scan3A_14 = arith.constant 250 : i32
    tpu.wait_dma2 semaphore(%arg14 : memref<!tpu.dma_semaphore, #tpu.memory_space<semaphore_mem>>) src(%arg5 : memref<1008xf32, #tpu.memory_space<hbm>>) dst(%arg10 : memref<1008xf32, #tpu.memory_space<vmem>>)
    %dma_wait3A = tpu.memref_slice %arg4[%mul3A_8] : memref<204800xi32, #tpu.memory_space<hbm>> -> memref<800xi32, #tpu.memory_space<hbm>>
    %dma_wait3A_15 = tpu.memref_slice %arg4[%mul3A_8] : memref<204800xi32, #tpu.memory_space<hbm>> -> memref<800xi32, #tpu.memory_space<hbm>>
    tpu.wait_dma2 semaphore(%arg12 : memref<!tpu.dma_semaphore, #tpu.memory_space<semaphore_mem>>) src(%dma_wait3A_15 : memref<800xi32, #tpu.memory_space<hbm>>) dst(%arg8 : memref<800xi32, #tpu.memory_space<vmem>>)
    %add3A_16 = arith.constant 16 : i32
    %add3A_17 = arith.addi %mul3A_2, %add3A_16 : i32
    %mul3A_18 = arith.constant 50 : i32
    %mul3A_19 = arith.muli %add3A_17, %mul3A_18 : i32
    %dma_start3A_20 = tpu.memref_slice %arg4[%mul3A_19] : memref<204800xi32, #tpu.memory_space<hbm>> -> memref<800xi32, #tpu.memory_space<hbm>>
    %dma_start3A_21 = tpu.memref_slice %arg4[%mul3A_19] : memref<204800xi32, #tpu.memory_space<hbm>> -> memref<800xi32, #tpu.memory_space<hbm>>
    tpu.enqueue_dma source(%dma_start3A_21 : memref<800xi32, #tpu.memory_space<hbm>>) target(%arg9 : memref<800xi32, #tpu.memory_space<vmem>>) target_semaphore(%arg13 : memref<!tpu.dma_semaphore, #tpu.memory_space<semaphore_mem>>)
    %add3A_22 = arith.constant 0 : i32
    %add3A_23 = vector.broadcast %add3A_22 : i32 to vector<16xi32>
    %add3A_24 = arith.addi %add3A_23, %iota3A : vector<16xi32>
    %scan3A_25 = arith.constant 0 : i32
    %scan3A_26 = arith.constant 0 : i32
    %scan3A_27 = arith.constant 10 : i32
    %scan3A_28 = arith.addi %scan3A_26, %scan3A_27 : i32
    %scan3A_29 = arith.constant 1 : i32
    scf.for %scan3A_271 = %scan3A_26 to %scan3A_28 step %scan3A_29  : i32 {
      %mul3A_272 = arith.constant 5 : i32
      %mul3A_273 = arith.muli %scan3A_271, %mul3A_272 : i32
      %add3A_274 = arith.constant 0 : i32
      %add3A_275 = arith.addi %mul3A_273, %add3A_274 : i32
      %add3A_276 = vector.broadcast %add3A_275 : i32 to vector<16xi32>
      %add3A_277 = arith.addi %mul3A_6, %add3A_276 : vector<16xi32>
      %gather3A = tpu.vector_load_idx %arg8[%add3A_277] : memref<800xi32, #tpu.memory_space<vmem>>[vector<16xi32>], vector<16xi32>,
      %gather3A_278 = tpu.vector_load_idx %arg10[%gather3A] : memref<1008xf32, #tpu.memory_space<vmem>>[vector<16xi32>], vector<16xf32>,
      tpu.vector_store_idx %arg11[%gather3A, %add3A_24], %gather3A_278 {add = true} : memref<1000x128xf32, #tpu.memory_space<vmem>>[vector<16xi32>, vector<16xi32>], vector<16xf32>,
      %mul3A_279 = arith.constant 5 : i32
      %mul3A_280 = arith.muli %scan3A_271, %mul3A_279 : i32
      %add3A_281 = arith.constant 1 : i32
      %add3A_282 = arith.addi %mul3A_280, %add3A_281 : i32
      %add3A_283 = vector.broadcast %add3A_282 : i32 to vector<16xi32>
      %add3A_284 = arith.addi %mul3A_6, %add3A_283 : vector<16xi32>
      %gather3A_285 = tpu.vector_load_idx %arg8[%add3A_284] : memref<800xi32, #tpu.memory_space<vmem>>[vector<16xi32>], vector<16xi32>,
      %gather3A_286 = tpu.vector_load_idx %arg10[%gather3A_285] : memref<1008xf32, #tpu.memory_space<vmem>>[vector<16xi32>], vector<16xf32>,
      tpu.vector_store_idx %arg11[%gather3A_285, %add3A_24], %gather3A_286 {add = true} : memref<1000x128xf32, #tpu.memory_space<vmem>>[vector<16xi32>, vector<16xi32>], vector<16xf32>,
      %mul3A_287 = arith.constant 5 : i32
      %mul3A_288 = arith.muli %scan3A_271, %mul3A_287 : i32
      %add3A_289 = arith.constant 2 : i32
      %add3A_290 = arith.addi %mul3A_288, %add3A_289 : i32
      %add3A_291 = vector.broadcast %add3A_290 : i32 to vector<16xi32>
      %add3A_292 = arith.addi %mul3A_6, %add3A_291 : vector<16xi32>
      %gather3A_293 = tpu.vector_load_idx %arg8[%add3A_292] : memref<800xi32, #tpu.memory_space<vmem>>[vector<16xi32>], vector<16xi32>,
      %gather3A_294 = tpu.vector_load_idx %arg10[%gather3A_293] : memref<1008xf32, #tpu.memory_space<vmem>>[vector<16xi32>], vector<16xf32>,
      tpu.vector_store_idx %arg11[%gather3A_293, %add3A_24], %gather3A_294 {add = true} : memref<1000x128xf32, #tpu.memory_space<vmem>>[vector<16xi32>, vector<16xi32>], vector<16xf32>,
      %mul3A_295 = arith.constant 5 : i32
      %mul3A_296 = arith.muli %scan3A_271, %mul3A_295 : i32
      %add3A_297 = arith.constant 3 : i32
      %add3A_298 = arith.addi %mul3A_296, %add3A_297 : i32
      %add3A_299 = vector.broadcast %add3A_298 : i32 to vector<16xi32>
      %add3A_300 = arith.addi %mul3A_6, %add3A_299 : vector<16xi32>
      %gather3A_301 = tpu.vector_load_idx %arg8[%add3A_300] : memref<800xi32, #tpu.memory_space<vmem>>[vector<16xi32>], vector<16xi32>,
      %gather3A_302 = tpu.vector_load_idx %arg10[%gather3A_301] : memref<1008xf32, #tpu.memory_space<vmem>>[vector<16xi32>], vector<16xf32>,
      tpu.vector_store_idx %arg11[%gather3A_301, %add3A_24], %gather3A_302 {add = true} : memref<1000x128xf32, #tpu.memory_space<vmem>>[vector<16xi32>, vector<16xi32>], vector<16xf32>,
      %mul3A_303 = arith.constant 5 : i32
      %mul3A_304 = arith.muli %scan3A_271, %mul3A_303 : i32
      %add3A_305 = arith.constant 4 : i32
      %add3A_306 = arith.addi %mul3A_304, %add3A_305 : i32
      %add3A_307 = vector.broadcast %add3A_306 : i32 to vector<16xi32>
      %add3A_308 = arith.addi %mul3A_6, %add3A_307 : vector<16xi32>
      %gather3A_309 = tpu.vector_load_idx %arg8[%add3A_308] : memref<800xi32, #tpu.memory_space<vmem>>[vector<16xi32>], vector<16xi32>,
      %gather3A_310 = tpu.vector_load_idx %arg10[%gather3A_309] : memref<1008xf32, #tpu.memory_space<vmem>>[vector<16xi32>], vector<16xf32>,
      tpu.vector_store_idx %arg11[%gather3A_309, %add3A_24], %gather3A_310 {add = true} : memref<1000x128xf32, #tpu.memory_space<vmem>>[vector<16xi32>, vector<16xi32>], vector<16xf32>,
    }
    %scan3A_30 = arith.constant 10 : i32
    %dma_wait3A_31 = tpu.memref_slice %arg4[%mul3A_19] : memref<204800xi32, #tpu.memory_space<hbm>> -> memref<800xi32, #tpu.memory_space<hbm>>
    %dma_wait3A_32 = tpu.memref_slice %arg4[%mul3A_19] : memref<204800xi32, #tpu.memory_space<hbm>> -> memref<800xi32, #tpu.memory_space<hbm>>
    tpu.wait_dma2 semaphore(%arg13 : memref<!tpu.dma_semaphore, #tpu.memory_space<semaphore_mem>>) src(%dma_wait3A_32 : memref<800xi32, #tpu.memory_space<hbm>>) dst(%arg9 : memref<800xi32, #tpu.memory_space<vmem>>)
    %add3A_33 = arith.constant 32 : i32
    %add3A_34 = arith.addi %mul3A_2, %add3A_33 : i32
    %mul3A_35 = arith.constant 50 : i32
    %mul3A_36 = arith.muli %add3A_34, %mul3A_35 : i32
    %dma_start3A_37 = tpu.memref_slice %arg4[%mul3A_36] : memref<204800xi32, #tpu.memory_space<hbm>> -> memref<800xi32, #tpu.memory_space<hbm>>
    %dma_start3A_38 = tpu.memref_slice %arg4[%mul3A_36] : memref<204800xi32, #tpu.memory_space<hbm>> -> memref<800xi32, #tpu.memory_space<hbm>>
    tpu.enqueue_dma source(%dma_start3A_38 : memref<800xi32, #tpu.memory_space<hbm>>) target(%arg8 : memref<800xi32, #tpu.memory_space<vmem>>) target_semaphore(%arg12 : memref<!tpu.dma_semaphore, #tpu.memory_space<semaphore_mem>>)
    %add3A_39 = arith.constant 16 : i32
    %add3A_40 = vector.broadcast %add3A_39 : i32 to vector<16xi32>
    %add3A_41 = arith.addi %add3A_40, %iota3A : vector<16xi32>
    %scan3A_42 = arith.constant 0 : i32
    %scan3A_43 = arith.constant 0 : i32
    %scan3A_44 = arith.constant 10 : i32
    %scan3A_45 = arith.addi %scan3A_43, %scan3A_44 : i32
    %scan3A_46 = arith.constant 1 : i32
    scf.for %scan3A_271 = %scan3A_43 to %scan3A_45 step %scan3A_46  : i32 {
      %mul3A_272 = arith.constant 5 : i32
      %mul3A_273 = arith.muli %scan3A_271, %mul3A_272 : i32
      %add3A_274 = arith.constant 0 : i32
      %add3A_275 = arith.addi %mul3A_273, %add3A_274 : i32
      %add3A_276 = vector.broadcast %add3A_275 : i32 to vector<16xi32>
      %add3A_277 = arith.addi %mul3A_6, %add3A_276 : vector<16xi32>
      %gather3A = tpu.vector_load_idx %arg9[%add3A_277] : memref<800xi32, #tpu.memory_space<vmem>>[vector<16xi32>], vector<16xi32>,
      %gather3A_278 = tpu.vector_load_idx %arg10[%gather3A] : memref<1008xf32, #tpu.memory_space<vmem>>[vector<16xi32>], vector<16xf32>,
      tpu.vector_store_idx %arg11[%gather3A, %add3A_41], %gather3A_278 {add = true} : memref<1000x128xf32, #tpu.memory_space<vmem>>[vector<16xi32>, vector<16xi32>], vector<16xf32>,
      %mul3A_279 = arith.constant 5 : i32
      %mul3A_280 = arith.muli %scan3A_271, %mul3A_279 : i32
      %add3A_281 = arith.constant 1 : i32
      %add3A_282 = arith.addi %mul3A_280, %add3A_281 : i32
      %add3A_283 = vector.broadcast %add3A_282 : i32 to vector<16xi32>
      %add3A_284 = arith.addi %mul3A_6, %add3A_283 : vector<16xi32>
      %gather3A_285 = tpu.vector_load_idx %arg9[%add3A_284] : memref<800xi32, #tpu.memory_space<vmem>>[vector<16xi32>], vector<16xi32>,
      %gather3A_286 = tpu.vector_load_idx %arg10[%gather3A_285] : memref<1008xf32, #tpu.memory_space<vmem>>[vector<16xi32>], vector<16xf32>,
      tpu.vector_store_idx %arg11[%gather3A_285, %add3A_41], %gather3A_286 {add = true} : memref<1000x128xf32, #tpu.memory_space<vmem>>[vector<16xi32>, vector<16xi32>], vector<16xf32>,
      %mul3A_287 = arith.constant 5 : i32
      %mul3A_288 = arith.muli %scan3A_271, %mul3A_287 : i32
      %add3A_289 = arith.constant 2 : i32
      %add3A_290 = arith.addi %mul3A_288, %add3A_289 : i32
      %add3A_291 = vector.broadcast %add3A_290 : i32 to vector<16xi32>
      %add3A_292 = arith.addi %mul3A_6, %add3A_291 : vector<16xi32>
      %gather3A_293 = tpu.vector_load_idx %arg9[%add3A_292] : memref<800xi32, #tpu.memory_space<vmem>>[vector<16xi32>], vector<16xi32>,
      %gather3A_294 = tpu.vector_load_idx %arg10[%gather3A_293] : memref<1008xf32, #tpu.memory_space<vmem>>[vector<16xi32>], vector<16xf32>,
      tpu.vector_store_idx %arg11[%gather3A_293, %add3A_41], %gather3A_294 {add = true} : memref<1000x128xf32, #tpu.memory_space<vmem>>[vector<16xi32>, vector<16xi32>], vector<16xf32>,
      %mul3A_295 = arith.constant 5 : i32
      %mul3A_296 = arith.muli %scan3A_271, %mul3A_295 : i32
      %add3A_297 = arith.constant 3 : i32
      %add3A_298 = arith.addi %mul3A_296, %add3A_297 : i32
      %add3A_299 = vector.broadcast %add3A_298 : i32 to vector<16xi32>
      %add3A_300 = arith.addi %mul3A_6, %add3A_299 : vector<16xi32>
      %gather3A_301 = tpu.vector_load_idx %arg9[%add3A_300] : memref<800xi32, #tpu.memory_space<vmem>>[vector<16xi32>], vector<16xi32>,
      %gather3A_302 = tpu.vector_load_idx %arg10[%gather3A_301] : memref<1008xf32, #tpu.memory_space<vmem>>[vector<16xi32>], vector<16xf32>,
      tpu.vector_store_idx %arg11[%gather3A_301, %add3A_41], %gather3A_302 {add = true} : memref<1000x128xf32, #tpu.memory_space<vmem>>[vector<16xi32>, vector<16xi32>], vector<16xf32>,
      %mul3A_303 = arith.constant 5 : i32
      %mul3A_304 = arith.muli %scan3A_271, %mul3A_303 : i32
      %add3A_305 = arith.constant 4 : i32
      %add3A_306 = arith.addi %mul3A_304, %add3A_305 : i32
      %add3A_307 = vector.broadcast %add3A_306 : i32 to vector<16xi32>
      %add3A_308 = arith.addi %mul3A_6, %add3A_307 : vector<16xi32>
      %gather3A_309 = tpu.vector_load_idx %arg9[%add3A_308] : memref<800xi32, #tpu.memory_space<vmem>>[vector<16xi32>], vector<16xi32>,
      %gather3A_310 = tpu.vector_load_idx %arg10[%gather3A_309] : memref<1008xf32, #tpu.memory_space<vmem>>[vector<16xi32>], vector<16xf32>,
      tpu.vector_store_idx %arg11[%gather3A_309, %add3A_41], %gather3A_310 {add = true} : memref<1000x128xf32, #tpu.memory_space<vmem>>[vector<16xi32>, vector<16xi32>], vector<16xf32>,
    }
    %scan3A_47 = arith.constant 10 : i32
    %dma_wait3A_48 = tpu.memref_slice %arg4[%mul3A_36] : memref<204800xi32, #tpu.memory_space<hbm>> -> memref<800xi32, #tpu.memory_space<hbm>>
    %dma_wait3A_49 = tpu.memref_slice %arg4[%mul3A_36] : memref<204800xi32, #tpu.memory_space<hbm>> -> memref<800xi32, #tpu.memory_space<hbm>>
    tpu.wait_dma2 semaphore(%arg12 : memref<!tpu.dma_semaphore, #tpu.memory_space<semaphore_mem>>) src(%dma_wait3A_49 : memref<800xi32, #tpu.memory_space<hbm>>) dst(%arg8 : memref<800xi32, #tpu.memory_space<vmem>>)
    %add3A_50 = arith.constant 48 : i32
    %add3A_51 = arith.addi %mul3A_2, %add3A_50 : i32
    %mul3A_52 = arith.constant 50 : i32
    %mul3A_53 = arith.muli %add3A_51, %mul3A_52 : i32
    %dma_start3A_54 = tpu.memref_slice %arg4[%mul3A_53] : memref<204800xi32, #tpu.memory_space<hbm>> -> memref<800xi32, #tpu.memory_space<hbm>>
    %dma_start3A_55 = tpu.memref_slice %arg4[%mul3A_53] : memref<204800xi32, #tpu.memory_space<hbm>> -> memref<800xi32, #tpu.memory_space<hbm>>
    tpu.enqueue_dma source(%dma_start3A_55 : memref<800xi32, #tpu.memory_space<hbm>>) target(%arg9 : memref<800xi32, #tpu.memory_space<vmem>>) target_semaphore(%arg13 : memref<!tpu.dma_semaphore, #tpu.memory_space<semaphore_mem>>)
    %add3A_56 = arith.constant 32 : i32
    %add3A_57 = vector.broadcast %add3A_56 : i32 to vector<16xi32>
    %add3A_58 = arith.addi %add3A_57, %iota3A : vector<16xi32>
    %scan3A_59 = arith.constant 0 : i32
    %scan3A_60 = arith.constant 0 : i32
    %scan3A_61 = arith.constant 10 : i32
    %scan3A_62 = arith.addi %scan3A_60, %scan3A_61 : i32
    %scan3A_63 = arith.constant 1 : i32
    scf.for %scan3A_271 = %scan3A_60 to %scan3A_62 step %scan3A_63  : i32 {
      %mul3A_272 = arith.constant 5 : i32
      %mul3A_273 = arith.muli %scan3A_271, %mul3A_272 : i32
      %add3A_274 = arith.constant 0 : i32
      %add3A_275 = arith.addi %mul3A_273, %add3A_274 : i32
      %add3A_276 = vector.broadcast %add3A_275 : i32 to vector<16xi32>
      %add3A_277 = arith.addi %mul3A_6, %add3A_276 : vector<16xi32>
      %gather3A = tpu.vector_load_idx %arg8[%add3A_277] : memref<800xi32, #tpu.memory_space<vmem>>[vector<16xi32>], vector<16xi32>,
      %gather3A_278 = tpu.vector_load_idx %arg10[%gather3A] : memref<1008xf32, #tpu.memory_space<vmem>>[vector<16xi32>], vector<16xf32>,
      tpu.vector_store_idx %arg11[%gather3A, %add3A_58], %gather3A_278 {add = true} : memref<1000x128xf32, #tpu.memory_space<vmem>>[vector<16xi32>, vector<16xi32>], vector<16xf32>,
      %mul3A_279 = arith.constant 5 : i32
      %mul3A_280 = arith.muli %scan3A_271, %mul3A_279 : i32
      %add3A_281 = arith.constant 1 : i32
      %add3A_282 = arith.addi %mul3A_280, %add3A_281 : i32
      %add3A_283 = vector.broadcast %add3A_282 : i32 to vector<16xi32>
      %add3A_284 = arith.addi %mul3A_6, %add3A_283 : vector<16xi32>
      %gather3A_285 = tpu.vector_load_idx %arg8[%add3A_284] : memref<800xi32, #tpu.memory_space<vmem>>[vector<16xi32>], vector<16xi32>,
      %gather3A_286 = tpu.vector_load_idx %arg10[%gather3A_285] : memref<1008xf32, #tpu.memory_space<vmem>>[vector<16xi32>], vector<16xf32>,
      tpu.vector_store_idx %arg11[%gather3A_285, %add3A_58], %gather3A_286 {add = true} : memref<1000x128xf32, #tpu.memory_space<vmem>>[vector<16xi32>, vector<16xi32>], vector<16xf32>,
      %mul3A_287 = arith.constant 5 : i32
      %mul3A_288 = arith.muli %scan3A_271, %mul3A_287 : i32
      %add3A_289 = arith.constant 2 : i32
      %add3A_290 = arith.addi %mul3A_288, %add3A_289 : i32
      %add3A_291 = vector.broadcast %add3A_290 : i32 to vector<16xi32>
      %add3A_292 = arith.addi %mul3A_6, %add3A_291 : vector<16xi32>
      %gather3A_293 = tpu.vector_load_idx %arg8[%add3A_292] : memref<800xi32, #tpu.memory_space<vmem>>[vector<16xi32>], vector<16xi32>,
      %gather3A_294 = tpu.vector_load_idx %arg10[%gather3A_293] : memref<1008xf32, #tpu.memory_space<vmem>>[vector<16xi32>], vector<16xf32>,
      tpu.vector_store_idx %arg11[%gather3A_293, %add3A_58], %gather3A_294 {add = true} : memref<1000x128xf32, #tpu.memory_space<vmem>>[vector<16xi32>, vector<16xi32>], vector<16xf32>,
      %mul3A_295 = arith.constant 5 : i32
      %mul3A_296 = arith.muli %scan3A_271, %mul3A_295 : i32
      %add3A_297 = arith.constant 3 : i32
      %add3A_298 = arith.addi %mul3A_296, %add3A_297 : i32
      %add3A_299 = vector.broadcast %add3A_298 : i32 to vector<16xi32>
      %add3A_300 = arith.addi %mul3A_6, %add3A_299 : vector<16xi32>
      %gather3A_301 = tpu.vector_load_idx %arg8[%add3A_300] : memref<800xi32, #tpu.memory_space<vmem>>[vector<16xi32>], vector<16xi32>,
      %gather3A_302 = tpu.vector_load_idx %arg10[%gather3A_301] : memref<1008xf32, #tpu.memory_space<vmem>>[vector<16xi32>], vector<16xf32>,
      tpu.vector_store_idx %arg11[%gather3A_301, %add3A_58], %gather3A_302 {add = true} : memref<1000x128xf32, #tpu.memory_space<vmem>>[vector<16xi32>, vector<16xi32>], vector<16xf32>,
      %mul3A_303 = arith.constant 5 : i32
      %mul3A_304 = arith.muli %scan3A_271, %mul3A_303 : i32
      %add3A_305 = arith.constant 4 : i32
      %add3A_306 = arith.addi %mul3A_304, %add3A_305 : i32
      %add3A_307 = vector.broadcast %add3A_306 : i32 to vector<16xi32>
      %add3A_308 = arith.addi %mul3A_6, %add3A_307 : vector<16xi32>
      %gather3A_309 = tpu.vector_load_idx %arg8[%add3A_308] : memref<800xi32, #tpu.memory_space<vmem>>[vector<16xi32>], vector<16xi32>,
      %gather3A_310 = tpu.vector_load_idx %arg10[%gather3A_309] : memref<1008xf32, #tpu.memory_space<vmem>>[vector<16xi32>], vector<16xf32>,
      tpu.vector_store_idx %arg11[%gather3A_309, %add3A_58], %gather3A_310 {add = true} : memref<1000x128xf32, #tpu.memory_space<vmem>>[vector<16xi32>, vector<16xi32>], vector<16xf32>,
    }
    %scan3A_64 = arith.constant 10 : i32
    %dma_wait3A_65 = tpu.memref_slice %arg4[%mul3A_53] : memref<204800xi32, #tpu.memory_space<hbm>> -> memref<800xi32, #tpu.memory_space<hbm>>
    %dma_wait3A_66 = tpu.memref_slice %arg4[%mul3A_53] : memref<204800xi32, #tpu.memory_space<hbm>> -> memref<800xi32, #tpu.memory_space<hbm>>
    tpu.wait_dma2 semaphore(%arg13 : memref<!tpu.dma_semaphore, #tpu.memory_space<semaphore_mem>>) src(%dma_wait3A_66 : memref<800xi32, #tpu.memory_space<hbm>>) dst(%arg9 : memref<800xi32, #tpu.memory_space<vmem>>)
    %add3A_67 = arith.constant 64 : i32
    %add3A_68 = arith.addi %mul3A_2, %add3A_67 : i32
    %mul3A_69 = arith.constant 50 : i32
    %mul3A_70 = arith.muli %add3A_68, %mul3A_69 : i32
    %dma_start3A_71 = tpu.memref_slice %arg4[%mul3A_70] : memref<204800xi32, #tpu.memory_space<hbm>> -> memref<800xi32, #tpu.memory_space<hbm>>
    %dma_start3A_72 = tpu.memref_slice %arg4[%mul3A_70] : memref<204800xi32, #tpu.memory_space<hbm>> -> memref<800xi32, #tpu.memory_space<hbm>>
    tpu.enqueue_dma source(%dma_start3A_72 : memref<800xi32, #tpu.memory_space<hbm>>) target(%arg8 : memref<800xi32, #tpu.memory_space<vmem>>) target_semaphore(%arg12 : memref<!tpu.dma_semaphore, #tpu.memory_space<semaphore_mem>>)
    %add3A_73 = arith.constant 48 : i32
    %add3A_74 = vector.broadcast %add3A_73 : i32 to vector<16xi32>
    %add3A_75 = arith.addi %add3A_74, %iota3A : vector<16xi32>
    %scan3A_76 = arith.constant 0 : i32
    %scan3A_77 = arith.constant 0 : i32
    %scan3A_78 = arith.constant 10 : i32
    %scan3A_79 = arith.addi %scan3A_77, %scan3A_78 : i32
    %scan3A_80 = arith.constant 1 : i32
    scf.for %scan3A_271 = %scan3A_77 to %scan3A_79 step %scan3A_80  : i32 {
      %mul3A_272 = arith.constant 5 : i32
      %mul3A_273 = arith.muli %scan3A_271, %mul3A_272 : i32
      %add3A_274 = arith.constant 0 : i32
      %add3A_275 = arith.addi %mul3A_273, %add3A_274 : i32
      %add3A_276 = vector.broadcast %add3A_275 : i32 to vector<16xi32>
      %add3A_277 = arith.addi %mul3A_6, %add3A_276 : vector<16xi32>
      %gather3A = tpu.vector_load_idx %arg9[%add3A_277] : memref<800xi32, #tpu.memory_space<vmem>>[vector<16xi32>], vector<16xi32>,
      %gather3A_278 = tpu.vector_load_idx %arg10[%gather3A] : memref<1008xf32, #tpu.memory_space<vmem>>[vector<16xi32>], vector<16xf32>,
      tpu.vector_store_idx %arg11[%gather3A, %add3A_75], %gather3A_278 {add = true} : memref<1000x128xf32, #tpu.memory_space<vmem>>[vector<16xi32>, vector<16xi32>], vector<16xf32>,
      %mul3A_279 = arith.constant 5 : i32
      %mul3A_280 = arith.muli %scan3A_271, %mul3A_279 : i32
      %add3A_281 = arith.constant 1 : i32
      %add3A_282 = arith.addi %mul3A_280, %add3A_281 : i32
      %add3A_283 = vector.broadcast %add3A_282 : i32 to vector<16xi32>
      %add3A_284 = arith.addi %mul3A_6, %add3A_283 : vector<16xi32>
      %gather3A_285 = tpu.vector_load_idx %arg9[%add3A_284] : memref<800xi32, #tpu.memory_space<vmem>>[vector<16xi32>], vector<16xi32>,
      %gather3A_286 = tpu.vector_load_idx %arg10[%gather3A_285] : memref<1008xf32, #tpu.memory_space<vmem>>[vector<16xi32>], vector<16xf32>,
      tpu.vector_store_idx %arg11[%gather3A_285, %add3A_75], %gather3A_286 {add = true} : memref<1000x128xf32, #tpu.memory_space<vmem>>[vector<16xi32>, vector<16xi32>], vector<16xf32>,
      %mul3A_287 = arith.constant 5 : i32
      %mul3A_288 = arith.muli %scan3A_271, %mul3A_287 : i32
      %add3A_289 = arith.constant 2 : i32
      %add3A_290 = arith.addi %mul3A_288, %add3A_289 : i32
      %add3A_291 = vector.broadcast %add3A_290 : i32 to vector<16xi32>
      %add3A_292 = arith.addi %mul3A_6, %add3A_291 : vector<16xi32>
      %gather3A_293 = tpu.vector_load_idx %arg9[%add3A_292] : memref<800xi32, #tpu.memory_space<vmem>>[vector<16xi32>], vector<16xi32>,
      %gather3A_294 = tpu.vector_load_idx %arg10[%gather3A_293] : memref<1008xf32, #tpu.memory_space<vmem>>[vector<16xi32>], vector<16xf32>,
      tpu.vector_store_idx %arg11[%gather3A_293, %add3A_75], %gather3A_294 {add = true} : memref<1000x128xf32, #tpu.memory_space<vmem>>[vector<16xi32>, vector<16xi32>], vector<16xf32>,
      %mul3A_295 = arith.constant 5 : i32
      %mul3A_296 = arith.muli %scan3A_271, %mul3A_295 : i32
      %add3A_297 = arith.constant 3 : i32
      %add3A_298 = arith.addi %mul3A_296, %add3A_297 : i32
      %add3A_299 = vector.broadcast %add3A_298 : i32 to vector<16xi32>
      %add3A_300 = arith.addi %mul3A_6, %add3A_299 : vector<16xi32>
      %gather3A_301 = tpu.vector_load_idx %arg9[%add3A_300] : memref<800xi32, #tpu.memory_space<vmem>>[vector<16xi32>], vector<16xi32>,
      %gather3A_302 = tpu.vector_load_idx %arg10[%gather3A_301] : memref<1008xf32, #tpu.memory_space<vmem>>[vector<16xi32>], vector<16xf32>,
      tpu.vector_store_idx %arg11[%gather3A_301, %add3A_75], %gather3A_302 {add = true} : memref<1000x128xf32, #tpu.memory_space<vmem>>[vector<16xi32>, vector<16xi32>], vector<16xf32>,
      %mul3A_303 = arith.constant 5 : i32
      %mul3A_304 = arith.muli %scan3A_271, %mul3A_303 : i32
      %add3A_305 = arith.constant 4 : i32
      %add3A_306 = arith.addi %mul3A_304, %add3A_305 : i32
      %add3A_307 = vector.broadcast %add3A_306 : i32 to vector<16xi32>
      %add3A_308 = arith.addi %mul3A_6, %add3A_307 : vector<16xi32>
      %gather3A_309 = tpu.vector_load_idx %arg9[%add3A_308] : memref<800xi32, #tpu.memory_space<vmem>>[vector<16xi32>], vector<16xi32>,
      %gather3A_310 = tpu.vector_load_idx %arg10[%gather3A_309] : memref<1008xf32, #tpu.memory_space<vmem>>[vector<16xi32>], vector<16xf32>,
      tpu.vector_store_idx %arg11[%gather3A_309, %add3A_75], %gather3A_310 {add = true} : memref<1000x128xf32, #tpu.memory_space<vmem>>[vector<16xi32>, vector<16xi32>], vector<16xf32>,
    }
    %scan3A_81 = arith.constant 10 : i32
    %dma_wait3A_82 = tpu.memref_slice %arg4[%mul3A_70] : memref<204800xi32, #tpu.memory_space<hbm>> -> memref<800xi32, #tpu.memory_space<hbm>>
    %dma_wait3A_83 = tpu.memref_slice %arg4[%mul3A_70] : memref<204800xi32, #tpu.memory_space<hbm>> -> memref<800xi32, #tpu.memory_space<hbm>>
    tpu.wait_dma2 semaphore(%arg12 : memref<!tpu.dma_semaphore, #tpu.memory_space<semaphore_mem>>) src(%dma_wait3A_83 : memref<800xi32, #tpu.memory_space<hbm>>) dst(%arg8 : memref<800xi32, #tpu.memory_space<vmem>>)
    %add3A_84 = arith.constant 80 : i32
    %add3A_85 = arith.addi %mul3A_2, %add3A_84 : i32
    %mul3A_86 = arith.constant 50 : i32
    %mul3A_87 = arith.muli %add3A_85, %mul3A_86 : i32
    %dma_start3A_88 = tpu.memref_slice %arg4[%mul3A_87] : memref<204800xi32, #tpu.memory_space<hbm>> -> memref<800xi32, #tpu.memory_space<hbm>>
    %dma_start3A_89 = tpu.memref_slice %arg4[%mul3A_87] : memref<204800xi32, #tpu.memory_space<hbm>> -> memref<800xi32, #tpu.memory_space<hbm>>
    tpu.enqueue_dma source(%dma_start3A_89 : memref<800xi32, #tpu.memory_space<hbm>>) target(%arg9 : memref<800xi32, #tpu.memory_space<vmem>>) target_semaphore(%arg13 : memref<!tpu.dma_semaphore, #tpu.memory_space<semaphore_mem>>)
    %add3A_90 = arith.constant 64 : i32
    %add3A_91 = vector.broadcast %add3A_90 : i32 to vector<16xi32>
    %add3A_92 = arith.addi %add3A_91, %iota3A : vector<16xi32>
    %scan3A_93 = arith.constant 0 : i32
    %scan3A_94 = arith.constant 0 : i32
    %scan3A_95 = arith.constant 10 : i32
    %scan3A_96 = arith.addi %scan3A_94, %scan3A_95 : i32
    %scan3A_97 = arith.constant 1 : i32
    scf.for %scan3A_271 = %scan3A_94 to %scan3A_96 step %scan3A_97  : i32 {
      %mul3A_272 = arith.constant 5 : i32
      %mul3A_273 = arith.muli %scan3A_271, %mul3A_272 : i32
      %add3A_274 = arith.constant 0 : i32
      %add3A_275 = arith.addi %mul3A_273, %add3A_274 : i32
      %add3A_276 = vector.broadcast %add3A_275 : i32 to vector<16xi32>
      %add3A_277 = arith.addi %mul3A_6, %add3A_276 : vector<16xi32>
      %gather3A = tpu.vector_load_idx %arg8[%add3A_277] : memref<800xi32, #tpu.memory_space<vmem>>[vector<16xi32>], vector<16xi32>,
      %gather3A_278 = tpu.vector_load_idx %arg10[%gather3A] : memref<1008xf32, #tpu.memory_space<vmem>>[vector<16xi32>], vector<16xf32>,
      tpu.vector_store_idx %arg11[%gather3A, %add3A_92], %gather3A_278 {add = true} : memref<1000x128xf32, #tpu.memory_space<vmem>>[vector<16xi32>, vector<16xi32>], vector<16xf32>,
      %mul3A_279 = arith.constant 5 : i32
      %mul3A_280 = arith.muli %scan3A_271, %mul3A_279 : i32
      %add3A_281 = arith.constant 1 : i32
      %add3A_282 = arith.addi %mul3A_280, %add3A_281 : i32
      %add3A_283 = vector.broadcast %add3A_282 : i32 to vector<16xi32>
      %add3A_284 = arith.addi %mul3A_6, %add3A_283 : vector<16xi32>
      %gather3A_285 = tpu.vector_load_idx %arg8[%add3A_284] : memref<800xi32, #tpu.memory_space<vmem>>[vector<16xi32>], vector<16xi32>,
      %gather3A_286 = tpu.vector_load_idx %arg10[%gather3A_285] : memref<1008xf32, #tpu.memory_space<vmem>>[vector<16xi32>], vector<16xf32>,
      tpu.vector_store_idx %arg11[%gather3A_285, %add3A_92], %gather3A_286 {add = true} : memref<1000x128xf32, #tpu.memory_space<vmem>>[vector<16xi32>, vector<16xi32>], vector<16xf32>,
      %mul3A_287 = arith.constant 5 : i32
      %mul3A_288 = arith.muli %scan3A_271, %mul3A_287 : i32
      %add3A_289 = arith.constant 2 : i32
      %add3A_290 = arith.addi %mul3A_288, %add3A_289 : i32
      %add3A_291 = vector.broadcast %add3A_290 : i32 to vector<16xi32>
      %add3A_292 = arith.addi %mul3A_6, %add3A_291 : vector<16xi32>
      %gather3A_293 = tpu.vector_load_idx %arg8[%add3A_292] : memref<800xi32, #tpu.memory_space<vmem>>[vector<16xi32>], vector<16xi32>,
      %gather3A_294 = tpu.vector_load_idx %arg10[%gather3A_293] : memref<1008xf32, #tpu.memory_space<vmem>>[vector<16xi32>], vector<16xf32>,
      tpu.vector_store_idx %arg11[%gather3A_293, %add3A_92], %gather3A_294 {add = true} : memref<1000x128xf32, #tpu.memory_space<vmem>>[vector<16xi32>, vector<16xi32>], vector<16xf32>,
      %mul3A_295 = arith.constant 5 : i32
      %mul3A_296 = arith.muli %scan3A_271, %mul3A_295 : i32
      %add3A_297 = arith.constant 3 : i32
      %add3A_298 = arith.addi %mul3A_296, %add3A_297 : i32
      %add3A_299 = vector.broadcast %add3A_298 : i32 to vector<16xi32>
      %add3A_300 = arith.addi %mul3A_6, %add3A_299 : vector<16xi32>
      %gather3A_301 = tpu.vector_load_idx %arg8[%add3A_300] : memref<800xi32, #tpu.memory_space<vmem>>[vector<16xi32>], vector<16xi32>,
      %gather3A_302 = tpu.vector_load_idx %arg10[%gather3A_301] : memref<1008xf32, #tpu.memory_space<vmem>>[vector<16xi32>], vector<16xf32>,
      tpu.vector_store_idx %arg11[%gather3A_301, %add3A_92], %gather3A_302 {add = true} : memref<1000x128xf32, #tpu.memory_space<vmem>>[vector<16xi32>, vector<16xi32>], vector<16xf32>,
      %mul3A_303 = arith.constant 5 : i32
      %mul3A_304 = arith.muli %scan3A_271, %mul3A_303 : i32
      %add3A_305 = arith.constant 4 : i32
      %add3A_306 = arith.addi %mul3A_304, %add3A_305 : i32
      %add3A_307 = vector.broadcast %add3A_306 : i32 to vector<16xi32>
      %add3A_308 = arith.addi %mul3A_6, %add3A_307 : vector<16xi32>
      %gather3A_309 = tpu.vector_load_idx %arg8[%add3A_308] : memref<800xi32, #tpu.memory_space<vmem>>[vector<16xi32>], vector<16xi32>,
      %gather3A_310 = tpu.vector_load_idx %arg10[%gather3A_309] : memref<1008xf32, #tpu.memory_space<vmem>>[vector<16xi32>], vector<16xf32>,
      tpu.vector_store_idx %arg11[%gather3A_309, %add3A_92], %gather3A_310 {add = true} : memref<1000x128xf32, #tpu.memory_space<vmem>>[vector<16xi32>, vector<16xi32>], vector<16xf32>,
    }
    %scan3A_98 = arith.constant 10 : i32
    %dma_wait3A_99 = tpu.memref_slice %arg4[%mul3A_87] : memref<204800xi32, #tpu.memory_space<hbm>> -> memref<800xi32, #tpu.memory_space<hbm>>
    %dma_wait3A_100 = tpu.memref_slice %arg4[%mul3A_87] : memref<204800xi32, #tpu.memory_space<hbm>> -> memref<800xi32, #tpu.memory_space<hbm>>
    tpu.wait_dma2 semaphore(%arg13 : memref<!tpu.dma_semaphore, #tpu.memory_space<semaphore_mem>>) src(%dma_wait3A_100 : memref<800xi32, #tpu.memory_space<hbm>>) dst(%arg9 : memref<800xi32, #tpu.memory_space<vmem>>)
    %add3A_101 = arith.constant 96 : i32
    %add3A_102 = arith.addi %mul3A_2, %add3A_101 : i32
    %mul3A_103 = arith.constant 50 : i32
    %mul3A_104 = arith.muli %add3A_102, %mul3A_103 : i32
    %dma_start3A_105 = tpu.memref_slice %arg4[%mul3A_104] : memref<204800xi32, #tpu.memory_space<hbm>> -> memref<800xi32, #tpu.memory_space<hbm>>
    %dma_start3A_106 = tpu.memref_slice %arg4[%mul3A_104] : memref<204800xi32, #tpu.memory_space<hbm>> -> memref<800xi32, #tpu.memory_space<hbm>>
    tpu.enqueue_dma source(%dma_start3A_106 : memref<800xi32, #tpu.memory_space<hbm>>) target(%arg8 : memref<800xi32, #tpu.memory_space<vmem>>) target_semaphore(%arg12 : memref<!tpu.dma_semaphore, #tpu.memory_space<semaphore_mem>>)
    %add3A_107 = arith.constant 80 : i32
    %add3A_108 = vector.broadcast %add3A_107 : i32 to vector<16xi32>
    %add3A_109 = arith.addi %add3A_108, %iota3A : vector<16xi32>
    %scan3A_110 = arith.constant 0 : i32
    %scan3A_111 = arith.constant 0 : i32
    %scan3A_112 = arith.constant 10 : i32
    %scan3A_113 = arith.addi %scan3A_111, %scan3A_112 : i32
    %scan3A_114 = arith.constant 1 : i32
    scf.for %scan3A_271 = %scan3A_111 to %scan3A_113 step %scan3A_114  : i32 {
      %mul3A_272 = arith.constant 5 : i32
      %mul3A_273 = arith.muli %scan3A_271, %mul3A_272 : i32
      %add3A_274 = arith.constant 0 : i32
      %add3A_275 = arith.addi %mul3A_273, %add3A_274 : i32
      %add3A_276 = vector.broadcast %add3A_275 : i32 to vector<16xi32>
      %add3A_277 = arith.addi %mul3A_6, %add3A_276 : vector<16xi32>
      %gather3A = tpu.vector_load_idx %arg9[%add3A_277] : memref<800xi32, #tpu.memory_space<vmem>>[vector<16xi32>], vector<16xi32>,
      %gather3A_278 = tpu.vector_load_idx %arg10[%gather3A] : memref<1008xf32, #tpu.memory_space<vmem>>[vector<16xi32>], vector<16xf32>,
      tpu.vector_store_idx %arg11[%gather3A, %add3A_109], %gather3A_278 {add = true} : memref<1000x128xf32, #tpu.memory_space<vmem>>[vector<16xi32>, vector<16xi32>], vector<16xf32>,
      %mul3A_279 = arith.constant 5 : i32
      %mul3A_280 = arith.muli %scan3A_271, %mul3A_279 : i32
      %add3A_281 = arith.constant 1 : i32
      %add3A_282 = arith.addi %mul3A_280, %add3A_281 : i32
      %add3A_283 = vector.broadcast %add3A_282 : i32 to vector<16xi32>
      %add3A_284 = arith.addi %mul3A_6, %add3A_283 : vector<16xi32>
      %gather3A_285 = tpu.vector_load_idx %arg9[%add3A_284] : memref<800xi32, #tpu.memory_space<vmem>>[vector<16xi32>], vector<16xi32>,
      %gather3A_286 = tpu.vector_load_idx %arg10[%gather3A_285] : memref<1008xf32, #tpu.memory_space<vmem>>[vector<16xi32>], vector<16xf32>,
      tpu.vector_store_idx %arg11[%gather3A_285, %add3A_109], %gather3A_286 {add = true} : memref<1000x128xf32, #tpu.memory_space<vmem>>[vector<16xi32>, vector<16xi32>], vector<16xf32>,
      %mul3A_287 = arith.constant 5 : i32
      %mul3A_288 = arith.muli %scan3A_271, %mul3A_287 : i32
      %add3A_289 = arith.constant 2 : i32
      %add3A_290 = arith.addi %mul3A_288, %add3A_289 : i32
      %add3A_291 = vector.broadcast %add3A_290 : i32 to vector<16xi32>
      %add3A_292 = arith.addi %mul3A_6, %add3A_291 : vector<16xi32>
      %gather3A_293 = tpu.vector_load_idx %arg9[%add3A_292] : memref<800xi32, #tpu.memory_space<vmem>>[vector<16xi32>], vector<16xi32>,
      %gather3A_294 = tpu.vector_load_idx %arg10[%gather3A_293] : memref<1008xf32, #tpu.memory_space<vmem>>[vector<16xi32>], vector<16xf32>,
      tpu.vector_store_idx %arg11[%gather3A_293, %add3A_109], %gather3A_294 {add = true} : memref<1000x128xf32, #tpu.memory_space<vmem>>[vector<16xi32>, vector<16xi32>], vector<16xf32>,
      %mul3A_295 = arith.constant 5 : i32
      %mul3A_296 = arith.muli %scan3A_271, %mul3A_295 : i32
      %add3A_297 = arith.constant 3 : i32
      %add3A_298 = arith.addi %mul3A_296, %add3A_297 : i32
      %add3A_299 = vector.broadcast %add3A_298 : i32 to vector<16xi32>
      %add3A_300 = arith.addi %mul3A_6, %add3A_299 : vector<16xi32>
      %gather3A_301 = tpu.vector_load_idx %arg9[%add3A_300] : memref<800xi32, #tpu.memory_space<vmem>>[vector<16xi32>], vector<16xi32>,
      %gather3A_302 = tpu.vector_load_idx %arg10[%gather3A_301] : memref<1008xf32, #tpu.memory_space<vmem>>[vector<16xi32>], vector<16xf32>,
      tpu.vector_store_idx %arg11[%gather3A_301, %add3A_109], %gather3A_302 {add = true} : memref<1000x128xf32, #tpu.memory_space<vmem>>[vector<16xi32>, vector<16xi32>], vector<16xf32>,
      %mul3A_303 = arith.constant 5 : i32
      %mul3A_304 = arith.muli %scan3A_271, %mul3A_303 : i32
      %add3A_305 = arith.constant 4 : i32
      %add3A_306 = arith.addi %mul3A_304, %add3A_305 : i32
      %add3A_307 = vector.broadcast %add3A_306 : i32 to vector<16xi32>
      %add3A_308 = arith.addi %mul3A_6, %add3A_307 : vector<16xi32>
      %gather3A_309 = tpu.vector_load_idx %arg9[%add3A_308] : memref<800xi32, #tpu.memory_space<vmem>>[vector<16xi32>], vector<16xi32>,
      %gather3A_310 = tpu.vector_load_idx %arg10[%gather3A_309] : memref<1008xf32, #tpu.memory_space<vmem>>[vector<16xi32>], vector<16xf32>,
      tpu.vector_store_idx %arg11[%gather3A_309, %add3A_109], %gather3A_310 {add = true} : memref<1000x128xf32, #tpu.memory_space<vmem>>[vector<16xi32>, vector<16xi32>], vector<16xf32>,
    }
    %scan3A_115 = arith.constant 10 : i32
    %dma_wait3A_116 = tpu.memref_slice %arg4[%mul3A_104] : memref<204800xi32, #tpu.memory_space<hbm>> -> memref<800xi32, #tpu.memory_space<hbm>>
    %dma_wait3A_117 = tpu.memref_slice %arg4[%mul3A_104] : memref<204800xi32, #tpu.memory_space<hbm>> -> memref<800xi32, #tpu.memory_space<hbm>>
    tpu.wait_dma2 semaphore(%arg12 : memref<!tpu.dma_semaphore, #tpu.memory_space<semaphore_mem>>) src(%dma_wait3A_117 : memref<800xi32, #tpu.memory_space<hbm>>) dst(%arg8 : memref<800xi32, #tpu.memory_space<vmem>>)
    %add3A_118 = arith.constant 112 : i32
    %add3A_119 = arith.addi %mul3A_2, %add3A_118 : i32
    %mul3A_120 = arith.constant 50 : i32
    %mul3A_121 = arith.muli %add3A_119, %mul3A_120 : i32
    %dma_start3A_122 = tpu.memref_slice %arg4[%mul3A_121] : memref<204800xi32, #tpu.memory_space<hbm>> -> memref<800xi32, #tpu.memory_space<hbm>>
    %dma_start3A_123 = tpu.memref_slice %arg4[%mul3A_121] : memref<204800xi32, #tpu.memory_space<hbm>> -> memref<800xi32, #tpu.memory_space<hbm>>
    tpu.enqueue_dma source(%dma_start3A_123 : memref<800xi32, #tpu.memory_space<hbm>>) target(%arg9 : memref<800xi32, #tpu.memory_space<vmem>>) target_semaphore(%arg13 : memref<!tpu.dma_semaphore, #tpu.memory_space<semaphore_mem>>)
    %add3A_124 = arith.constant 96 : i32
    %add3A_125 = vector.broadcast %add3A_124 : i32 to vector<16xi32>
    %add3A_126 = arith.addi %add3A_125, %iota3A : vector<16xi32>
    %scan3A_127 = arith.constant 0 : i32
    %scan3A_128 = arith.constant 0 : i32
    %scan3A_129 = arith.constant 10 : i32
    %scan3A_130 = arith.addi %scan3A_128, %scan3A_129 : i32
    %scan3A_131 = arith.constant 1 : i32
    scf.for %scan3A_271 = %scan3A_128 to %scan3A_130 step %scan3A_131  : i32 {
      %mul3A_272 = arith.constant 5 : i32
      %mul3A_273 = arith.muli %scan3A_271, %mul3A_272 : i32
      %add3A_274 = arith.constant 0 : i32
      %add3A_275 = arith.addi %mul3A_273, %add3A_274 : i32
      %add3A_276 = vector.broadcast %add3A_275 : i32 to vector<16xi32>
      %add3A_277 = arith.addi %mul3A_6, %add3A_276 : vector<16xi32>
      %gather3A = tpu.vector_load_idx %arg8[%add3A_277] : memref<800xi32, #tpu.memory_space<vmem>>[vector<16xi32>], vector<16xi32>,
      %gather3A_278 = tpu.vector_load_idx %arg10[%gather3A] : memref<1008xf32, #tpu.memory_space<vmem>>[vector<16xi32>], vector<16xf32>,
      tpu.vector_store_idx %arg11[%gather3A, %add3A_126], %gather3A_278 {add = true} : memref<1000x128xf32, #tpu.memory_space<vmem>>[vector<16xi32>, vector<16xi32>], vector<16xf32>,
      %mul3A_279 = arith.constant 5 : i32
      %mul3A_280 = arith.muli %scan3A_271, %mul3A_279 : i32
      %add3A_281 = arith.constant 1 : i32
      %add3A_282 = arith.addi %mul3A_280, %add3A_281 : i32
      %add3A_283 = vector.broadcast %add3A_282 : i32 to vector<16xi32>
      %add3A_284 = arith.addi %mul3A_6, %add3A_283 : vector<16xi32>
      %gather3A_285 = tpu.vector_load_idx %arg8[%add3A_284] : memref<800xi32, #tpu.memory_space<vmem>>[vector<16xi32>], vector<16xi32>,
      %gather3A_286 = tpu.vector_load_idx %arg10[%gather3A_285] : memref<1008xf32, #tpu.memory_space<vmem>>[vector<16xi32>], vector<16xf32>,
      tpu.vector_store_idx %arg11[%gather3A_285, %add3A_126], %gather3A_286 {add = true} : memref<1000x128xf32, #tpu.memory_space<vmem>>[vector<16xi32>, vector<16xi32>], vector<16xf32>,
      %mul3A_287 = arith.constant 5 : i32
      %mul3A_288 = arith.muli %scan3A_271, %mul3A_287 : i32
      %add3A_289 = arith.constant 2 : i32
      %add3A_290 = arith.addi %mul3A_288, %add3A_289 : i32
      %add3A_291 = vector.broadcast %add3A_290 : i32 to vector<16xi32>
      %add3A_292 = arith.addi %mul3A_6, %add3A_291 : vector<16xi32>
      %gather3A_293 = tpu.vector_load_idx %arg8[%add3A_292] : memref<800xi32, #tpu.memory_space<vmem>>[vector<16xi32>], vector<16xi32>,
      %gather3A_294 = tpu.vector_load_idx %arg10[%gather3A_293] : memref<1008xf32, #tpu.memory_space<vmem>>[vector<16xi32>], vector<16xf32>,
      tpu.vector_store_idx %arg11[%gather3A_293, %add3A_126], %gather3A_294 {add = true} : memref<1000x128xf32, #tpu.memory_space<vmem>>[vector<16xi32>, vector<16xi32>], vector<16xf32>,
      %mul3A_295 = arith.constant 5 : i32
      %mul3A_296 = arith.muli %scan3A_271, %mul3A_295 : i32
      %add3A_297 = arith.constant 3 : i32
      %add3A_298 = arith.addi %mul3A_296, %add3A_297 : i32
      %add3A_299 = vector.broadcast %add3A_298 : i32 to vector<16xi32>
      %add3A_300 = arith.addi %mul3A_6, %add3A_299 : vector<16xi32>
      %gather3A_301 = tpu.vector_load_idx %arg8[%add3A_300] : memref<800xi32, #tpu.memory_space<vmem>>[vector<16xi32>], vector<16xi32>,
      %gather3A_302 = tpu.vector_load_idx %arg10[%gather3A_301] : memref<1008xf32, #tpu.memory_space<vmem>>[vector<16xi32>], vector<16xf32>,
      tpu.vector_store_idx %arg11[%gather3A_301, %add3A_126], %gather3A_302 {add = true} : memref<1000x128xf32, #tpu.memory_space<vmem>>[vector<16xi32>, vector<16xi32>], vector<16xf32>,
      %mul3A_303 = arith.constant 5 : i32
      %mul3A_304 = arith.muli %scan3A_271, %mul3A_303 : i32
      %add3A_305 = arith.constant 4 : i32
      %add3A_306 = arith.addi %mul3A_304, %add3A_305 : i32
      %add3A_307 = vector.broadcast %add3A_306 : i32 to vector<16xi32>
      %add3A_308 = arith.addi %mul3A_6, %add3A_307 : vector<16xi32>
      %gather3A_309 = tpu.vector_load_idx %arg8[%add3A_308] : memref<800xi32, #tpu.memory_space<vmem>>[vector<16xi32>], vector<16xi32>,
      %gather3A_310 = tpu.vector_load_idx %arg10[%gather3A_309] : memref<1008xf32, #tpu.memory_space<vmem>>[vector<16xi32>], vector<16xf32>,
      tpu.vector_store_idx %arg11[%gather3A_309, %add3A_126], %gather3A_310 {add = true} : memref<1000x128xf32, #tpu.memory_space<vmem>>[vector<16xi32>, vector<16xi32>], vector<16xf32>,
    }
    %scan3A_132 = arith.constant 10 : i32
    %dma_wait3A_133 = tpu.memref_slice %arg4[%mul3A_121] : memref<204800xi32, #tpu.memory_space<hbm>> -> memref<800xi32, #tpu.memory_space<hbm>>
    %dma_wait3A_134 = tpu.memref_slice %arg4[%mul3A_121] : memref<204800xi32, #tpu.memory_space<hbm>> -> memref<800xi32, #tpu.memory_space<hbm>>
    tpu.wait_dma2 semaphore(%arg13 : memref<!tpu.dma_semaphore, #tpu.memory_space<semaphore_mem>>) src(%dma_wait3A_134 : memref<800xi32, #tpu.memory_space<hbm>>) dst(%arg9 : memref<800xi32, #tpu.memory_space<vmem>>)
    %add3A_135 = arith.constant 112 : i32
    %add3A_136 = vector.broadcast %add3A_135 : i32 to vector<16xi32>
    %add3A_137 = arith.addi %add3A_136, %iota3A : vector<16xi32>
    %scan3A_138 = arith.constant 0 : i32
    %scan3A_139 = arith.constant 0 : i32
    %scan3A_140 = arith.constant 10 : i32
    %scan3A_141 = arith.addi %scan3A_139, %scan3A_140 : i32
    %scan3A_142 = arith.constant 1 : i32
    scf.for %scan3A_271 = %scan3A_139 to %scan3A_141 step %scan3A_142  : i32 {
      %mul3A_272 = arith.constant 5 : i32
      %mul3A_273 = arith.muli %scan3A_271, %mul3A_272 : i32
      %add3A_274 = arith.constant 0 : i32
      %add3A_275 = arith.addi %mul3A_273, %add3A_274 : i32
      %add3A_276 = vector.broadcast %add3A_275 : i32 to vector<16xi32>
      %add3A_277 = arith.addi %mul3A_6, %add3A_276 : vector<16xi32>
      %gather3A = tpu.vector_load_idx %arg9[%add3A_277] : memref<800xi32, #tpu.memory_space<vmem>>[vector<16xi32>], vector<16xi32>,
      %gather3A_278 = tpu.vector_load_idx %arg10[%gather3A] : memref<1008xf32, #tpu.memory_space<vmem>>[vector<16xi32>], vector<16xf32>,
      tpu.vector_store_idx %arg11[%gather3A, %add3A_137], %gather3A_278 {add = true} : memref<1000x128xf32, #tpu.memory_space<vmem>>[vector<16xi32>, vector<16xi32>], vector<16xf32>,
      %mul3A_279 = arith.constant 5 : i32
      %mul3A_280 = arith.muli %scan3A_271, %mul3A_279 : i32
      %add3A_281 = arith.constant 1 : i32
      %add3A_282 = arith.addi %mul3A_280, %add3A_281 : i32
      %add3A_283 = vector.broadcast %add3A_282 : i32 to vector<16xi32>
      %add3A_284 = arith.addi %mul3A_6, %add3A_283 : vector<16xi32>
      %gather3A_285 = tpu.vector_load_idx %arg9[%add3A_284] : memref<800xi32, #tpu.memory_space<vmem>>[vector<16xi32>], vector<16xi32>,
      %gather3A_286 = tpu.vector_load_idx %arg10[%gather3A_285] : memref<1008xf32, #tpu.memory_space<vmem>>[vector<16xi32>], vector<16xf32>,
      tpu.vector_store_idx %arg11[%gather3A_285, %add3A_137], %gather3A_286 {add = true} : memref<1000x128xf32, #tpu.memory_space<vmem>>[vector<16xi32>, vector<16xi32>], vector<16xf32>,
      %mul3A_287 = arith.constant 5 : i32
      %mul3A_288 = arith.muli %scan3A_271, %mul3A_287 : i32
      %add3A_289 = arith.constant 2 : i32
      %add3A_290 = arith.addi %mul3A_288, %add3A_289 : i32
      %add3A_291 = vector.broadcast %add3A_290 : i32 to vector<16xi32>
      %add3A_292 = arith.addi %mul3A_6, %add3A_291 : vector<16xi32>
      %gather3A_293 = tpu.vector_load_idx %arg9[%add3A_292] : memref<800xi32, #tpu.memory_space<vmem>>[vector<16xi32>], vector<16xi32>,
      %gather3A_294 = tpu.vector_load_idx %arg10[%gather3A_293] : memref<1008xf32, #tpu.memory_space<vmem>>[vector<16xi32>], vector<16xf32>,
      tpu.vector_store_idx %arg11[%gather3A_293, %add3A_137], %gather3A_294 {add = true} : memref<1000x128xf32, #tpu.memory_space<vmem>>[vector<16xi32>, vector<16xi32>], vector<16xf32>,
      %mul3A_295 = arith.constant 5 : i32
      %mul3A_296 = arith.muli %scan3A_271, %mul3A_295 : i32
      %add3A_297 = arith.constant 3 : i32
      %add3A_298 = arith.addi %mul3A_296, %add3A_297 : i32
      %add3A_299 = vector.broadcast %add3A_298 : i32 to vector<16xi32>
      %add3A_300 = arith.addi %mul3A_6, %add3A_299 : vector<16xi32>
      %gather3A_301 = tpu.vector_load_idx %arg9[%add3A_300] : memref<800xi32, #tpu.memory_space<vmem>>[vector<16xi32>], vector<16xi32>,
      %gather3A_302 = tpu.vector_load_idx %arg10[%gather3A_301] : memref<1008xf32, #tpu.memory_space<vmem>>[vector<16xi32>], vector<16xf32>,
      tpu.vector_store_idx %arg11[%gather3A_301, %add3A_137], %gather3A_302 {add = true} : memref<1000x128xf32, #tpu.memory_space<vmem>>[vector<16xi32>, vector<16xi32>], vector<16xf32>,
      %mul3A_303 = arith.constant 5 : i32
      %mul3A_304 = arith.muli %scan3A_271, %mul3A_303 : i32
      %add3A_305 = arith.constant 4 : i32
      %add3A_306 = arith.addi %mul3A_304, %add3A_305 : i32
      %add3A_307 = vector.broadcast %add3A_306 : i32 to vector<16xi32>
      %add3A_308 = arith.addi %mul3A_6, %add3A_307 : vector<16xi32>
      %gather3A_309 = tpu.vector_load_idx %arg9[%add3A_308] : memref<800xi32, #tpu.memory_space<vmem>>[vector<16xi32>], vector<16xi32>,
      %gather3A_310 = tpu.vector_load_idx %arg10[%gather3A_309] : memref<1008xf32, #tpu.memory_space<vmem>>[vector<16xi32>], vector<16xf32>,
      tpu.vector_store_idx %arg11[%gather3A_309, %add3A_137], %gather3A_310 {add = true} : memref<1000x128xf32, #tpu.memory_space<vmem>>[vector<16xi32>, vector<16xi32>], vector<16xf32>,
    }
    %scan3A_143 = arith.constant 10 : i32
    %dma_start3A_144 = arith.constant 0 : i32
    %dma_start3A_145 = tpu.memref_slice %arg7[%dma_start3A_144, %mul3A_2] : memref<1000x4096xf32, #tpu.memory_space<hbm>> -> memref<1000x128xf32, #tpu.memory_space<hbm>>
    %dma_start3A_146 = arith.constant 0 : i32
    %dma_start3A_147 = tpu.memref_slice %arg7[%dma_start3A_146, %mul3A_2] : memref<1000x4096xf32, #tpu.memory_space<hbm>> -> memref<1000x128xf32, #tpu.memory_space<hbm>>
    tpu.enqueue_dma source(%arg11 : memref<1000x128xf32, #tpu.memory_space<vmem>>) target(%dma_start3A_147 : memref<1000x128xf32, #tpu.memory_space<hbm>>) target_semaphore(%arg15 : memref<!tpu.dma_semaphore, #tpu.memory_space<semaphore_mem>>)
    %add3A_148 = arith.constant 0 : i32
    %add3A_149 = arith.addi %mul3A_2, %add3A_148 : i32
    %mul3A_150 = arith.constant 50 : i32
    %mul3A_151 = arith.muli %add3A_149, %mul3A_150 : i32
    "tpu.region"() ({
      %run_scoped3A = tpu.sem_alloc : memref<!tpu.dma_semaphore, #tpu.memory_space<semaphore_mem>>
      %dma_start3A_271 = tpu.memref_slice %arg3[%mul3A_151] : memref<204800xi32, #tpu.memory_space<hbm>> -> memref<800xi32, #tpu.memory_space<hbm>>
      %dma_start3A_272 = tpu.memref_slice %arg3[%mul3A_151] : memref<204800xi32, #tpu.memory_space<hbm>> -> memref<800xi32, #tpu.memory_space<hbm>>
      tpu.enqueue_dma source(%dma_start3A_272 : memref<800xi32, #tpu.memory_space<hbm>>) target(%arg8 : memref<800xi32, #tpu.memory_space<vmem>>) target_semaphore(%run_scoped3A : memref<!tpu.dma_semaphore, #tpu.memory_space<semaphore_mem>>)
      %dma_wait3A_273 = tpu.memref_slice %arg3[%mul3A_151] : memref<204800xi32, #tpu.memory_space<hbm>> -> memref<800xi32, #tpu.memory_space<hbm>>
      %dma_wait3A_274 = tpu.memref_slice %arg3[%mul3A_151] : memref<204800xi32, #tpu.memory_space<hbm>> -> memref<800xi32, #tpu.memory_space<hbm>>
      tpu.wait_dma2 semaphore(%run_scoped3A : memref<!tpu.dma_semaphore, #tpu.memory_space<semaphore_mem>>) src(%dma_wait3A_274 : memref<800xi32, #tpu.memory_space<hbm>>) dst(%arg8 : memref<800xi32, #tpu.memory_space<vmem>>)
      tpu.yield
    }) : () -> ()
    "tpu.region"() ({
      %run_scoped3A = tpu.sem_alloc : memref<!tpu.dma_semaphore, #tpu.memory_space<semaphore_mem>>
      %dma_start3A_271 = tpu.memref_slice %arg2[%mul3A_151] : memref<204800xi32, #tpu.memory_space<hbm>> -> memref<800xi32, #tpu.memory_space<hbm>>
      %dma_start3A_272 = tpu.memref_slice %arg2[%mul3A_151] : memref<204800xi32, #tpu.memory_space<hbm>> -> memref<800xi32, #tpu.memory_space<hbm>>
      tpu.enqueue_dma source(%dma_start3A_272 : memref<800xi32, #tpu.memory_space<hbm>>) target(%arg9 : memref<800xi32, #tpu.memory_space<vmem>>) target_semaphore(%run_scoped3A : memref<!tpu.dma_semaphore, #tpu.memory_space<semaphore_mem>>)
      %dma_wait3A_273 = tpu.memref_slice %arg2[%mul3A_151] : memref<204800xi32, #tpu.memory_space<hbm>> -> memref<800xi32, #tpu.memory_space<hbm>>
      %dma_wait3A_274 = tpu.memref_slice %arg2[%mul3A_151] : memref<204800xi32, #tpu.memory_space<hbm>> -> memref<800xi32, #tpu.memory_space<hbm>>
      tpu.wait_dma2 semaphore(%run_scoped3A : memref<!tpu.dma_semaphore, #tpu.memory_space<semaphore_mem>>) src(%dma_wait3A_274 : memref<800xi32, #tpu.memory_space<hbm>>) dst(%arg9 : memref<800xi32, #tpu.memory_space<vmem>>)
      tpu.yield
    }) : () -> ()
    %add3A_152 = arith.constant 0 : i32
    %add3A_153 = vector.broadcast %add3A_152 : i32 to vector<16xi32>
    %add3A_154 = arith.addi %add3A_153, %iota3A : vector<16xi32>
    %scan3A_155 = arith.constant 0 : i32
    %scan3A_156 = arith.constant 10 : i32
    %scan3A_157 = arith.addi %scan3A_155, %scan3A_156 : i32
    %scan3A_158 = arith.constant 1 : i32
    %scan3A_159 = scf.for %scan3A_271 = %scan3A_155 to %scan3A_157 step %scan3A_158 iter_args(%scan3A_272 = %broadcast_in_dim3A_3) -> (vector<16xf32>)  : i32 {
      %mul3A_273 = arith.constant 5 : i32
      %mul3A_274 = arith.muli %scan3A_271, %mul3A_273 : i32
      %add3A_275 = arith.constant 0 : i32
      %add3A_276 = arith.addi %mul3A_274, %add3A_275 : i32
      %add3A_277 = vector.broadcast %add3A_276 : i32 to vector<16xi32>
      %add3A_278 = arith.addi %mul3A_6, %add3A_277 : vector<16xi32>
      %gather3A = tpu.vector_load_idx %arg8[%add3A_278] : memref<800xi32, #tpu.memory_space<vmem>>[vector<16xi32>], vector<16xi32>,
      %mul3A_279 = arith.constant 5 : i32
      %mul3A_280 = arith.muli %scan3A_271, %mul3A_279 : i32
      %add3A_281 = arith.constant 0 : i32
      %add3A_282 = arith.addi %mul3A_280, %add3A_281 : i32
      %add3A_283 = vector.broadcast %add3A_282 : i32 to vector<16xi32>
      %add3A_284 = arith.addi %mul3A_6, %add3A_283 : vector<16xi32>
      %gather3A_285 = tpu.vector_load_idx %arg9[%add3A_284] : memref<800xi32, #tpu.memory_space<vmem>>[vector<16xi32>], vector<16xi32>,
      %gather3A_286 = tpu.vector_load_idx %arg11[%gather3A, %add3A_154] : memref<1000x128xf32, #tpu.memory_space<vmem>>[vector<16xi32>, vector<16xi32>], vector<16xf32>,
      %bitcast3A = vector.bitcast %gather3A_285 : vector<16xi32> to vector<16xf32>
      %mul3A_287 = arith.mulf %bitcast3A, %gather3A_286 : vector<16xf32>
      %add3A_288 = arith.addf %scan3A_272, %mul3A_287 : vector<16xf32>
      %mul3A_289 = arith.constant 5 : i32
      %mul3A_290 = arith.muli %scan3A_271, %mul3A_289 : i32
      %add3A_291 = arith.constant 1 : i32
      %add3A_292 = arith.addi %mul3A_290, %add3A_291 : i32
      %add3A_293 = vector.broadcast %add3A_292 : i32 to vector<16xi32>
      %add3A_294 = arith.addi %mul3A_6, %add3A_293 : vector<16xi32>
      %gather3A_295 = tpu.vector_load_idx %arg8[%add3A_294] : memref<800xi32, #tpu.memory_space<vmem>>[vector<16xi32>], vector<16xi32>,
      %mul3A_296 = arith.constant 5 : i32
      %mul3A_297 = arith.muli %scan3A_271, %mul3A_296 : i32
      %add3A_298 = arith.constant 1 : i32
      %add3A_299 = arith.addi %mul3A_297, %add3A_298 : i32
      %add3A_300 = vector.broadcast %add3A_299 : i32 to vector<16xi32>
      %add3A_301 = arith.addi %mul3A_6, %add3A_300 : vector<16xi32>
      %gather3A_302 = tpu.vector_load_idx %arg9[%add3A_301] : memref<800xi32, #tpu.memory_space<vmem>>[vector<16xi32>], vector<16xi32>,
      %gather3A_303 = tpu.vector_load_idx %arg11[%gather3A_295, %add3A_154] : memref<1000x128xf32, #tpu.memory_space<vmem>>[vector<16xi32>, vector<16xi32>], vector<16xf32>,
      %bitcast3A_304 = vector.bitcast %gather3A_302 : vector<16xi32> to vector<16xf32>
      %mul3A_305 = arith.mulf %bitcast3A_304, %gather3A_303 : vector<16xf32>
      %add3A_306 = arith.addf %add3A_288, %mul3A_305 : vector<16xf32>
      %mul3A_307 = arith.constant 5 : i32
      %mul3A_308 = arith.muli %scan3A_271, %mul3A_307 : i32
      %add3A_309 = arith.constant 2 : i32
      %add3A_310 = arith.addi %mul3A_308, %add3A_309 : i32
      %add3A_311 = vector.broadcast %add3A_310 : i32 to vector<16xi32>
      %add3A_312 = arith.addi %mul3A_6, %add3A_311 : vector<16xi32>
      %gather3A_313 = tpu.vector_load_idx %arg8[%add3A_312] : memref<800xi32, #tpu.memory_space<vmem>>[vector<16xi32>], vector<16xi32>,
      %mul3A_314 = arith.constant 5 : i32
      %mul3A_315 = arith.muli %scan3A_271, %mul3A_314 : i32
      %add3A_316 = arith.constant 2 : i32
      %add3A_317 = arith.addi %mul3A_315, %add3A_316 : i32
      %add3A_318 = vector.broadcast %add3A_317 : i32 to vector<16xi32>
      %add3A_319 = arith.addi %mul3A_6, %add3A_318 : vector<16xi32>
      %gather3A_320 = tpu.vector_load_idx %arg9[%add3A_319] : memref<800xi32, #tpu.memory_space<vmem>>[vector<16xi32>], vector<16xi32>,
      %gather3A_321 = tpu.vector_load_idx %arg11[%gather3A_313, %add3A_154] : memref<1000x128xf32, #tpu.memory_space<vmem>>[vector<16xi32>, vector<16xi32>], vector<16xf32>,
      %bitcast3A_322 = vector.bitcast %gather3A_320 : vector<16xi32> to vector<16xf32>
      %mul3A_323 = arith.mulf %bitcast3A_322, %gather3A_321 : vector<16xf32>
      %add3A_324 = arith.addf %add3A_306, %mul3A_323 : vector<16xf32>
      %mul3A_325 = arith.constant 5 : i32
      %mul3A_326 = arith.muli %scan3A_271, %mul3A_325 : i32
      %add3A_327 = arith.constant 3 : i32
      %add3A_328 = arith.addi %mul3A_326, %add3A_327 : i32
      %add3A_329 = vector.broadcast %add3A_328 : i32 to vector<16xi32>
      %add3A_330 = arith.addi %mul3A_6, %add3A_329 : vector<16xi32>
      %gather3A_331 = tpu.vector_load_idx %arg8[%add3A_330] : memref<800xi32, #tpu.memory_space<vmem>>[vector<16xi32>], vector<16xi32>,
      %mul3A_332 = arith.constant 5 : i32
      %mul3A_333 = arith.muli %scan3A_271, %mul3A_332 : i32
      %add3A_334 = arith.constant 3 : i32
      %add3A_335 = arith.addi %mul3A_333, %add3A_334 : i32
      %add3A_336 = vector.broadcast %add3A_335 : i32 to vector<16xi32>
      %add3A_337 = arith.addi %mul3A_6, %add3A_336 : vector<16xi32>
      %gather3A_338 = tpu.vector_load_idx %arg9[%add3A_337] : memref<800xi32, #tpu.memory_space<vmem>>[vector<16xi32>], vector<16xi32>,
      %gather3A_339 = tpu.vector_load_idx %arg11[%gather3A_331, %add3A_154] : memref<1000x128xf32, #tpu.memory_space<vmem>>[vector<16xi32>, vector<16xi32>], vector<16xf32>,
      %bitcast3A_340 = vector.bitcast %gather3A_338 : vector<16xi32> to vector<16xf32>
      %mul3A_341 = arith.mulf %bitcast3A_340, %gather3A_339 : vector<16xf32>
      %add3A_342 = arith.addf %add3A_324, %mul3A_341 : vector<16xf32>
      %mul3A_343 = arith.constant 5 : i32
      %mul3A_344 = arith.muli %scan3A_271, %mul3A_343 : i32
      %add3A_345 = arith.constant 4 : i32
      %add3A_346 = arith.addi %mul3A_344, %add3A_345 : i32
      %add3A_347 = vector.broadcast %add3A_346 : i32 to vector<16xi32>
      %add3A_348 = arith.addi %mul3A_6, %add3A_347 : vector<16xi32>
      %gather3A_349 = tpu.vector_load_idx %arg8[%add3A_348] : memref<800xi32, #tpu.memory_space<vmem>>[vector<16xi32>], vector<16xi32>,
      %mul3A_350 = arith.constant 5 : i32
      %mul3A_351 = arith.muli %scan3A_271, %mul3A_350 : i32
      %add3A_352 = arith.constant 4 : i32
      %add3A_353 = arith.addi %mul3A_351, %add3A_352 : i32
      %add3A_354 = vector.broadcast %add3A_353 : i32 to vector<16xi32>
      %add3A_355 = arith.addi %mul3A_6, %add3A_354 : vector<16xi32>
      %gather3A_356 = tpu.vector_load_idx %arg9[%add3A_355] : memref<800xi32, #tpu.memory_space<vmem>>[vector<16xi32>], vector<16xi32>,
      %gather3A_357 = tpu.vector_load_idx %arg11[%gather3A_349, %add3A_154] : memref<1000x128xf32, #tpu.memory_space<vmem>>[vector<16xi32>, vector<16xi32>], vector<16xf32>,
      %bitcast3A_358 = vector.bitcast %gather3A_356 : vector<16xi32> to vector<16xf32>
      %mul3A_359 = arith.mulf %bitcast3A_358, %gather3A_357 : vector<16xf32>
      %add3A_360 = arith.addf %add3A_342, %mul3A_359 : vector<16xf32>
      scf.yield %add3A_360 : vector<16xf32>
    }
    %scan3A_160 = arith.constant 10 : i32
    %swap3A = arith.constant 0 : index
    %swap3A_161 = tpu.vector_load %arg10[%swap3A] {strides = array<i32>} : memref<1008xf32, #tpu.memory_space<vmem>>, vector<16xf32>,
    tpu.vector_store %arg10[%swap3A], %scan3A_159 {strides = array<i32>} : memref<1008xf32, #tpu.memory_space<vmem>>, vector<16xf32>,
    %add3A_162 = arith.constant 16 : i32
    %add3A_163 = arith.addi %mul3A_2, %add3A_162 : i32
    %mul3A_164 = arith.constant 50 : i32
    %mul3A_165 = arith.muli %add3A_163, %mul3A_164 : i32
    "tpu.region"() ({
      %run_scoped3A = tpu.sem_alloc : memref<!tpu.dma_semaphore, #tpu.memory_space<semaphore_mem>>
      %dma_start3A_271 = tpu.memref_slice %arg3[%mul3A_165] : memref<204800xi32, #tpu.memory_space<hbm>> -> memref<800xi32, #tpu.memory_space<hbm>>
      %dma_start3A_272 = tpu.memref_slice %arg3[%mul3A_165] : memref<204800xi32, #tpu.memory_space<hbm>> -> memref<800xi32, #tpu.memory_space<hbm>>
      tpu.enqueue_dma source(%dma_start3A_272 : memref<800xi32, #tpu.memory_space<hbm>>) target(%arg8 : memref<800xi32, #tpu.memory_space<vmem>>) target_semaphore(%run_scoped3A : memref<!tpu.dma_semaphore, #tpu.memory_space<semaphore_mem>>)
      %dma_wait3A_273 = tpu.memref_slice %arg3[%mul3A_165] : memref<204800xi32, #tpu.memory_space<hbm>> -> memref<800xi32, #tpu.memory_space<hbm>>
      %dma_wait3A_274 = tpu.memref_slice %arg3[%mul3A_165] : memref<204800xi32, #tpu.memory_space<hbm>> -> memref<800xi32, #tpu.memory_space<hbm>>
      tpu.wait_dma2 semaphore(%run_scoped3A : memref<!tpu.dma_semaphore, #tpu.memory_space<semaphore_mem>>) src(%dma_wait3A_274 : memref<800xi32, #tpu.memory_space<hbm>>) dst(%arg8 : memref<800xi32, #tpu.memory_space<vmem>>)
      tpu.yield
    }) : () -> ()
    "tpu.region"() ({
      %run_scoped3A = tpu.sem_alloc : memref<!tpu.dma_semaphore, #tpu.memory_space<semaphore_mem>>
      %dma_start3A_271 = tpu.memref_slice %arg2[%mul3A_165] : memref<204800xi32, #tpu.memory_space<hbm>> -> memref<800xi32, #tpu.memory_space<hbm>>
      %dma_start3A_272 = tpu.memref_slice %arg2[%mul3A_165] : memref<204800xi32, #tpu.memory_space<hbm>> -> memref<800xi32, #tpu.memory_space<hbm>>
      tpu.enqueue_dma source(%dma_start3A_272 : memref<800xi32, #tpu.memory_space<hbm>>) target(%arg9 : memref<800xi32, #tpu.memory_space<vmem>>) target_semaphore(%run_scoped3A : memref<!tpu.dma_semaphore, #tpu.memory_space<semaphore_mem>>)
      %dma_wait3A_273 = tpu.memref_slice %arg2[%mul3A_165] : memref<204800xi32, #tpu.memory_space<hbm>> -> memref<800xi32, #tpu.memory_space<hbm>>
      %dma_wait3A_274 = tpu.memref_slice %arg2[%mul3A_165] : memref<204800xi32, #tpu.memory_space<hbm>> -> memref<800xi32, #tpu.memory_space<hbm>>
      tpu.wait_dma2 semaphore(%run_scoped3A : memref<!tpu.dma_semaphore, #tpu.memory_space<semaphore_mem>>) src(%dma_wait3A_274 : memref<800xi32, #tpu.memory_space<hbm>>) dst(%arg9 : memref<800xi32, #tpu.memory_space<vmem>>)
      tpu.yield
    }) : () -> ()
    %add3A_166 = arith.constant 16 : i32
    %add3A_167 = vector.broadcast %add3A_166 : i32 to vector<16xi32>
    %add3A_168 = arith.addi %add3A_167, %iota3A : vector<16xi32>
    %scan3A_169 = arith.constant 0 : i32
    %scan3A_170 = arith.constant 10 : i32
    %scan3A_171 = arith.addi %scan3A_169, %scan3A_170 : i32
    %scan3A_172 = arith.constant 1 : i32
    %scan3A_173 = scf.for %scan3A_271 = %scan3A_169 to %scan3A_171 step %scan3A_172 iter_args(%scan3A_272 = %broadcast_in_dim3A_3) -> (vector<16xf32>)  : i32 {
      %mul3A_273 = arith.constant 5 : i32
      %mul3A_274 = arith.muli %scan3A_271, %mul3A_273 : i32
      %add3A_275 = arith.constant 0 : i32
      %add3A_276 = arith.addi %mul3A_274, %add3A_275 : i32
      %add3A_277 = vector.broadcast %add3A_276 : i32 to vector<16xi32>
      %add3A_278 = arith.addi %mul3A_6, %add3A_277 : vector<16xi32>
      %gather3A = tpu.vector_load_idx %arg8[%add3A_278] : memref<800xi32, #tpu.memory_space<vmem>>[vector<16xi32>], vector<16xi32>,
      %mul3A_279 = arith.constant 5 : i32
      %mul3A_280 = arith.muli %scan3A_271, %mul3A_279 : i32
      %add3A_281 = arith.constant 0 : i32
      %add3A_282 = arith.addi %mul3A_280, %add3A_281 : i32
      %add3A_283 = vector.broadcast %add3A_282 : i32 to vector<16xi32>
      %add3A_284 = arith.addi %mul3A_6, %add3A_283 : vector<16xi32>
      %gather3A_285 = tpu.vector_load_idx %arg9[%add3A_284] : memref<800xi32, #tpu.memory_space<vmem>>[vector<16xi32>], vector<16xi32>,
      %gather3A_286 = tpu.vector_load_idx %arg11[%gather3A, %add3A_168] : memref<1000x128xf32, #tpu.memory_space<vmem>>[vector<16xi32>, vector<16xi32>], vector<16xf32>,
      %bitcast3A = vector.bitcast %gather3A_285 : vector<16xi32> to vector<16xf32>
      %mul3A_287 = arith.mulf %bitcast3A, %gather3A_286 : vector<16xf32>
      %add3A_288 = arith.addf %scan3A_272, %mul3A_287 : vector<16xf32>
      %mul3A_289 = arith.constant 5 : i32
      %mul3A_290 = arith.muli %scan3A_271, %mul3A_289 : i32
      %add3A_291 = arith.constant 1 : i32
      %add3A_292 = arith.addi %mul3A_290, %add3A_291 : i32
      %add3A_293 = vector.broadcast %add3A_292 : i32 to vector<16xi32>
      %add3A_294 = arith.addi %mul3A_6, %add3A_293 : vector<16xi32>
      %gather3A_295 = tpu.vector_load_idx %arg8[%add3A_294] : memref<800xi32, #tpu.memory_space<vmem>>[vector<16xi32>], vector<16xi32>,
      %mul3A_296 = arith.constant 5 : i32
      %mul3A_297 = arith.muli %scan3A_271, %mul3A_296 : i32
      %add3A_298 = arith.constant 1 : i32
      %add3A_299 = arith.addi %mul3A_297, %add3A_298 : i32
      %add3A_300 = vector.broadcast %add3A_299 : i32 to vector<16xi32>
      %add3A_301 = arith.addi %mul3A_6, %add3A_300 : vector<16xi32>
      %gather3A_302 = tpu.vector_load_idx %arg9[%add3A_301] : memref<800xi32, #tpu.memory_space<vmem>>[vector<16xi32>], vector<16xi32>,
      %gather3A_303 = tpu.vector_load_idx %arg11[%gather3A_295, %add3A_168] : memref<1000x128xf32, #tpu.memory_space<vmem>>[vector<16xi32>, vector<16xi32>], vector<16xf32>,
      %bitcast3A_304 = vector.bitcast %gather3A_302 : vector<16xi32> to vector<16xf32>
      %mul3A_305 = arith.mulf %bitcast3A_304, %gather3A_303 : vector<16xf32>
      %add3A_306 = arith.addf %add3A_288, %mul3A_305 : vector<16xf32>
      %mul3A_307 = arith.constant 5 : i32
      %mul3A_308 = arith.muli %scan3A_271, %mul3A_307 : i32
      %add3A_309 = arith.constant 2 : i32
      %add3A_310 = arith.addi %mul3A_308, %add3A_309 : i32
      %add3A_311 = vector.broadcast %add3A_310 : i32 to vector<16xi32>
      %add3A_312 = arith.addi %mul3A_6, %add3A_311 : vector<16xi32>
      %gather3A_313 = tpu.vector_load_idx %arg8[%add3A_312] : memref<800xi32, #tpu.memory_space<vmem>>[vector<16xi32>], vector<16xi32>,
      %mul3A_314 = arith.constant 5 : i32
      %mul3A_315 = arith.muli %scan3A_271, %mul3A_314 : i32
      %add3A_316 = arith.constant 2 : i32
      %add3A_317 = arith.addi %mul3A_315, %add3A_316 : i32
      %add3A_318 = vector.broadcast %add3A_317 : i32 to vector<16xi32>
      %add3A_319 = arith.addi %mul3A_6, %add3A_318 : vector<16xi32>
      %gather3A_320 = tpu.vector_load_idx %arg9[%add3A_319] : memref<800xi32, #tpu.memory_space<vmem>>[vector<16xi32>], vector<16xi32>,
      %gather3A_321 = tpu.vector_load_idx %arg11[%gather3A_313, %add3A_168] : memref<1000x128xf32, #tpu.memory_space<vmem>>[vector<16xi32>, vector<16xi32>], vector<16xf32>,
      %bitcast3A_322 = vector.bitcast %gather3A_320 : vector<16xi32> to vector<16xf32>
      %mul3A_323 = arith.mulf %bitcast3A_322, %gather3A_321 : vector<16xf32>
      %add3A_324 = arith.addf %add3A_306, %mul3A_323 : vector<16xf32>
      %mul3A_325 = arith.constant 5 : i32
      %mul3A_326 = arith.muli %scan3A_271, %mul3A_325 : i32
      %add3A_327 = arith.constant 3 : i32
      %add3A_328 = arith.addi %mul3A_326, %add3A_327 : i32
      %add3A_329 = vector.broadcast %add3A_328 : i32 to vector<16xi32>
      %add3A_330 = arith.addi %mul3A_6, %add3A_329 : vector<16xi32>
      %gather3A_331 = tpu.vector_load_idx %arg8[%add3A_330] : memref<800xi32, #tpu.memory_space<vmem>>[vector<16xi32>], vector<16xi32>,
      %mul3A_332 = arith.constant 5 : i32
      %mul3A_333 = arith.muli %scan3A_271, %mul3A_332 : i32
      %add3A_334 = arith.constant 3 : i32
      %add3A_335 = arith.addi %mul3A_333, %add3A_334 : i32
      %add3A_336 = vector.broadcast %add3A_335 : i32 to vector<16xi32>
      %add3A_337 = arith.addi %mul3A_6, %add3A_336 : vector<16xi32>
      %gather3A_338 = tpu.vector_load_idx %arg9[%add3A_337] : memref<800xi32, #tpu.memory_space<vmem>>[vector<16xi32>], vector<16xi32>,
      %gather3A_339 = tpu.vector_load_idx %arg11[%gather3A_331, %add3A_168] : memref<1000x128xf32, #tpu.memory_space<vmem>>[vector<16xi32>, vector<16xi32>], vector<16xf32>,
      %bitcast3A_340 = vector.bitcast %gather3A_338 : vector<16xi32> to vector<16xf32>
      %mul3A_341 = arith.mulf %bitcast3A_340, %gather3A_339 : vector<16xf32>
      %add3A_342 = arith.addf %add3A_324, %mul3A_341 : vector<16xf32>
      %mul3A_343 = arith.constant 5 : i32
      %mul3A_344 = arith.muli %scan3A_271, %mul3A_343 : i32
      %add3A_345 = arith.constant 4 : i32
      %add3A_346 = arith.addi %mul3A_344, %add3A_345 : i32
      %add3A_347 = vector.broadcast %add3A_346 : i32 to vector<16xi32>
      %add3A_348 = arith.addi %mul3A_6, %add3A_347 : vector<16xi32>
      %gather3A_349 = tpu.vector_load_idx %arg8[%add3A_348] : memref<800xi32, #tpu.memory_space<vmem>>[vector<16xi32>], vector<16xi32>,
      %mul3A_350 = arith.constant 5 : i32
      %mul3A_351 = arith.muli %scan3A_271, %mul3A_350 : i32
      %add3A_352 = arith.constant 4 : i32
      %add3A_353 = arith.addi %mul3A_351, %add3A_352 : i32
      %add3A_354 = vector.broadcast %add3A_353 : i32 to vector<16xi32>
      %add3A_355 = arith.addi %mul3A_6, %add3A_354 : vector<16xi32>
      %gather3A_356 = tpu.vector_load_idx %arg9[%add3A_355] : memref<800xi32, #tpu.memory_space<vmem>>[vector<16xi32>], vector<16xi32>,
      %gather3A_357 = tpu.vector_load_idx %arg11[%gather3A_349, %add3A_168] : memref<1000x128xf32, #tpu.memory_space<vmem>>[vector<16xi32>, vector<16xi32>], vector<16xf32>,
      %bitcast3A_358 = vector.bitcast %gather3A_356 : vector<16xi32> to vector<16xf32>
      %mul3A_359 = arith.mulf %bitcast3A_358, %gather3A_357 : vector<16xf32>
      %add3A_360 = arith.addf %add3A_342, %mul3A_359 : vector<16xf32>
      scf.yield %add3A_360 : vector<16xf32>
    }
    %scan3A_174 = arith.constant 10 : i32
    %swap3A_175 = arith.constant 16 : index
    %swap3A_176 = tpu.vector_load %arg10[%swap3A_175] {strides = array<i32>} : memref<1008xf32, #tpu.memory_space<vmem>>, vector<16xf32>,
    tpu.vector_store %arg10[%swap3A_175], %scan3A_173 {strides = array<i32>} : memref<1008xf32, #tpu.memory_space<vmem>>, vector<16xf32>,
    %add3A_177 = arith.constant 32 : i32
    %add3A_178 = arith.addi %mul3A_2, %add3A_177 : i32
    %mul3A_179 = arith.constant 50 : i32
    %mul3A_180 = arith.muli %add3A_178, %mul3A_179 : i32
    "tpu.region"() ({
      %run_scoped3A = tpu.sem_alloc : memref<!tpu.dma_semaphore, #tpu.memory_space<semaphore_mem>>
      %dma_start3A_271 = tpu.memref_slice %arg3[%mul3A_180] : memref<204800xi32, #tpu.memory_space<hbm>> -> memref<800xi32, #tpu.memory_space<hbm>>
      %dma_start3A_272 = tpu.memref_slice %arg3[%mul3A_180] : memref<204800xi32, #tpu.memory_space<hbm>> -> memref<800xi32, #tpu.memory_space<hbm>>
      tpu.enqueue_dma source(%dma_start3A_272 : memref<800xi32, #tpu.memory_space<hbm>>) target(%arg8 : memref<800xi32, #tpu.memory_space<vmem>>) target_semaphore(%run_scoped3A : memref<!tpu.dma_semaphore, #tpu.memory_space<semaphore_mem>>)
      %dma_wait3A_273 = tpu.memref_slice %arg3[%mul3A_180] : memref<204800xi32, #tpu.memory_space<hbm>> -> memref<800xi32, #tpu.memory_space<hbm>>
      %dma_wait3A_274 = tpu.memref_slice %arg3[%mul3A_180] : memref<204800xi32, #tpu.memory_space<hbm>> -> memref<800xi32, #tpu.memory_space<hbm>>
      tpu.wait_dma2 semaphore(%run_scoped3A : memref<!tpu.dma_semaphore, #tpu.memory_space<semaphore_mem>>) src(%dma_wait3A_274 : memref<800xi32, #tpu.memory_space<hbm>>) dst(%arg8 : memref<800xi32, #tpu.memory_space<vmem>>)
      tpu.yield
    }) : () -> ()
    "tpu.region"() ({
      %run_scoped3A = tpu.sem_alloc : memref<!tpu.dma_semaphore, #tpu.memory_space<semaphore_mem>>
      %dma_start3A_271 = tpu.memref_slice %arg2[%mul3A_180] : memref<204800xi32, #tpu.memory_space<hbm>> -> memref<800xi32, #tpu.memory_space<hbm>>
      %dma_start3A_272 = tpu.memref_slice %arg2[%mul3A_180] : memref<204800xi32, #tpu.memory_space<hbm>> -> memref<800xi32, #tpu.memory_space<hbm>>
      tpu.enqueue_dma source(%dma_start3A_272 : memref<800xi32, #tpu.memory_space<hbm>>) target(%arg9 : memref<800xi32, #tpu.memory_space<vmem>>) target_semaphore(%run_scoped3A : memref<!tpu.dma_semaphore, #tpu.memory_space<semaphore_mem>>)
      %dma_wait3A_273 = tpu.memref_slice %arg2[%mul3A_180] : memref<204800xi32, #tpu.memory_space<hbm>> -> memref<800xi32, #tpu.memory_space<hbm>>
      %dma_wait3A_274 = tpu.memref_slice %arg2[%mul3A_180] : memref<204800xi32, #tpu.memory_space<hbm>> -> memref<800xi32, #tpu.memory_space<hbm>>
      tpu.wait_dma2 semaphore(%run_scoped3A : memref<!tpu.dma_semaphore, #tpu.memory_space<semaphore_mem>>) src(%dma_wait3A_274 : memref<800xi32, #tpu.memory_space<hbm>>) dst(%arg9 : memref<800xi32, #tpu.memory_space<vmem>>)
      tpu.yield
    }) : () -> ()
    %add3A_181 = arith.constant 32 : i32
    %add3A_182 = vector.broadcast %add3A_181 : i32 to vector<16xi32>
    %add3A_183 = arith.addi %add3A_182, %iota3A : vector<16xi32>
    %scan3A_184 = arith.constant 0 : i32
    %scan3A_185 = arith.constant 10 : i32
    %scan3A_186 = arith.addi %scan3A_184, %scan3A_185 : i32
    %scan3A_187 = arith.constant 1 : i32
    %scan3A_188 = scf.for %scan3A_271 = %scan3A_184 to %scan3A_186 step %scan3A_187 iter_args(%scan3A_272 = %broadcast_in_dim3A_3) -> (vector<16xf32>)  : i32 {
      %mul3A_273 = arith.constant 5 : i32
      %mul3A_274 = arith.muli %scan3A_271, %mul3A_273 : i32
      %add3A_275 = arith.constant 0 : i32
      %add3A_276 = arith.addi %mul3A_274, %add3A_275 : i32
      %add3A_277 = vector.broadcast %add3A_276 : i32 to vector<16xi32>
      %add3A_278 = arith.addi %mul3A_6, %add3A_277 : vector<16xi32>
      %gather3A = tpu.vector_load_idx %arg8[%add3A_278] : memref<800xi32, #tpu.memory_space<vmem>>[vector<16xi32>], vector<16xi32>,
      %mul3A_279 = arith.constant 5 : i32
      %mul3A_280 = arith.muli %scan3A_271, %mul3A_279 : i32
      %add3A_281 = arith.constant 0 : i32
      %add3A_282 = arith.addi %mul3A_280, %add3A_281 : i32
      %add3A_283 = vector.broadcast %add3A_282 : i32 to vector<16xi32>
      %add3A_284 = arith.addi %mul3A_6, %add3A_283 : vector<16xi32>
      %gather3A_285 = tpu.vector_load_idx %arg9[%add3A_284] : memref<800xi32, #tpu.memory_space<vmem>>[vector<16xi32>], vector<16xi32>,
      %gather3A_286 = tpu.vector_load_idx %arg11[%gather3A, %add3A_183] : memref<1000x128xf32, #tpu.memory_space<vmem>>[vector<16xi32>, vector<16xi32>], vector<16xf32>,
      %bitcast3A = vector.bitcast %gather3A_285 : vector<16xi32> to vector<16xf32>
      %mul3A_287 = arith.mulf %bitcast3A, %gather3A_286 : vector<16xf32>
      %add3A_288 = arith.addf %scan3A_272, %mul3A_287 : vector<16xf32>
      %mul3A_289 = arith.constant 5 : i32
      %mul3A_290 = arith.muli %scan3A_271, %mul3A_289 : i32
      %add3A_291 = arith.constant 1 : i32
      %add3A_292 = arith.addi %mul3A_290, %add3A_291 : i32
      %add3A_293 = vector.broadcast %add3A_292 : i32 to vector<16xi32>
      %add3A_294 = arith.addi %mul3A_6, %add3A_293 : vector<16xi32>
      %gather3A_295 = tpu.vector_load_idx %arg8[%add3A_294] : memref<800xi32, #tpu.memory_space<vmem>>[vector<16xi32>], vector<16xi32>,
      %mul3A_296 = arith.constant 5 : i32
      %mul3A_297 = arith.muli %scan3A_271, %mul3A_296 : i32
      %add3A_298 = arith.constant 1 : i32
      %add3A_299 = arith.addi %mul3A_297, %add3A_298 : i32
      %add3A_300 = vector.broadcast %add3A_299 : i32 to vector<16xi32>
      %add3A_301 = arith.addi %mul3A_6, %add3A_300 : vector<16xi32>
      %gather3A_302 = tpu.vector_load_idx %arg9[%add3A_301] : memref<800xi32, #tpu.memory_space<vmem>>[vector<16xi32>], vector<16xi32>,
      %gather3A_303 = tpu.vector_load_idx %arg11[%gather3A_295, %add3A_183] : memref<1000x128xf32, #tpu.memory_space<vmem>>[vector<16xi32>, vector<16xi32>], vector<16xf32>,
      %bitcast3A_304 = vector.bitcast %gather3A_302 : vector<16xi32> to vector<16xf32>
      %mul3A_305 = arith.mulf %bitcast3A_304, %gather3A_303 : vector<16xf32>
      %add3A_306 = arith.addf %add3A_288, %mul3A_305 : vector<16xf32>
      %mul3A_307 = arith.constant 5 : i32
      %mul3A_308 = arith.muli %scan3A_271, %mul3A_307 : i32
      %add3A_309 = arith.constant 2 : i32
      %add3A_310 = arith.addi %mul3A_308, %add3A_309 : i32
      %add3A_311 = vector.broadcast %add3A_310 : i32 to vector<16xi32>
      %add3A_312 = arith.addi %mul3A_6, %add3A_311 : vector<16xi32>
      %gather3A_313 = tpu.vector_load_idx %arg8[%add3A_312] : memref<800xi32, #tpu.memory_space<vmem>>[vector<16xi32>], vector<16xi32>,
      %mul3A_314 = arith.constant 5 : i32
      %mul3A_315 = arith.muli %scan3A_271, %mul3A_314 : i32
      %add3A_316 = arith.constant 2 : i32
      %add3A_317 = arith.addi %mul3A_315, %add3A_316 : i32
      %add3A_318 = vector.broadcast %add3A_317 : i32 to vector<16xi32>
      %add3A_319 = arith.addi %mul3A_6, %add3A_318 : vector<16xi32>
      %gather3A_320 = tpu.vector_load_idx %arg9[%add3A_319] : memref<800xi32, #tpu.memory_space<vmem>>[vector<16xi32>], vector<16xi32>,
      %gather3A_321 = tpu.vector_load_idx %arg11[%gather3A_313, %add3A_183] : memref<1000x128xf32, #tpu.memory_space<vmem>>[vector<16xi32>, vector<16xi32>], vector<16xf32>,
      %bitcast3A_322 = vector.bitcast %gather3A_320 : vector<16xi32> to vector<16xf32>
      %mul3A_323 = arith.mulf %bitcast3A_322, %gather3A_321 : vector<16xf32>
      %add3A_324 = arith.addf %add3A_306, %mul3A_323 : vector<16xf32>
      %mul3A_325 = arith.constant 5 : i32
      %mul3A_326 = arith.muli %scan3A_271, %mul3A_325 : i32
      %add3A_327 = arith.constant 3 : i32
      %add3A_328 = arith.addi %mul3A_326, %add3A_327 : i32
      %add3A_329 = vector.broadcast %add3A_328 : i32 to vector<16xi32>
      %add3A_330 = arith.addi %mul3A_6, %add3A_329 : vector<16xi32>
      %gather3A_331 = tpu.vector_load_idx %arg8[%add3A_330] : memref<800xi32, #tpu.memory_space<vmem>>[vector<16xi32>], vector<16xi32>,
      %mul3A_332 = arith.constant 5 : i32
      %mul3A_333 = arith.muli %scan3A_271, %mul3A_332 : i32
      %add3A_334 = arith.constant 3 : i32
      %add3A_335 = arith.addi %mul3A_333, %add3A_334 : i32
      %add3A_336 = vector.broadcast %add3A_335 : i32 to vector<16xi32>
      %add3A_337 = arith.addi %mul3A_6, %add3A_336 : vector<16xi32>
      %gather3A_338 = tpu.vector_load_idx %arg9[%add3A_337] : memref<800xi32, #tpu.memory_space<vmem>>[vector<16xi32>], vector<16xi32>,
      %gather3A_339 = tpu.vector_load_idx %arg11[%gather3A_331, %add3A_183] : memref<1000x128xf32, #tpu.memory_space<vmem>>[vector<16xi32>, vector<16xi32>], vector<16xf32>,
      %bitcast3A_340 = vector.bitcast %gather3A_338 : vector<16xi32> to vector<16xf32>
      %mul3A_341 = arith.mulf %bitcast3A_340, %gather3A_339 : vector<16xf32>
      %add3A_342 = arith.addf %add3A_324, %mul3A_341 : vector<16xf32>
      %mul3A_343 = arith.constant 5 : i32
      %mul3A_344 = arith.muli %scan3A_271, %mul3A_343 : i32
      %add3A_345 = arith.constant 4 : i32
      %add3A_346 = arith.addi %mul3A_344, %add3A_345 : i32
      %add3A_347 = vector.broadcast %add3A_346 : i32 to vector<16xi32>
      %add3A_348 = arith.addi %mul3A_6, %add3A_347 : vector<16xi32>
      %gather3A_349 = tpu.vector_load_idx %arg8[%add3A_348] : memref<800xi32, #tpu.memory_space<vmem>>[vector<16xi32>], vector<16xi32>,
      %mul3A_350 = arith.constant 5 : i32
      %mul3A_351 = arith.muli %scan3A_271, %mul3A_350 : i32
      %add3A_352 = arith.constant 4 : i32
      %add3A_353 = arith.addi %mul3A_351, %add3A_352 : i32
      %add3A_354 = vector.broadcast %add3A_353 : i32 to vector<16xi32>
      %add3A_355 = arith.addi %mul3A_6, %add3A_354 : vector<16xi32>
      %gather3A_356 = tpu.vector_load_idx %arg9[%add3A_355] : memref<800xi32, #tpu.memory_space<vmem>>[vector<16xi32>], vector<16xi32>,
      %gather3A_357 = tpu.vector_load_idx %arg11[%gather3A_349, %add3A_183] : memref<1000x128xf32, #tpu.memory_space<vmem>>[vector<16xi32>, vector<16xi32>], vector<16xf32>,
      %bitcast3A_358 = vector.bitcast %gather3A_356 : vector<16xi32> to vector<16xf32>
      %mul3A_359 = arith.mulf %bitcast3A_358, %gather3A_357 : vector<16xf32>
      %add3A_360 = arith.addf %add3A_342, %mul3A_359 : vector<16xf32>
      scf.yield %add3A_360 : vector<16xf32>
    }
    %scan3A_189 = arith.constant 10 : i32
    %swap3A_190 = arith.constant 32 : index
    %swap3A_191 = tpu.vector_load %arg10[%swap3A_190] {strides = array<i32>} : memref<1008xf32, #tpu.memory_space<vmem>>, vector<16xf32>,
    tpu.vector_store %arg10[%swap3A_190], %scan3A_188 {strides = array<i32>} : memref<1008xf32, #tpu.memory_space<vmem>>, vector<16xf32>,
    %add3A_192 = arith.constant 48 : i32
    %add3A_193 = arith.addi %mul3A_2, %add3A_192 : i32
    %mul3A_194 = arith.constant 50 : i32
    %mul3A_195 = arith.muli %add3A_193, %mul3A_194 : i32
    "tpu.region"() ({
      %run_scoped3A = tpu.sem_alloc : memref<!tpu.dma_semaphore, #tpu.memory_space<semaphore_mem>>
      %dma_start3A_271 = tpu.memref_slice %arg3[%mul3A_195] : memref<204800xi32, #tpu.memory_space<hbm>> -> memref<800xi32, #tpu.memory_space<hbm>>
      %dma_start3A_272 = tpu.memref_slice %arg3[%mul3A_195] : memref<204800xi32, #tpu.memory_space<hbm>> -> memref<800xi32, #tpu.memory_space<hbm>>
      tpu.enqueue_dma source(%dma_start3A_272 : memref<800xi32, #tpu.memory_space<hbm>>) target(%arg8 : memref<800xi32, #tpu.memory_space<vmem>>) target_semaphore(%run_scoped3A : memref<!tpu.dma_semaphore, #tpu.memory_space<semaphore_mem>>)
      %dma_wait3A_273 = tpu.memref_slice %arg3[%mul3A_195] : memref<204800xi32, #tpu.memory_space<hbm>> -> memref<800xi32, #tpu.memory_space<hbm>>
      %dma_wait3A_274 = tpu.memref_slice %arg3[%mul3A_195] : memref<204800xi32, #tpu.memory_space<hbm>> -> memref<800xi32, #tpu.memory_space<hbm>>
      tpu.wait_dma2 semaphore(%run_scoped3A : memref<!tpu.dma_semaphore, #tpu.memory_space<semaphore_mem>>) src(%dma_wait3A_274 : memref<800xi32, #tpu.memory_space<hbm>>) dst(%arg8 : memref<800xi32, #tpu.memory_space<vmem>>)
      tpu.yield
    }) : () -> ()
    "tpu.region"() ({
      %run_scoped3A = tpu.sem_alloc : memref<!tpu.dma_semaphore, #tpu.memory_space<semaphore_mem>>
      %dma_start3A_271 = tpu.memref_slice %arg2[%mul3A_195] : memref<204800xi32, #tpu.memory_space<hbm>> -> memref<800xi32, #tpu.memory_space<hbm>>
      %dma_start3A_272 = tpu.memref_slice %arg2[%mul3A_195] : memref<204800xi32, #tpu.memory_space<hbm>> -> memref<800xi32, #tpu.memory_space<hbm>>
      tpu.enqueue_dma source(%dma_start3A_272 : memref<800xi32, #tpu.memory_space<hbm>>) target(%arg9 : memref<800xi32, #tpu.memory_space<vmem>>) target_semaphore(%run_scoped3A : memref<!tpu.dma_semaphore, #tpu.memory_space<semaphore_mem>>)
      %dma_wait3A_273 = tpu.memref_slice %arg2[%mul3A_195] : memref<204800xi32, #tpu.memory_space<hbm>> -> memref<800xi32, #tpu.memory_space<hbm>>
      %dma_wait3A_274 = tpu.memref_slice %arg2[%mul3A_195] : memref<204800xi32, #tpu.memory_space<hbm>> -> memref<800xi32, #tpu.memory_space<hbm>>
      tpu.wait_dma2 semaphore(%run_scoped3A : memref<!tpu.dma_semaphore, #tpu.memory_space<semaphore_mem>>) src(%dma_wait3A_274 : memref<800xi32, #tpu.memory_space<hbm>>) dst(%arg9 : memref<800xi32, #tpu.memory_space<vmem>>)
      tpu.yield
    }) : () -> ()
    %add3A_196 = arith.constant 48 : i32
    %add3A_197 = vector.broadcast %add3A_196 : i32 to vector<16xi32>
    %add3A_198 = arith.addi %add3A_197, %iota3A : vector<16xi32>
    %scan3A_199 = arith.constant 0 : i32
    %scan3A_200 = arith.constant 10 : i32
    %scan3A_201 = arith.addi %scan3A_199, %scan3A_200 : i32
    %scan3A_202 = arith.constant 1 : i32
    %scan3A_203 = scf.for %scan3A_271 = %scan3A_199 to %scan3A_201 step %scan3A_202 iter_args(%scan3A_272 = %broadcast_in_dim3A_3) -> (vector<16xf32>)  : i32 {
      %mul3A_273 = arith.constant 5 : i32
      %mul3A_274 = arith.muli %scan3A_271, %mul3A_273 : i32
      %add3A_275 = arith.constant 0 : i32
      %add3A_276 = arith.addi %mul3A_274, %add3A_275 : i32
      %add3A_277 = vector.broadcast %add3A_276 : i32 to vector<16xi32>
      %add3A_278 = arith.addi %mul3A_6, %add3A_277 : vector<16xi32>
      %gather3A = tpu.vector_load_idx %arg8[%add3A_278] : memref<800xi32, #tpu.memory_space<vmem>>[vector<16xi32>], vector<16xi32>,
      %mul3A_279 = arith.constant 5 : i32
      %mul3A_280 = arith.muli %scan3A_271, %mul3A_279 : i32
      %add3A_281 = arith.constant 0 : i32
      %add3A_282 = arith.addi %mul3A_280, %add3A_281 : i32
      %add3A_283 = vector.broadcast %add3A_282 : i32 to vector<16xi32>
      %add3A_284 = arith.addi %mul3A_6, %add3A_283 : vector<16xi32>
      %gather3A_285 = tpu.vector_load_idx %arg9[%add3A_284] : memref<800xi32, #tpu.memory_space<vmem>>[vector<16xi32>], vector<16xi32>,
      %gather3A_286 = tpu.vector_load_idx %arg11[%gather3A, %add3A_198] : memref<1000x128xf32, #tpu.memory_space<vmem>>[vector<16xi32>, vector<16xi32>], vector<16xf32>,
      %bitcast3A = vector.bitcast %gather3A_285 : vector<16xi32> to vector<16xf32>
      %mul3A_287 = arith.mulf %bitcast3A, %gather3A_286 : vector<16xf32>
      %add3A_288 = arith.addf %scan3A_272, %mul3A_287 : vector<16xf32>
      %mul3A_289 = arith.constant 5 : i32
      %mul3A_290 = arith.muli %scan3A_271, %mul3A_289 : i32
      %add3A_291 = arith.constant 1 : i32
      %add3A_292 = arith.addi %mul3A_290, %add3A_291 : i32
      %add3A_293 = vector.broadcast %add3A_292 : i32 to vector<16xi32>
      %add3A_294 = arith.addi %mul3A_6, %add3A_293 : vector<16xi32>
      %gather3A_295 = tpu.vector_load_idx %arg8[%add3A_294] : memref<800xi32, #tpu.memory_space<vmem>>[vector<16xi32>], vector<16xi32>,
      %mul3A_296 = arith.constant 5 : i32
      %mul3A_297 = arith.muli %scan3A_271, %mul3A_296 : i32
      %add3A_298 = arith.constant 1 : i32
      %add3A_299 = arith.addi %mul3A_297, %add3A_298 : i32
      %add3A_300 = vector.broadcast %add3A_299 : i32 to vector<16xi32>
      %add3A_301 = arith.addi %mul3A_6, %add3A_300 : vector<16xi32>
      %gather3A_302 = tpu.vector_load_idx %arg9[%add3A_301] : memref<800xi32, #tpu.memory_space<vmem>>[vector<16xi32>], vector<16xi32>,
      %gather3A_303 = tpu.vector_load_idx %arg11[%gather3A_295, %add3A_198] : memref<1000x128xf32, #tpu.memory_space<vmem>>[vector<16xi32>, vector<16xi32>], vector<16xf32>,
      %bitcast3A_304 = vector.bitcast %gather3A_302 : vector<16xi32> to vector<16xf32>
      %mul3A_305 = arith.mulf %bitcast3A_304, %gather3A_303 : vector<16xf32>
      %add3A_306 = arith.addf %add3A_288, %mul3A_305 : vector<16xf32>
      %mul3A_307 = arith.constant 5 : i32
      %mul3A_308 = arith.muli %scan3A_271, %mul3A_307 : i32
      %add3A_309 = arith.constant 2 : i32
      %add3A_310 = arith.addi %mul3A_308, %add3A_309 : i32
      %add3A_311 = vector.broadcast %add3A_310 : i32 to vector<16xi32>
      %add3A_312 = arith.addi %mul3A_6, %add3A_311 : vector<16xi32>
      %gather3A_313 = tpu.vector_load_idx %arg8[%add3A_312] : memref<800xi32, #tpu.memory_space<vmem>>[vector<16xi32>], vector<16xi32>,
      %mul3A_314 = arith.constant 5 : i32
      %mul3A_315 = arith.muli %scan3A_271, %mul3A_314 : i32
      %add3A_316 = arith.constant 2 : i32
      %add3A_317 = arith.addi %mul3A_315, %add3A_316 : i32
      %add3A_318 = vector.broadcast %add3A_317 : i32 to vector<16xi32>
      %add3A_319 = arith.addi %mul3A_6, %add3A_318 : vector<16xi32>
      %gather3A_320 = tpu.vector_load_idx %arg9[%add3A_319] : memref<800xi32, #tpu.memory_space<vmem>>[vector<16xi32>], vector<16xi32>,
      %gather3A_321 = tpu.vector_load_idx %arg11[%gather3A_313, %add3A_198] : memref<1000x128xf32, #tpu.memory_space<vmem>>[vector<16xi32>, vector<16xi32>], vector<16xf32>,
      %bitcast3A_322 = vector.bitcast %gather3A_320 : vector<16xi32> to vector<16xf32>
      %mul3A_323 = arith.mulf %bitcast3A_322, %gather3A_321 : vector<16xf32>
      %add3A_324 = arith.addf %add3A_306, %mul3A_323 : vector<16xf32>
      %mul3A_325 = arith.constant 5 : i32
      %mul3A_326 = arith.muli %scan3A_271, %mul3A_325 : i32
      %add3A_327 = arith.constant 3 : i32
      %add3A_328 = arith.addi %mul3A_326, %add3A_327 : i32
      %add3A_329 = vector.broadcast %add3A_328 : i32 to vector<16xi32>
      %add3A_330 = arith.addi %mul3A_6, %add3A_329 : vector<16xi32>
      %gather3A_331 = tpu.vector_load_idx %arg8[%add3A_330] : memref<800xi32, #tpu.memory_space<vmem>>[vector<16xi32>], vector<16xi32>,
      %mul3A_332 = arith.constant 5 : i32
      %mul3A_333 = arith.muli %scan3A_271, %mul3A_332 : i32
      %add3A_334 = arith.constant 3 : i32
      %add3A_335 = arith.addi %mul3A_333, %add3A_334 : i32
      %add3A_336 = vector.broadcast %add3A_335 : i32 to vector<16xi32>
      %add3A_337 = arith.addi %mul3A_6, %add3A_336 : vector<16xi32>
      %gather3A_338 = tpu.vector_load_idx %arg9[%add3A_337] : memref<800xi32, #tpu.memory_space<vmem>>[vector<16xi32>], vector<16xi32>,
      %gather3A_339 = tpu.vector_load_idx %arg11[%gather3A_331, %add3A_198] : memref<1000x128xf32, #tpu.memory_space<vmem>>[vector<16xi32>, vector<16xi32>], vector<16xf32>,
      %bitcast3A_340 = vector.bitcast %gather3A_338 : vector<16xi32> to vector<16xf32>
      %mul3A_341 = arith.mulf %bitcast3A_340, %gather3A_339 : vector<16xf32>
      %add3A_342 = arith.addf %add3A_324, %mul3A_341 : vector<16xf32>
      %mul3A_343 = arith.constant 5 : i32
      %mul3A_344 = arith.muli %scan3A_271, %mul3A_343 : i32
      %add3A_345 = arith.constant 4 : i32
      %add3A_346 = arith.addi %mul3A_344, %add3A_345 : i32
      %add3A_347 = vector.broadcast %add3A_346 : i32 to vector<16xi32>
      %add3A_348 = arith.addi %mul3A_6, %add3A_347 : vector<16xi32>
      %gather3A_349 = tpu.vector_load_idx %arg8[%add3A_348] : memref<800xi32, #tpu.memory_space<vmem>>[vector<16xi32>], vector<16xi32>,
      %mul3A_350 = arith.constant 5 : i32
      %mul3A_351 = arith.muli %scan3A_271, %mul3A_350 : i32
      %add3A_352 = arith.constant 4 : i32
      %add3A_353 = arith.addi %mul3A_351, %add3A_352 : i32
      %add3A_354 = vector.broadcast %add3A_353 : i32 to vector<16xi32>
      %add3A_355 = arith.addi %mul3A_6, %add3A_354 : vector<16xi32>
      %gather3A_356 = tpu.vector_load_idx %arg9[%add3A_355] : memref<800xi32, #tpu.memory_space<vmem>>[vector<16xi32>], vector<16xi32>,
      %gather3A_357 = tpu.vector_load_idx %arg11[%gather3A_349, %add3A_198] : memref<1000x128xf32, #tpu.memory_space<vmem>>[vector<16xi32>, vector<16xi32>], vector<16xf32>,
      %bitcast3A_358 = vector.bitcast %gather3A_356 : vector<16xi32> to vector<16xf32>
      %mul3A_359 = arith.mulf %bitcast3A_358, %gather3A_357 : vector<16xf32>
      %add3A_360 = arith.addf %add3A_342, %mul3A_359 : vector<16xf32>
      scf.yield %add3A_360 : vector<16xf32>
    }
    %scan3A_204 = arith.constant 10 : i32
    %swap3A_205 = arith.constant 48 : index
    %swap3A_206 = tpu.vector_load %arg10[%swap3A_205] {strides = array<i32>} : memref<1008xf32, #tpu.memory_space<vmem>>, vector<16xf32>,
    tpu.vector_store %arg10[%swap3A_205], %scan3A_203 {strides = array<i32>} : memref<1008xf32, #tpu.memory_space<vmem>>, vector<16xf32>,
    %add3A_207 = arith.constant 64 : i32
    %add3A_208 = arith.addi %mul3A_2, %add3A_207 : i32
    %mul3A_209 = arith.constant 50 : i32
    %mul3A_210 = arith.muli %add3A_208, %mul3A_209 : i32
    "tpu.region"() ({
      %run_scoped3A = tpu.sem_alloc : memref<!tpu.dma_semaphore, #tpu.memory_space<semaphore_mem>>
      %dma_start3A_271 = tpu.memref_slice %arg3[%mul3A_210] : memref<204800xi32, #tpu.memory_space<hbm>> -> memref<800xi32, #tpu.memory_space<hbm>>
      %dma_start3A_272 = tpu.memref_slice %arg3[%mul3A_210] : memref<204800xi32, #tpu.memory_space<hbm>> -> memref<800xi32, #tpu.memory_space<hbm>>
      tpu.enqueue_dma source(%dma_start3A_272 : memref<800xi32, #tpu.memory_space<hbm>>) target(%arg8 : memref<800xi32, #tpu.memory_space<vmem>>) target_semaphore(%run_scoped3A : memref<!tpu.dma_semaphore, #tpu.memory_space<semaphore_mem>>)
      %dma_wait3A_273 = tpu.memref_slice %arg3[%mul3A_210] : memref<204800xi32, #tpu.memory_space<hbm>> -> memref<800xi32, #tpu.memory_space<hbm>>
      %dma_wait3A_274 = tpu.memref_slice %arg3[%mul3A_210] : memref<204800xi32, #tpu.memory_space<hbm>> -> memref<800xi32, #tpu.memory_space<hbm>>
      tpu.wait_dma2 semaphore(%run_scoped3A : memref<!tpu.dma_semaphore, #tpu.memory_space<semaphore_mem>>) src(%dma_wait3A_274 : memref<800xi32, #tpu.memory_space<hbm>>) dst(%arg8 : memref<800xi32, #tpu.memory_space<vmem>>)
      tpu.yield
    }) : () -> ()
    "tpu.region"() ({
      %run_scoped3A = tpu.sem_alloc : memref<!tpu.dma_semaphore, #tpu.memory_space<semaphore_mem>>
      %dma_start3A_271 = tpu.memref_slice %arg2[%mul3A_210] : memref<204800xi32, #tpu.memory_space<hbm>> -> memref<800xi32, #tpu.memory_space<hbm>>
      %dma_start3A_272 = tpu.memref_slice %arg2[%mul3A_210] : memref<204800xi32, #tpu.memory_space<hbm>> -> memref<800xi32, #tpu.memory_space<hbm>>
      tpu.enqueue_dma source(%dma_start3A_272 : memref<800xi32, #tpu.memory_space<hbm>>) target(%arg9 : memref<800xi32, #tpu.memory_space<vmem>>) target_semaphore(%run_scoped3A : memref<!tpu.dma_semaphore, #tpu.memory_space<semaphore_mem>>)
      %dma_wait3A_273 = tpu.memref_slice %arg2[%mul3A_210] : memref<204800xi32, #tpu.memory_space<hbm>> -> memref<800xi32, #tpu.memory_space<hbm>>
      %dma_wait3A_274 = tpu.memref_slice %arg2[%mul3A_210] : memref<204800xi32, #tpu.memory_space<hbm>> -> memref<800xi32, #tpu.memory_space<hbm>>
      tpu.wait_dma2 semaphore(%run_scoped3A : memref<!tpu.dma_semaphore, #tpu.memory_space<semaphore_mem>>) src(%dma_wait3A_274 : memref<800xi32, #tpu.memory_space<hbm>>) dst(%arg9 : memref<800xi32, #tpu.memory_space<vmem>>)
      tpu.yield
    }) : () -> ()
    %add3A_211 = arith.constant 64 : i32
    %add3A_212 = vector.broadcast %add3A_211 : i32 to vector<16xi32>
    %add3A_213 = arith.addi %add3A_212, %iota3A : vector<16xi32>
    %scan3A_214 = arith.constant 0 : i32
    %scan3A_215 = arith.constant 10 : i32
    %scan3A_216 = arith.addi %scan3A_214, %scan3A_215 : i32
    %scan3A_217 = arith.constant 1 : i32
    %scan3A_218 = scf.for %scan3A_271 = %scan3A_214 to %scan3A_216 step %scan3A_217 iter_args(%scan3A_272 = %broadcast_in_dim3A_3) -> (vector<16xf32>)  : i32 {
      %mul3A_273 = arith.constant 5 : i32
      %mul3A_274 = arith.muli %scan3A_271, %mul3A_273 : i32
      %add3A_275 = arith.constant 0 : i32
      %add3A_276 = arith.addi %mul3A_274, %add3A_275 : i32
      %add3A_277 = vector.broadcast %add3A_276 : i32 to vector<16xi32>
      %add3A_278 = arith.addi %mul3A_6, %add3A_277 : vector<16xi32>
      %gather3A = tpu.vector_load_idx %arg8[%add3A_278] : memref<800xi32, #tpu.memory_space<vmem>>[vector<16xi32>], vector<16xi32>,
      %mul3A_279 = arith.constant 5 : i32
      %mul3A_280 = arith.muli %scan3A_271, %mul3A_279 : i32
      %add3A_281 = arith.constant 0 : i32
      %add3A_282 = arith.addi %mul3A_280, %add3A_281 : i32
      %add3A_283 = vector.broadcast %add3A_282 : i32 to vector<16xi32>
      %add3A_284 = arith.addi %mul3A_6, %add3A_283 : vector<16xi32>
      %gather3A_285 = tpu.vector_load_idx %arg9[%add3A_284] : memref<800xi32, #tpu.memory_space<vmem>>[vector<16xi32>], vector<16xi32>,
      %gather3A_286 = tpu.vector_load_idx %arg11[%gather3A, %add3A_213] : memref<1000x128xf32, #tpu.memory_space<vmem>>[vector<16xi32>, vector<16xi32>], vector<16xf32>,
      %bitcast3A = vector.bitcast %gather3A_285 : vector<16xi32> to vector<16xf32>
      %mul3A_287 = arith.mulf %bitcast3A, %gather3A_286 : vector<16xf32>
      %add3A_288 = arith.addf %scan3A_272, %mul3A_287 : vector<16xf32>
      %mul3A_289 = arith.constant 5 : i32
      %mul3A_290 = arith.muli %scan3A_271, %mul3A_289 : i32
      %add3A_291 = arith.constant 1 : i32
      %add3A_292 = arith.addi %mul3A_290, %add3A_291 : i32
      %add3A_293 = vector.broadcast %add3A_292 : i32 to vector<16xi32>
      %add3A_294 = arith.addi %mul3A_6, %add3A_293 : vector<16xi32>
      %gather3A_295 = tpu.vector_load_idx %arg8[%add3A_294] : memref<800xi32, #tpu.memory_space<vmem>>[vector<16xi32>], vector<16xi32>,
      %mul3A_296 = arith.constant 5 : i32
      %mul3A_297 = arith.muli %scan3A_271, %mul3A_296 : i32
      %add3A_298 = arith.constant 1 : i32
      %add3A_299 = arith.addi %mul3A_297, %add3A_298 : i32
      %add3A_300 = vector.broadcast %add3A_299 : i32 to vector<16xi32>
      %add3A_301 = arith.addi %mul3A_6, %add3A_300 : vector<16xi32>
      %gather3A_302 = tpu.vector_load_idx %arg9[%add3A_301] : memref<800xi32, #tpu.memory_space<vmem>>[vector<16xi32>], vector<16xi32>,
      %gather3A_303 = tpu.vector_load_idx %arg11[%gather3A_295, %add3A_213] : memref<1000x128xf32, #tpu.memory_space<vmem>>[vector<16xi32>, vector<16xi32>], vector<16xf32>,
      %bitcast3A_304 = vector.bitcast %gather3A_302 : vector<16xi32> to vector<16xf32>
      %mul3A_305 = arith.mulf %bitcast3A_304, %gather3A_303 : vector<16xf32>
      %add3A_306 = arith.addf %add3A_288, %mul3A_305 : vector<16xf32>
      %mul3A_307 = arith.constant 5 : i32
      %mul3A_308 = arith.muli %scan3A_271, %mul3A_307 : i32
      %add3A_309 = arith.constant 2 : i32
      %add3A_310 = arith.addi %mul3A_308, %add3A_309 : i32
      %add3A_311 = vector.broadcast %add3A_310 : i32 to vector<16xi32>
      %add3A_312 = arith.addi %mul3A_6, %add3A_311 : vector<16xi32>
      %gather3A_313 = tpu.vector_load_idx %arg8[%add3A_312] : memref<800xi32, #tpu.memory_space<vmem>>[vector<16xi32>], vector<16xi32>,
      %mul3A_314 = arith.constant 5 : i32
      %mul3A_315 = arith.muli %scan3A_271, %mul3A_314 : i32
      %add3A_316 = arith.constant 2 : i32
      %add3A_317 = arith.addi %mul3A_315, %add3A_316 : i32
      %add3A_318 = vector.broadcast %add3A_317 : i32 to vector<16xi32>
      %add3A_319 = arith.addi %mul3A_6, %add3A_318 : vector<16xi32>
      %gather3A_320 = tpu.vector_load_idx %arg9[%add3A_319] : memref<800xi32, #tpu.memory_space<vmem>>[vector<16xi32>], vector<16xi32>,
      %gather3A_321 = tpu.vector_load_idx %arg11[%gather3A_313, %add3A_213] : memref<1000x128xf32, #tpu.memory_space<vmem>>[vector<16xi32>, vector<16xi32>], vector<16xf32>,
      %bitcast3A_322 = vector.bitcast %gather3A_320 : vector<16xi32> to vector<16xf32>
      %mul3A_323 = arith.mulf %bitcast3A_322, %gather3A_321 : vector<16xf32>
      %add3A_324 = arith.addf %add3A_306, %mul3A_323 : vector<16xf32>
      %mul3A_325 = arith.constant 5 : i32
      %mul3A_326 = arith.muli %scan3A_271, %mul3A_325 : i32
      %add3A_327 = arith.constant 3 : i32
      %add3A_328 = arith.addi %mul3A_326, %add3A_327 : i32
      %add3A_329 = vector.broadcast %add3A_328 : i32 to vector<16xi32>
      %add3A_330 = arith.addi %mul3A_6, %add3A_329 : vector<16xi32>
      %gather3A_331 = tpu.vector_load_idx %arg8[%add3A_330] : memref<800xi32, #tpu.memory_space<vmem>>[vector<16xi32>], vector<16xi32>,
      %mul3A_332 = arith.constant 5 : i32
      %mul3A_333 = arith.muli %scan3A_271, %mul3A_332 : i32
      %add3A_334 = arith.constant 3 : i32
      %add3A_335 = arith.addi %mul3A_333, %add3A_334 : i32
      %add3A_336 = vector.broadcast %add3A_335 : i32 to vector<16xi32>
      %add3A_337 = arith.addi %mul3A_6, %add3A_336 : vector<16xi32>
      %gather3A_338 = tpu.vector_load_idx %arg9[%add3A_337] : memref<800xi32, #tpu.memory_space<vmem>>[vector<16xi32>], vector<16xi32>,
      %gather3A_339 = tpu.vector_load_idx %arg11[%gather3A_331, %add3A_213] : memref<1000x128xf32, #tpu.memory_space<vmem>>[vector<16xi32>, vector<16xi32>], vector<16xf32>,
      %bitcast3A_340 = vector.bitcast %gather3A_338 : vector<16xi32> to vector<16xf32>
      %mul3A_341 = arith.mulf %bitcast3A_340, %gather3A_339 : vector<16xf32>
      %add3A_342 = arith.addf %add3A_324, %mul3A_341 : vector<16xf32>
      %mul3A_343 = arith.constant 5 : i32
      %mul3A_344 = arith.muli %scan3A_271, %mul3A_343 : i32
      %add3A_345 = arith.constant 4 : i32
      %add3A_346 = arith.addi %mul3A_344, %add3A_345 : i32
      %add3A_347 = vector.broadcast %add3A_346 : i32 to vector<16xi32>
      %add3A_348 = arith.addi %mul3A_6, %add3A_347 : vector<16xi32>
      %gather3A_349 = tpu.vector_load_idx %arg8[%add3A_348] : memref<800xi32, #tpu.memory_space<vmem>>[vector<16xi32>], vector<16xi32>,
      %mul3A_350 = arith.constant 5 : i32
      %mul3A_351 = arith.muli %scan3A_271, %mul3A_350 : i32
      %add3A_352 = arith.constant 4 : i32
      %add3A_353 = arith.addi %mul3A_351, %add3A_352 : i32
      %add3A_354 = vector.broadcast %add3A_353 : i32 to vector<16xi32>
      %add3A_355 = arith.addi %mul3A_6, %add3A_354 : vector<16xi32>
      %gather3A_356 = tpu.vector_load_idx %arg9[%add3A_355] : memref<800xi32, #tpu.memory_space<vmem>>[vector<16xi32>], vector<16xi32>,
      %gather3A_357 = tpu.vector_load_idx %arg11[%gather3A_349, %add3A_213] : memref<1000x128xf32, #tpu.memory_space<vmem>>[vector<16xi32>, vector<16xi32>], vector<16xf32>,
      %bitcast3A_358 = vector.bitcast %gather3A_356 : vector<16xi32> to vector<16xf32>
      %mul3A_359 = arith.mulf %bitcast3A_358, %gather3A_357 : vector<16xf32>
      %add3A_360 = arith.addf %add3A_342, %mul3A_359 : vector<16xf32>
      scf.yield %add3A_360 : vector<16xf32>
    }
    %scan3A_219 = arith.constant 10 : i32
    %swap3A_220 = arith.constant 64 : index
    %swap3A_221 = tpu.vector_load %arg10[%swap3A_220] {strides = array<i32>} : memref<1008xf32, #tpu.memory_space<vmem>>, vector<16xf32>,
    tpu.vector_store %arg10[%swap3A_220], %scan3A_218 {strides = array<i32>} : memref<1008xf32, #tpu.memory_space<vmem>>, vector<16xf32>,
    %add3A_222 = arith.constant 80 : i32
    %add3A_223 = arith.addi %mul3A_2, %add3A_222 : i32
    %mul3A_224 = arith.constant 50 : i32
    %mul3A_225 = arith.muli %add3A_223, %mul3A_224 : i32
    "tpu.region"() ({
      %run_scoped3A = tpu.sem_alloc : memref<!tpu.dma_semaphore, #tpu.memory_space<semaphore_mem>>
      %dma_start3A_271 = tpu.memref_slice %arg3[%mul3A_225] : memref<204800xi32, #tpu.memory_space<hbm>> -> memref<800xi32, #tpu.memory_space<hbm>>
      %dma_start3A_272 = tpu.memref_slice %arg3[%mul3A_225] : memref<204800xi32, #tpu.memory_space<hbm>> -> memref<800xi32, #tpu.memory_space<hbm>>
      tpu.enqueue_dma source(%dma_start3A_272 : memref<800xi32, #tpu.memory_space<hbm>>) target(%arg8 : memref<800xi32, #tpu.memory_space<vmem>>) target_semaphore(%run_scoped3A : memref<!tpu.dma_semaphore, #tpu.memory_space<semaphore_mem>>)
      %dma_wait3A_273 = tpu.memref_slice %arg3[%mul3A_225] : memref<204800xi32, #tpu.memory_space<hbm>> -> memref<800xi32, #tpu.memory_space<hbm>>
      %dma_wait3A_274 = tpu.memref_slice %arg3[%mul3A_225] : memref<204800xi32, #tpu.memory_space<hbm>> -> memref<800xi32, #tpu.memory_space<hbm>>
      tpu.wait_dma2 semaphore(%run_scoped3A : memref<!tpu.dma_semaphore, #tpu.memory_space<semaphore_mem>>) src(%dma_wait3A_274 : memref<800xi32, #tpu.memory_space<hbm>>) dst(%arg8 : memref<800xi32, #tpu.memory_space<vmem>>)
      tpu.yield
    }) : () -> ()
    "tpu.region"() ({
      %run_scoped3A = tpu.sem_alloc : memref<!tpu.dma_semaphore, #tpu.memory_space<semaphore_mem>>
      %dma_start3A_271 = tpu.memref_slice %arg2[%mul3A_225] : memref<204800xi32, #tpu.memory_space<hbm>> -> memref<800xi32, #tpu.memory_space<hbm>>
      %dma_start3A_272 = tpu.memref_slice %arg2[%mul3A_225] : memref<204800xi32, #tpu.memory_space<hbm>> -> memref<800xi32, #tpu.memory_space<hbm>>
      tpu.enqueue_dma source(%dma_start3A_272 : memref<800xi32, #tpu.memory_space<hbm>>) target(%arg9 : memref<800xi32, #tpu.memory_space<vmem>>) target_semaphore(%run_scoped3A : memref<!tpu.dma_semaphore, #tpu.memory_space<semaphore_mem>>)
      %dma_wait3A_273 = tpu.memref_slice %arg2[%mul3A_225] : memref<204800xi32, #tpu.memory_space<hbm>> -> memref<800xi32, #tpu.memory_space<hbm>>
      %dma_wait3A_274 = tpu.memref_slice %arg2[%mul3A_225] : memref<204800xi32, #tpu.memory_space<hbm>> -> memref<800xi32, #tpu.memory_space<hbm>>
      tpu.wait_dma2 semaphore(%run_scoped3A : memref<!tpu.dma_semaphore, #tpu.memory_space<semaphore_mem>>) src(%dma_wait3A_274 : memref<800xi32, #tpu.memory_space<hbm>>) dst(%arg9 : memref<800xi32, #tpu.memory_space<vmem>>)
      tpu.yield
    }) : () -> ()
    %add3A_226 = arith.constant 80 : i32
    %add3A_227 = vector.broadcast %add3A_226 : i32 to vector<16xi32>
    %add3A_228 = arith.addi %add3A_227, %iota3A : vector<16xi32>
    %scan3A_229 = arith.constant 0 : i32
    %scan3A_230 = arith.constant 10 : i32
    %scan3A_231 = arith.addi %scan3A_229, %scan3A_230 : i32
    %scan3A_232 = arith.constant 1 : i32
    %scan3A_233 = scf.for %scan3A_271 = %scan3A_229 to %scan3A_231 step %scan3A_232 iter_args(%scan3A_272 = %broadcast_in_dim3A_3) -> (vector<16xf32>)  : i32 {
      %mul3A_273 = arith.constant 5 : i32
      %mul3A_274 = arith.muli %scan3A_271, %mul3A_273 : i32
      %add3A_275 = arith.constant 0 : i32
      %add3A_276 = arith.addi %mul3A_274, %add3A_275 : i32
      %add3A_277 = vector.broadcast %add3A_276 : i32 to vector<16xi32>
      %add3A_278 = arith.addi %mul3A_6, %add3A_277 : vector<16xi32>
      %gather3A = tpu.vector_load_idx %arg8[%add3A_278] : memref<800xi32, #tpu.memory_space<vmem>>[vector<16xi32>], vector<16xi32>,
      %mul3A_279 = arith.constant 5 : i32
      %mul3A_280 = arith.muli %scan3A_271, %mul3A_279 : i32
      %add3A_281 = arith.constant 0 : i32
      %add3A_282 = arith.addi %mul3A_280, %add3A_281 : i32
      %add3A_283 = vector.broadcast %add3A_282 : i32 to vector<16xi32>
      %add3A_284 = arith.addi %mul3A_6, %add3A_283 : vector<16xi32>
      %gather3A_285 = tpu.vector_load_idx %arg9[%add3A_284] : memref<800xi32, #tpu.memory_space<vmem>>[vector<16xi32>], vector<16xi32>,
      %gather3A_286 = tpu.vector_load_idx %arg11[%gather3A, %add3A_228] : memref<1000x128xf32, #tpu.memory_space<vmem>>[vector<16xi32>, vector<16xi32>], vector<16xf32>,
      %bitcast3A = vector.bitcast %gather3A_285 : vector<16xi32> to vector<16xf32>
      %mul3A_287 = arith.mulf %bitcast3A, %gather3A_286 : vector<16xf32>
      %add3A_288 = arith.addf %scan3A_272, %mul3A_287 : vector<16xf32>
      %mul3A_289 = arith.constant 5 : i32
      %mul3A_290 = arith.muli %scan3A_271, %mul3A_289 : i32
      %add3A_291 = arith.constant 1 : i32
      %add3A_292 = arith.addi %mul3A_290, %add3A_291 : i32
      %add3A_293 = vector.broadcast %add3A_292 : i32 to vector<16xi32>
      %add3A_294 = arith.addi %mul3A_6, %add3A_293 : vector<16xi32>
      %gather3A_295 = tpu.vector_load_idx %arg8[%add3A_294] : memref<800xi32, #tpu.memory_space<vmem>>[vector<16xi32>], vector<16xi32>,
      %mul3A_296 = arith.constant 5 : i32
      %mul3A_297 = arith.muli %scan3A_271, %mul3A_296 : i32
      %add3A_298 = arith.constant 1 : i32
      %add3A_299 = arith.addi %mul3A_297, %add3A_298 : i32
      %add3A_300 = vector.broadcast %add3A_299 : i32 to vector<16xi32>
      %add3A_301 = arith.addi %mul3A_6, %add3A_300 : vector<16xi32>
      %gather3A_302 = tpu.vector_load_idx %arg9[%add3A_301] : memref<800xi32, #tpu.memory_space<vmem>>[vector<16xi32>], vector<16xi32>,
      %gather3A_303 = tpu.vector_load_idx %arg11[%gather3A_295, %add3A_228] : memref<1000x128xf32, #tpu.memory_space<vmem>>[vector<16xi32>, vector<16xi32>], vector<16xf32>,
      %bitcast3A_304 = vector.bitcast %gather3A_302 : vector<16xi32> to vector<16xf32>
      %mul3A_305 = arith.mulf %bitcast3A_304, %gather3A_303 : vector<16xf32>
      %add3A_306 = arith.addf %add3A_288, %mul3A_305 : vector<16xf32>
      %mul3A_307 = arith.constant 5 : i32
      %mul3A_308 = arith.muli %scan3A_271, %mul3A_307 : i32
      %add3A_309 = arith.constant 2 : i32
      %add3A_310 = arith.addi %mul3A_308, %add3A_309 : i32
      %add3A_311 = vector.broadcast %add3A_310 : i32 to vector<16xi32>
      %add3A_312 = arith.addi %mul3A_6, %add3A_311 : vector<16xi32>
      %gather3A_313 = tpu.vector_load_idx %arg8[%add3A_312] : memref<800xi32, #tpu.memory_space<vmem>>[vector<16xi32>], vector<16xi32>,
      %mul3A_314 = arith.constant 5 : i32
      %mul3A_315 = arith.muli %scan3A_271, %mul3A_314 : i32
      %add3A_316 = arith.constant 2 : i32
      %add3A_317 = arith.addi %mul3A_315, %add3A_316 : i32
      %add3A_318 = vector.broadcast %add3A_317 : i32 to vector<16xi32>
      %add3A_319 = arith.addi %mul3A_6, %add3A_318 : vector<16xi32>
      %gather3A_320 = tpu.vector_load_idx %arg9[%add3A_319] : memref<800xi32, #tpu.memory_space<vmem>>[vector<16xi32>], vector<16xi32>,
      %gather3A_321 = tpu.vector_load_idx %arg11[%gather3A_313, %add3A_228] : memref<1000x128xf32, #tpu.memory_space<vmem>>[vector<16xi32>, vector<16xi32>], vector<16xf32>,
      %bitcast3A_322 = vector.bitcast %gather3A_320 : vector<16xi32> to vector<16xf32>
      %mul3A_323 = arith.mulf %bitcast3A_322, %gather3A_321 : vector<16xf32>
      %add3A_324 = arith.addf %add3A_306, %mul3A_323 : vector<16xf32>
      %mul3A_325 = arith.constant 5 : i32
      %mul3A_326 = arith.muli %scan3A_271, %mul3A_325 : i32
      %add3A_327 = arith.constant 3 : i32
      %add3A_328 = arith.addi %mul3A_326, %add3A_327 : i32
      %add3A_329 = vector.broadcast %add3A_328 : i32 to vector<16xi32>
      %add3A_330 = arith.addi %mul3A_6, %add3A_329 : vector<16xi32>
      %gather3A_331 = tpu.vector_load_idx %arg8[%add3A_330] : memref<800xi32, #tpu.memory_space<vmem>>[vector<16xi32>], vector<16xi32>,
      %mul3A_332 = arith.constant 5 : i32
      %mul3A_333 = arith.muli %scan3A_271, %mul3A_332 : i32
      %add3A_334 = arith.constant 3 : i32
      %add3A_335 = arith.addi %mul3A_333, %add3A_334 : i32
      %add3A_336 = vector.broadcast %add3A_335 : i32 to vector<16xi32>
      %add3A_337 = arith.addi %mul3A_6, %add3A_336 : vector<16xi32>
      %gather3A_338 = tpu.vector_load_idx %arg9[%add3A_337] : memref<800xi32, #tpu.memory_space<vmem>>[vector<16xi32>], vector<16xi32>,
      %gather3A_339 = tpu.vector_load_idx %arg11[%gather3A_331, %add3A_228] : memref<1000x128xf32, #tpu.memory_space<vmem>>[vector<16xi32>, vector<16xi32>], vector<16xf32>,
      %bitcast3A_340 = vector.bitcast %gather3A_338 : vector<16xi32> to vector<16xf32>
      %mul3A_341 = arith.mulf %bitcast3A_340, %gather3A_339 : vector<16xf32>
      %add3A_342 = arith.addf %add3A_324, %mul3A_341 : vector<16xf32>
      %mul3A_343 = arith.constant 5 : i32
      %mul3A_344 = arith.muli %scan3A_271, %mul3A_343 : i32
      %add3A_345 = arith.constant 4 : i32
      %add3A_346 = arith.addi %mul3A_344, %add3A_345 : i32
      %add3A_347 = vector.broadcast %add3A_346 : i32 to vector<16xi32>
      %add3A_348 = arith.addi %mul3A_6, %add3A_347 : vector<16xi32>
      %gather3A_349 = tpu.vector_load_idx %arg8[%add3A_348] : memref<800xi32, #tpu.memory_space<vmem>>[vector<16xi32>], vector<16xi32>,
      %mul3A_350 = arith.constant 5 : i32
      %mul3A_351 = arith.muli %scan3A_271, %mul3A_350 : i32
      %add3A_352 = arith.constant 4 : i32
      %add3A_353 = arith.addi %mul3A_351, %add3A_352 : i32
      %add3A_354 = vector.broadcast %add3A_353 : i32 to vector<16xi32>
      %add3A_355 = arith.addi %mul3A_6, %add3A_354 : vector<16xi32>
      %gather3A_356 = tpu.vector_load_idx %arg9[%add3A_355] : memref<800xi32, #tpu.memory_space<vmem>>[vector<16xi32>], vector<16xi32>,
      %gather3A_357 = tpu.vector_load_idx %arg11[%gather3A_349, %add3A_228] : memref<1000x128xf32, #tpu.memory_space<vmem>>[vector<16xi32>, vector<16xi32>], vector<16xf32>,
      %bitcast3A_358 = vector.bitcast %gather3A_356 : vector<16xi32> to vector<16xf32>
      %mul3A_359 = arith.mulf %bitcast3A_358, %gather3A_357 : vector<16xf32>
      %add3A_360 = arith.addf %add3A_342, %mul3A_359 : vector<16xf32>
      scf.yield %add3A_360 : vector<16xf32>
    }
    %scan3A_234 = arith.constant 10 : i32
    %swap3A_235 = arith.constant 80 : index
    %swap3A_236 = tpu.vector_load %arg10[%swap3A_235] {strides = array<i32>} : memref<1008xf32, #tpu.memory_space<vmem>>, vector<16xf32>,
    tpu.vector_store %arg10[%swap3A_235], %scan3A_233 {strides = array<i32>} : memref<1008xf32, #tpu.memory_space<vmem>>, vector<16xf32>,
    %add3A_237 = arith.constant 96 : i32
    %add3A_238 = arith.addi %mul3A_2, %add3A_237 : i32
    %mul3A_239 = arith.constant 50 : i32
    %mul3A_240 = arith.muli %add3A_238, %mul3A_239 : i32
    "tpu.region"() ({
      %run_scoped3A = tpu.sem_alloc : memref<!tpu.dma_semaphore, #tpu.memory_space<semaphore_mem>>
      %dma_start3A_271 = tpu.memref_slice %arg3[%mul3A_240] : memref<204800xi32, #tpu.memory_space<hbm>> -> memref<800xi32, #tpu.memory_space<hbm>>
      %dma_start3A_272 = tpu.memref_slice %arg3[%mul3A_240] : memref<204800xi32, #tpu.memory_space<hbm>> -> memref<800xi32, #tpu.memory_space<hbm>>
      tpu.enqueue_dma source(%dma_start3A_272 : memref<800xi32, #tpu.memory_space<hbm>>) target(%arg8 : memref<800xi32, #tpu.memory_space<vmem>>) target_semaphore(%run_scoped3A : memref<!tpu.dma_semaphore, #tpu.memory_space<semaphore_mem>>)
      %dma_wait3A_273 = tpu.memref_slice %arg3[%mul3A_240] : memref<204800xi32, #tpu.memory_space<hbm>> -> memref<800xi32, #tpu.memory_space<hbm>>
      %dma_wait3A_274 = tpu.memref_slice %arg3[%mul3A_240] : memref<204800xi32, #tpu.memory_space<hbm>> -> memref<800xi32, #tpu.memory_space<hbm>>
      tpu.wait_dma2 semaphore(%run_scoped3A : memref<!tpu.dma_semaphore, #tpu.memory_space<semaphore_mem>>) src(%dma_wait3A_274 : memref<800xi32, #tpu.memory_space<hbm>>) dst(%arg8 : memref<800xi32, #tpu.memory_space<vmem>>)
      tpu.yield
    }) : () -> ()
    "tpu.region"() ({
      %run_scoped3A = tpu.sem_alloc : memref<!tpu.dma_semaphore, #tpu.memory_space<semaphore_mem>>
      %dma_start3A_271 = tpu.memref_slice %arg2[%mul3A_240] : memref<204800xi32, #tpu.memory_space<hbm>> -> memref<800xi32, #tpu.memory_space<hbm>>
      %dma_start3A_272 = tpu.memref_slice %arg2[%mul3A_240] : memref<204800xi32, #tpu.memory_space<hbm>> -> memref<800xi32, #tpu.memory_space<hbm>>
      tpu.enqueue_dma source(%dma_start3A_272 : memref<800xi32, #tpu.memory_space<hbm>>) target(%arg9 : memref<800xi32, #tpu.memory_space<vmem>>) target_semaphore(%run_scoped3A : memref<!tpu.dma_semaphore, #tpu.memory_space<semaphore_mem>>)
      %dma_wait3A_273 = tpu.memref_slice %arg2[%mul3A_240] : memref<204800xi32, #tpu.memory_space<hbm>> -> memref<800xi32, #tpu.memory_space<hbm>>
      %dma_wait3A_274 = tpu.memref_slice %arg2[%mul3A_240] : memref<204800xi32, #tpu.memory_space<hbm>> -> memref<800xi32, #tpu.memory_space<hbm>>
      tpu.wait_dma2 semaphore(%run_scoped3A : memref<!tpu.dma_semaphore, #tpu.memory_space<semaphore_mem>>) src(%dma_wait3A_274 : memref<800xi32, #tpu.memory_space<hbm>>) dst(%arg9 : memref<800xi32, #tpu.memory_space<vmem>>)
      tpu.yield
    }) : () -> ()
    %add3A_241 = arith.constant 96 : i32
    %add3A_242 = vector.broadcast %add3A_241 : i32 to vector<16xi32>
    %add3A_243 = arith.addi %add3A_242, %iota3A : vector<16xi32>
    %scan3A_244 = arith.constant 0 : i32
    %scan3A_245 = arith.constant 10 : i32
    %scan3A_246 = arith.addi %scan3A_244, %scan3A_245 : i32
    %scan3A_247 = arith.constant 1 : i32
    %scan3A_248 = scf.for %scan3A_271 = %scan3A_244 to %scan3A_246 step %scan3A_247 iter_args(%scan3A_272 = %broadcast_in_dim3A_3) -> (vector<16xf32>)  : i32 {
      %mul3A_273 = arith.constant 5 : i32
      %mul3A_274 = arith.muli %scan3A_271, %mul3A_273 : i32
      %add3A_275 = arith.constant 0 : i32
      %add3A_276 = arith.addi %mul3A_274, %add3A_275 : i32
      %add3A_277 = vector.broadcast %add3A_276 : i32 to vector<16xi32>
      %add3A_278 = arith.addi %mul3A_6, %add3A_277 : vector<16xi32>
      %gather3A = tpu.vector_load_idx %arg8[%add3A_278] : memref<800xi32, #tpu.memory_space<vmem>>[vector<16xi32>], vector<16xi32>,
      %mul3A_279 = arith.constant 5 : i32
      %mul3A_280 = arith.muli %scan3A_271, %mul3A_279 : i32
      %add3A_281 = arith.constant 0 : i32
      %add3A_282 = arith.addi %mul3A_280, %add3A_281 : i32
      %add3A_283 = vector.broadcast %add3A_282 : i32 to vector<16xi32>
      %add3A_284 = arith.addi %mul3A_6, %add3A_283 : vector<16xi32>
      %gather3A_285 = tpu.vector_load_idx %arg9[%add3A_284] : memref<800xi32, #tpu.memory_space<vmem>>[vector<16xi32>], vector<16xi32>,
      %gather3A_286 = tpu.vector_load_idx %arg11[%gather3A, %add3A_243] : memref<1000x128xf32, #tpu.memory_space<vmem>>[vector<16xi32>, vector<16xi32>], vector<16xf32>,
      %bitcast3A = vector.bitcast %gather3A_285 : vector<16xi32> to vector<16xf32>
      %mul3A_287 = arith.mulf %bitcast3A, %gather3A_286 : vector<16xf32>
      %add3A_288 = arith.addf %scan3A_272, %mul3A_287 : vector<16xf32>
      %mul3A_289 = arith.constant 5 : i32
      %mul3A_290 = arith.muli %scan3A_271, %mul3A_289 : i32
      %add3A_291 = arith.constant 1 : i32
      %add3A_292 = arith.addi %mul3A_290, %add3A_291 : i32
      %add3A_293 = vector.broadcast %add3A_292 : i32 to vector<16xi32>
      %add3A_294 = arith.addi %mul3A_6, %add3A_293 : vector<16xi32>
      %gather3A_295 = tpu.vector_load_idx %arg8[%add3A_294] : memref<800xi32, #tpu.memory_space<vmem>>[vector<16xi32>], vector<16xi32>,
      %mul3A_296 = arith.constant 5 : i32
      %mul3A_297 = arith.muli %scan3A_271, %mul3A_296 : i32
      %add3A_298 = arith.constant 1 : i32
      %add3A_299 = arith.addi %mul3A_297, %add3A_298 : i32
      %add3A_300 = vector.broadcast %add3A_299 : i32 to vector<16xi32>
      %add3A_301 = arith.addi %mul3A_6, %add3A_300 : vector<16xi32>
      %gather3A_302 = tpu.vector_load_idx %arg9[%add3A_301] : memref<800xi32, #tpu.memory_space<vmem>>[vector<16xi32>], vector<16xi32>,
      %gather3A_303 = tpu.vector_load_idx %arg11[%gather3A_295, %add3A_243] : memref<1000x128xf32, #tpu.memory_space<vmem>>[vector<16xi32>, vector<16xi32>], vector<16xf32>,
      %bitcast3A_304 = vector.bitcast %gather3A_302 : vector<16xi32> to vector<16xf32>
      %mul3A_305 = arith.mulf %bitcast3A_304, %gather3A_303 : vector<16xf32>
      %add3A_306 = arith.addf %add3A_288, %mul3A_305 : vector<16xf32>
      %mul3A_307 = arith.constant 5 : i32
      %mul3A_308 = arith.muli %scan3A_271, %mul3A_307 : i32
      %add3A_309 = arith.constant 2 : i32
      %add3A_310 = arith.addi %mul3A_308, %add3A_309 : i32
      %add3A_311 = vector.broadcast %add3A_310 : i32 to vector<16xi32>
      %add3A_312 = arith.addi %mul3A_6, %add3A_311 : vector<16xi32>
      %gather3A_313 = tpu.vector_load_idx %arg8[%add3A_312] : memref<800xi32, #tpu.memory_space<vmem>>[vector<16xi32>], vector<16xi32>,
      %mul3A_314 = arith.constant 5 : i32
      %mul3A_315 = arith.muli %scan3A_271, %mul3A_314 : i32
      %add3A_316 = arith.constant 2 : i32
      %add3A_317 = arith.addi %mul3A_315, %add3A_316 : i32
      %add3A_318 = vector.broadcast %add3A_317 : i32 to vector<16xi32>
      %add3A_319 = arith.addi %mul3A_6, %add3A_318 : vector<16xi32>
      %gather3A_320 = tpu.vector_load_idx %arg9[%add3A_319] : memref<800xi32, #tpu.memory_space<vmem>>[vector<16xi32>], vector<16xi32>,
      %gather3A_321 = tpu.vector_load_idx %arg11[%gather3A_313, %add3A_243] : memref<1000x128xf32, #tpu.memory_space<vmem>>[vector<16xi32>, vector<16xi32>], vector<16xf32>,
      %bitcast3A_322 = vector.bitcast %gather3A_320 : vector<16xi32> to vector<16xf32>
      %mul3A_323 = arith.mulf %bitcast3A_322, %gather3A_321 : vector<16xf32>
      %add3A_324 = arith.addf %add3A_306, %mul3A_323 : vector<16xf32>
      %mul3A_325 = arith.constant 5 : i32
      %mul3A_326 = arith.muli %scan3A_271, %mul3A_325 : i32
      %add3A_327 = arith.constant 3 : i32
      %add3A_328 = arith.addi %mul3A_326, %add3A_327 : i32
      %add3A_329 = vector.broadcast %add3A_328 : i32 to vector<16xi32>
      %add3A_330 = arith.addi %mul3A_6, %add3A_329 : vector<16xi32>
      %gather3A_331 = tpu.vector_load_idx %arg8[%add3A_330] : memref<800xi32, #tpu.memory_space<vmem>>[vector<16xi32>], vector<16xi32>,
      %mul3A_332 = arith.constant 5 : i32
      %mul3A_333 = arith.muli %scan3A_271, %mul3A_332 : i32
      %add3A_334 = arith.constant 3 : i32
      %add3A_335 = arith.addi %mul3A_333, %add3A_334 : i32
      %add3A_336 = vector.broadcast %add3A_335 : i32 to vector<16xi32>
      %add3A_337 = arith.addi %mul3A_6, %add3A_336 : vector<16xi32>
      %gather3A_338 = tpu.vector_load_idx %arg9[%add3A_337] : memref<800xi32, #tpu.memory_space<vmem>>[vector<16xi32>], vector<16xi32>,
      %gather3A_339 = tpu.vector_load_idx %arg11[%gather3A_331, %add3A_243] : memref<1000x128xf32, #tpu.memory_space<vmem>>[vector<16xi32>, vector<16xi32>], vector<16xf32>,
      %bitcast3A_340 = vector.bitcast %gather3A_338 : vector<16xi32> to vector<16xf32>
      %mul3A_341 = arith.mulf %bitcast3A_340, %gather3A_339 : vector<16xf32>
      %add3A_342 = arith.addf %add3A_324, %mul3A_341 : vector<16xf32>
      %mul3A_343 = arith.constant 5 : i32
      %mul3A_344 = arith.muli %scan3A_271, %mul3A_343 : i32
      %add3A_345 = arith.constant 4 : i32
      %add3A_346 = arith.addi %mul3A_344, %add3A_345 : i32
      %add3A_347 = vector.broadcast %add3A_346 : i32 to vector<16xi32>
      %add3A_348 = arith.addi %mul3A_6, %add3A_347 : vector<16xi32>
      %gather3A_349 = tpu.vector_load_idx %arg8[%add3A_348] : memref<800xi32, #tpu.memory_space<vmem>>[vector<16xi32>], vector<16xi32>,
      %mul3A_350 = arith.constant 5 : i32
      %mul3A_351 = arith.muli %scan3A_271, %mul3A_350 : i32
      %add3A_352 = arith.constant 4 : i32
      %add3A_353 = arith.addi %mul3A_351, %add3A_352 : i32
      %add3A_354 = vector.broadcast %add3A_353 : i32 to vector<16xi32>
      %add3A_355 = arith.addi %mul3A_6, %add3A_354 : vector<16xi32>
      %gather3A_356 = tpu.vector_load_idx %arg9[%add3A_355] : memref<800xi32, #tpu.memory_space<vmem>>[vector<16xi32>], vector<16xi32>,
      %gather3A_357 = tpu.vector_load_idx %arg11[%gather3A_349, %add3A_243] : memref<1000x128xf32, #tpu.memory_space<vmem>>[vector<16xi32>, vector<16xi32>], vector<16xf32>,
      %bitcast3A_358 = vector.bitcast %gather3A_356 : vector<16xi32> to vector<16xf32>
      %mul3A_359 = arith.mulf %bitcast3A_358, %gather3A_357 : vector<16xf32>
      %add3A_360 = arith.addf %add3A_342, %mul3A_359 : vector<16xf32>
      scf.yield %add3A_360 : vector<16xf32>
    }
    %scan3A_249 = arith.constant 10 : i32
    %swap3A_250 = arith.constant 96 : index
    %swap3A_251 = tpu.vector_load %arg10[%swap3A_250] {strides = array<i32>} : memref<1008xf32, #tpu.memory_space<vmem>>, vector<16xf32>,
    tpu.vector_store %arg10[%swap3A_250], %scan3A_248 {strides = array<i32>} : memref<1008xf32, #tpu.memory_space<vmem>>, vector<16xf32>,
    %add3A_252 = arith.constant 112 : i32
    %add3A_253 = arith.addi %mul3A_2, %add3A_252 : i32
    %mul3A_254 = arith.constant 50 : i32
    %mul3A_255 = arith.muli %add3A_253, %mul3A_254 : i32
    "tpu.region"() ({
      %run_scoped3A = tpu.sem_alloc : memref<!tpu.dma_semaphore, #tpu.memory_space<semaphore_mem>>
      %dma_start3A_271 = tpu.memref_slice %arg3[%mul3A_255] : memref<204800xi32, #tpu.memory_space<hbm>> -> memref<800xi32, #tpu.memory_space<hbm>>
      %dma_start3A_272 = tpu.memref_slice %arg3[%mul3A_255] : memref<204800xi32, #tpu.memory_space<hbm>> -> memref<800xi32, #tpu.memory_space<hbm>>
      tpu.enqueue_dma source(%dma_start3A_272 : memref<800xi32, #tpu.memory_space<hbm>>) target(%arg8 : memref<800xi32, #tpu.memory_space<vmem>>) target_semaphore(%run_scoped3A : memref<!tpu.dma_semaphore, #tpu.memory_space<semaphore_mem>>)
      %dma_wait3A_273 = tpu.memref_slice %arg3[%mul3A_255] : memref<204800xi32, #tpu.memory_space<hbm>> -> memref<800xi32, #tpu.memory_space<hbm>>
      %dma_wait3A_274 = tpu.memref_slice %arg3[%mul3A_255] : memref<204800xi32, #tpu.memory_space<hbm>> -> memref<800xi32, #tpu.memory_space<hbm>>
      tpu.wait_dma2 semaphore(%run_scoped3A : memref<!tpu.dma_semaphore, #tpu.memory_space<semaphore_mem>>) src(%dma_wait3A_274 : memref<800xi32, #tpu.memory_space<hbm>>) dst(%arg8 : memref<800xi32, #tpu.memory_space<vmem>>)
      tpu.yield
    }) : () -> ()
    "tpu.region"() ({
      %run_scoped3A = tpu.sem_alloc : memref<!tpu.dma_semaphore, #tpu.memory_space<semaphore_mem>>
      %dma_start3A_271 = tpu.memref_slice %arg2[%mul3A_255] : memref<204800xi32, #tpu.memory_space<hbm>> -> memref<800xi32, #tpu.memory_space<hbm>>
      %dma_start3A_272 = tpu.memref_slice %arg2[%mul3A_255] : memref<204800xi32, #tpu.memory_space<hbm>> -> memref<800xi32, #tpu.memory_space<hbm>>
      tpu.enqueue_dma source(%dma_start3A_272 : memref<800xi32, #tpu.memory_space<hbm>>) target(%arg9 : memref<800xi32, #tpu.memory_space<vmem>>) target_semaphore(%run_scoped3A : memref<!tpu.dma_semaphore, #tpu.memory_space<semaphore_mem>>)
      %dma_wait3A_273 = tpu.memref_slice %arg2[%mul3A_255] : memref<204800xi32, #tpu.memory_space<hbm>> -> memref<800xi32, #tpu.memory_space<hbm>>
      %dma_wait3A_274 = tpu.memref_slice %arg2[%mul3A_255] : memref<204800xi32, #tpu.memory_space<hbm>> -> memref<800xi32, #tpu.memory_space<hbm>>
      tpu.wait_dma2 semaphore(%run_scoped3A : memref<!tpu.dma_semaphore, #tpu.memory_space<semaphore_mem>>) src(%dma_wait3A_274 : memref<800xi32, #tpu.memory_space<hbm>>) dst(%arg9 : memref<800xi32, #tpu.memory_space<vmem>>)
      tpu.yield
    }) : () -> ()
    %add3A_256 = arith.constant 112 : i32
    %add3A_257 = vector.broadcast %add3A_256 : i32 to vector<16xi32>
    %add3A_258 = arith.addi %add3A_257, %iota3A : vector<16xi32>
    %scan3A_259 = arith.constant 0 : i32
    %scan3A_260 = arith.constant 10 : i32
    %scan3A_261 = arith.addi %scan3A_259, %scan3A_260 : i32
    %scan3A_262 = arith.constant 1 : i32
    %scan3A_263 = scf.for %scan3A_271 = %scan3A_259 to %scan3A_261 step %scan3A_262 iter_args(%scan3A_272 = %broadcast_in_dim3A_3) -> (vector<16xf32>)  : i32 {
      %mul3A_273 = arith.constant 5 : i32
      %mul3A_274 = arith.muli %scan3A_271, %mul3A_273 : i32
      %add3A_275 = arith.constant 0 : i32
      %add3A_276 = arith.addi %mul3A_274, %add3A_275 : i32
      %add3A_277 = vector.broadcast %add3A_276 : i32 to vector<16xi32>
      %add3A_278 = arith.addi %mul3A_6, %add3A_277 : vector<16xi32>
      %gather3A = tpu.vector_load_idx %arg8[%add3A_278] : memref<800xi32, #tpu.memory_space<vmem>>[vector<16xi32>], vector<16xi32>,
      %mul3A_279 = arith.constant 5 : i32
      %mul3A_280 = arith.muli %scan3A_271, %mul3A_279 : i32
      %add3A_281 = arith.constant 0 : i32
      %add3A_282 = arith.addi %mul3A_280, %add3A_281 : i32
      %add3A_283 = vector.broadcast %add3A_282 : i32 to vector<16xi32>
      %add3A_284 = arith.addi %mul3A_6, %add3A_283 : vector<16xi32>
      %gather3A_285 = tpu.vector_load_idx %arg9[%add3A_284] : memref<800xi32, #tpu.memory_space<vmem>>[vector<16xi32>], vector<16xi32>,
      %gather3A_286 = tpu.vector_load_idx %arg11[%gather3A, %add3A_258] : memref<1000x128xf32, #tpu.memory_space<vmem>>[vector<16xi32>, vector<16xi32>], vector<16xf32>,
      %bitcast3A = vector.bitcast %gather3A_285 : vector<16xi32> to vector<16xf32>
      %mul3A_287 = arith.mulf %bitcast3A, %gather3A_286 : vector<16xf32>
      %add3A_288 = arith.addf %scan3A_272, %mul3A_287 : vector<16xf32>
      %mul3A_289 = arith.constant 5 : i32
      %mul3A_290 = arith.muli %scan3A_271, %mul3A_289 : i32
      %add3A_291 = arith.constant 1 : i32
      %add3A_292 = arith.addi %mul3A_290, %add3A_291 : i32
      %add3A_293 = vector.broadcast %add3A_292 : i32 to vector<16xi32>
      %add3A_294 = arith.addi %mul3A_6, %add3A_293 : vector<16xi32>
      %gather3A_295 = tpu.vector_load_idx %arg8[%add3A_294] : memref<800xi32, #tpu.memory_space<vmem>>[vector<16xi32>], vector<16xi32>,
      %mul3A_296 = arith.constant 5 : i32
      %mul3A_297 = arith.muli %scan3A_271, %mul3A_296 : i32
      %add3A_298 = arith.constant 1 : i32
      %add3A_299 = arith.addi %mul3A_297, %add3A_298 : i32
      %add3A_300 = vector.broadcast %add3A_299 : i32 to vector<16xi32>
      %add3A_301 = arith.addi %mul3A_6, %add3A_300 : vector<16xi32>
      %gather3A_302 = tpu.vector_load_idx %arg9[%add3A_301] : memref<800xi32, #tpu.memory_space<vmem>>[vector<16xi32>], vector<16xi32>,
      %gather3A_303 = tpu.vector_load_idx %arg11[%gather3A_295, %add3A_258] : memref<1000x128xf32, #tpu.memory_space<vmem>>[vector<16xi32>, vector<16xi32>], vector<16xf32>,
      %bitcast3A_304 = vector.bitcast %gather3A_302 : vector<16xi32> to vector<16xf32>
      %mul3A_305 = arith.mulf %bitcast3A_304, %gather3A_303 : vector<16xf32>
      %add3A_306 = arith.addf %add3A_288, %mul3A_305 : vector<16xf32>
      %mul3A_307 = arith.constant 5 : i32
      %mul3A_308 = arith.muli %scan3A_271, %mul3A_307 : i32
      %add3A_309 = arith.constant 2 : i32
      %add3A_310 = arith.addi %mul3A_308, %add3A_309 : i32
      %add3A_311 = vector.broadcast %add3A_310 : i32 to vector<16xi32>
      %add3A_312 = arith.addi %mul3A_6, %add3A_311 : vector<16xi32>
      %gather3A_313 = tpu.vector_load_idx %arg8[%add3A_312] : memref<800xi32, #tpu.memory_space<vmem>>[vector<16xi32>], vector<16xi32>,
      %mul3A_314 = arith.constant 5 : i32
      %mul3A_315 = arith.muli %scan3A_271, %mul3A_314 : i32
      %add3A_316 = arith.constant 2 : i32
      %add3A_317 = arith.addi %mul3A_315, %add3A_316 : i32
      %add3A_318 = vector.broadcast %add3A_317 : i32 to vector<16xi32>
      %add3A_319 = arith.addi %mul3A_6, %add3A_318 : vector<16xi32>
      %gather3A_320 = tpu.vector_load_idx %arg9[%add3A_319] : memref<800xi32, #tpu.memory_space<vmem>>[vector<16xi32>], vector<16xi32>,
      %gather3A_321 = tpu.vector_load_idx %arg11[%gather3A_313, %add3A_258] : memref<1000x128xf32, #tpu.memory_space<vmem>>[vector<16xi32>, vector<16xi32>], vector<16xf32>,
      %bitcast3A_322 = vector.bitcast %gather3A_320 : vector<16xi32> to vector<16xf32>
      %mul3A_323 = arith.mulf %bitcast3A_322, %gather3A_321 : vector<16xf32>
      %add3A_324 = arith.addf %add3A_306, %mul3A_323 : vector<16xf32>
      %mul3A_325 = arith.constant 5 : i32
      %mul3A_326 = arith.muli %scan3A_271, %mul3A_325 : i32
      %add3A_327 = arith.constant 3 : i32
      %add3A_328 = arith.addi %mul3A_326, %add3A_327 : i32
      %add3A_329 = vector.broadcast %add3A_328 : i32 to vector<16xi32>
      %add3A_330 = arith.addi %mul3A_6, %add3A_329 : vector<16xi32>
      %gather3A_331 = tpu.vector_load_idx %arg8[%add3A_330] : memref<800xi32, #tpu.memory_space<vmem>>[vector<16xi32>], vector<16xi32>,
      %mul3A_332 = arith.constant 5 : i32
      %mul3A_333 = arith.muli %scan3A_271, %mul3A_332 : i32
      %add3A_334 = arith.constant 3 : i32
      %add3A_335 = arith.addi %mul3A_333, %add3A_334 : i32
      %add3A_336 = vector.broadcast %add3A_335 : i32 to vector<16xi32>
      %add3A_337 = arith.addi %mul3A_6, %add3A_336 : vector<16xi32>
      %gather3A_338 = tpu.vector_load_idx %arg9[%add3A_337] : memref<800xi32, #tpu.memory_space<vmem>>[vector<16xi32>], vector<16xi32>,
      %gather3A_339 = tpu.vector_load_idx %arg11[%gather3A_331, %add3A_258] : memref<1000x128xf32, #tpu.memory_space<vmem>>[vector<16xi32>, vector<16xi32>], vector<16xf32>,
      %bitcast3A_340 = vector.bitcast %gather3A_338 : vector<16xi32> to vector<16xf32>
      %mul3A_341 = arith.mulf %bitcast3A_340, %gather3A_339 : vector<16xf32>
      %add3A_342 = arith.addf %add3A_324, %mul3A_341 : vector<16xf32>
      %mul3A_343 = arith.constant 5 : i32
      %mul3A_344 = arith.muli %scan3A_271, %mul3A_343 : i32
      %add3A_345 = arith.constant 4 : i32
      %add3A_346 = arith.addi %mul3A_344, %add3A_345 : i32
      %add3A_347 = vector.broadcast %add3A_346 : i32 to vector<16xi32>
      %add3A_348 = arith.addi %mul3A_6, %add3A_347 : vector<16xi32>
      %gather3A_349 = tpu.vector_load_idx %arg8[%add3A_348] : memref<800xi32, #tpu.memory_space<vmem>>[vector<16xi32>], vector<16xi32>,
      %mul3A_350 = arith.constant 5 : i32
      %mul3A_351 = arith.muli %scan3A_271, %mul3A_350 : i32
      %add3A_352 = arith.constant 4 : i32
      %add3A_353 = arith.addi %mul3A_351, %add3A_352 : i32
      %add3A_354 = vector.broadcast %add3A_353 : i32 to vector<16xi32>
      %add3A_355 = arith.addi %mul3A_6, %add3A_354 : vector<16xi32>
      %gather3A_356 = tpu.vector_load_idx %arg9[%add3A_355] : memref<800xi32, #tpu.memory_space<vmem>>[vector<16xi32>], vector<16xi32>,
      %gather3A_357 = tpu.vector_load_idx %arg11[%gather3A_349, %add3A_258] : memref<1000x128xf32, #tpu.memory_space<vmem>>[vector<16xi32>, vector<16xi32>], vector<16xf32>,
      %bitcast3A_358 = vector.bitcast %gather3A_356 : vector<16xi32> to vector<16xf32>
      %mul3A_359 = arith.mulf %bitcast3A_358, %gather3A_357 : vector<16xf32>
      %add3A_360 = arith.addf %add3A_342, %mul3A_359 : vector<16xf32>
      scf.yield %add3A_360 : vector<16xf32>
    }
    %scan3A_264 = arith.constant 10 : i32
    %swap3A_265 = arith.constant 112 : index
    %swap3A_266 = tpu.vector_load %arg10[%swap3A_265] {strides = array<i32>} : memref<1008xf32, #tpu.memory_space<vmem>>, vector<16xf32>,
    tpu.vector_store %arg10[%swap3A_265], %scan3A_263 {strides = array<i32>} : memref<1008xf32, #tpu.memory_space<vmem>>, vector<16xf32>,
    "tpu.region"() ({
      %run_scoped3A = tpu.sem_alloc : memref<!tpu.dma_semaphore, #tpu.memory_space<semaphore_mem>>
      %dma_start3A_271 = arith.constant 0 : i32
      %dma_start3A_272 = tpu.memref_slice %arg10[%dma_start3A_271] : memref<1008xf32, #tpu.memory_space<vmem>> -> memref<128xf32, #tpu.memory_space<vmem>>
      %dma_start3A_273 = tpu.memref_slice %arg6[%mul3A_2] : memref<4096xf32, #tpu.memory_space<hbm>> -> memref<128xf32, #tpu.memory_space<hbm>>
      %dma_start3A_274 = tpu.memref_slice %arg6[%mul3A_2] : memref<4096xf32, #tpu.memory_space<hbm>> -> memref<128xf32, #tpu.memory_space<hbm>>
      %dma_start3A_275 = arith.constant 0 : i32
      %dma_start3A_276 = tpu.memref_slice %arg10[%dma_start3A_275] : memref<1008xf32, #tpu.memory_space<vmem>> -> memref<128xf32, #tpu.memory_space<vmem>>
      tpu.enqueue_dma source(%dma_start3A_276 : memref<128xf32, #tpu.memory_space<vmem>>) target(%dma_start3A_274 : memref<128xf32, #tpu.memory_space<hbm>>) target_semaphore(%run_scoped3A : memref<!tpu.dma_semaphore, #tpu.memory_space<semaphore_mem>>)
      %dma_wait3A_277 = arith.constant 0 : i32
      %dma_wait3A_278 = tpu.memref_slice %arg10[%dma_wait3A_277] : memref<1008xf32, #tpu.memory_space<vmem>> -> memref<128xf32, #tpu.memory_space<vmem>>
      %dma_wait3A_279 = tpu.memref_slice %arg6[%mul3A_2] : memref<4096xf32, #tpu.memory_space<hbm>> -> memref<128xf32, #tpu.memory_space<hbm>>
      %dma_wait3A_280 = tpu.memref_slice %arg6[%mul3A_2] : memref<4096xf32, #tpu.memory_space<hbm>> -> memref<128xf32, #tpu.memory_space<hbm>>
      %dma_wait3A_281 = arith.constant 0 : i32
      %dma_wait3A_282 = tpu.memref_slice %arg10[%dma_wait3A_281] : memref<1008xf32, #tpu.memory_space<vmem>> -> memref<128xf32, #tpu.memory_space<vmem>>
      tpu.wait_dma2 semaphore(%run_scoped3A : memref<!tpu.dma_semaphore, #tpu.memory_space<semaphore_mem>>) src(%dma_wait3A_282 : memref<128xf32, #tpu.memory_space<vmem>>) dst(%dma_wait3A_280 : memref<128xf32, #tpu.memory_space<hbm>>)
      tpu.yield
    }) : () -> ()
    %dma_wait3A_267 = arith.constant 0 : i32
    %dma_wait3A_268 = tpu.memref_slice %arg7[%dma_wait3A_267, %mul3A_2] : memref<1000x4096xf32, #tpu.memory_space<hbm>> -> memref<1000x128xf32, #tpu.memory_space<hbm>>
    %dma_wait3A_269 = arith.constant 0 : i32
    %dma_wait3A_270 = tpu.memref_slice %arg7[%dma_wait3A_269, %mul3A_2] : memref<1000x4096xf32, #tpu.memory_space<hbm>> -> memref<1000x128xf32, #tpu.memory_space<hbm>>
    tpu.wait_dma2 semaphore(%arg15 : memref<!tpu.dma_semaphore, #tpu.memory_space<semaphore_mem>>) src(%arg11 : memref<1000x128xf32, #tpu.memory_space<vmem>>) dst(%dma_wait3A_270 : memref<1000x128xf32, #tpu.memory_space<hbm>>)
    return
  }
}

module attributes {stable_mosaic.version = 14 : i64} {
  func.func @body(%arg0: memref<1000x128xf32, #tpu.memory_space<vmem>>, %arg1: memref<128x1xf32, #tpu.memory_space<vmem>>, %arg2: memref<1xf32, #tpu.memory_space<vmem>>, %arg3: memref<1008x1xf32, #tpu.memory_space<vmem>>) attributes {dimension_semantics = [], scalar_prefetch = 0 : i64, scratch_operands = 0 : i64, tpu.core_type = #tpu.core_type<tc>} {
    %get3A = arith.constant 0 : index
    %get3A_0 = arith.constant 0 : index
    %get3A_1 = vector.load %arg0[%get3A, %get3A_0] : memref<1000x128xf32, #tpu.memory_space<vmem>>, vector<1000x128xf32>
    %get3A_2 = arith.constant 0 : index
    %get3A_3 = arith.constant 0 : index
    %get3A_4 = vector.load %arg1[%get3A_2, %get3A_3] : memref<128x1xf32, #tpu.memory_space<vmem>>, vector<128x1xf32>
    %dot_general3A = arith.constant dense<0.000000e+00> : vector<1000x1xf32>
    %dot_general3A_5 = tpu.matmul %get3A_1, %get3A_4, %dot_general3A {dimension_numbers = #tpu.dot_dimension_numbers<[1], [0], [0], [1], [0, 0, 1, 1], [], []>, transpose_lhs_hint = false} : vector<1000x128xf32>, vector<128x1xf32>, vector<1000x1xf32> -> vector<1000x1xf32>
    %get3A_6 = arith.constant 0 : index
    %get3A_7 = vector.load %arg2[%get3A_6] : memref<1xf32, #tpu.memory_space<vmem>>, vector<1xf32>
    %broadcast_in_dim3A = vector.shape_cast %get3A_7 : vector<1xf32> to vector<1x1xf32>
    %add3A = vector.broadcast %broadcast_in_dim3A : vector<1x1xf32> to vector<1000x1xf32>
    %add3A_8 = arith.addf %dot_general3A_5, %add3A : vector<1000x1xf32>
    %max3A = arith.constant 0.000000e+00 : f32
    %max3A_9 = vector.broadcast %max3A : f32 to vector<1000x1xf32>
    %max3A_10 = arith.maximumf %add3A_8, %max3A_9 : vector<1000x1xf32>
    %iota3A = tpu.iota {dimensions = array<i32: 0>} : vector<1000x1xi32>
    %eq3A = arith.constant 0 : i32
    %eq3A_11 = vector.broadcast %eq3A : i32 to vector<1000x1xi32>
    %eq3A_12 = arith.cmpi eq, %iota3A, %eq3A_11 : vector<1000x1xi32>
    %jit3A = arith.constant 0.000000e+00 : f32
    %broadcast_in_dim3A_13 = vector.broadcast %jit3A : f32 to vector<1000x1xf32>
    %select_n3A = arith.select %eq3A_12, %broadcast_in_dim3A_13, %max3A_10 : vector<1000x1xi1>, vector<1000x1xf32>
    %swap3A = arith.constant 0 : index
    %swap3A_14 = arith.constant 0 : index
    %swap3A_15 = vector.load %arg3[%swap3A, %swap3A_14] : memref<1008x1xf32, #tpu.memory_space<vmem>>, vector<1000x1xf32>
    tpu.vector_store %arg3[%swap3A, %swap3A_14], %select_n3A {strides = array<i32>} : memref<1008x1xf32, #tpu.memory_space<vmem>>, vector<1000x1xf32>,
    %broadcast_in_dim3A_16 = arith.constant 0.000000e+00 : f32
    %broadcast_in_dim3A_17 = vector.broadcast %broadcast_in_dim3A_16 : f32 to vector<8x1xf32>
    %swap3A_18 = arith.constant 1000 : index
    %swap3A_19 = arith.constant 0 : index
    %swap3A_20 = vector.load %arg3[%swap3A_18, %swap3A_19] : memref<1008x1xf32, #tpu.memory_space<vmem>>, vector<8x1xf32>
    tpu.vector_store %arg3[%swap3A_18, %swap3A_19], %broadcast_in_dim3A_17 {strides = array<i32>} : memref<1008x1xf32, #tpu.memory_space<vmem>>, vector<8x1xf32>,
    return
  }
}

</mosaic_0001>

<sc_bundles>
// kernel: kernel.4.cloned.1.call-start
scs
__scs_entry_jumppad:
0x0: {  	(pc) =	sbr.rel $0x88, $3  }
0x1: {  	(tag) =	ssettag $0x0;
	lr =	simm.s32 $0x1  }
0x2: {  	[smem:$0x3F9B] =	sst lr;
	_ =	strace $0xD0000000  }
0x3: {  	_ = 	snop  }
0x4: {  	_ = 	snop  }
0x5: {  	_ = 	snop  }
0x6: {  	_ = 	snop  }
0x7: {  	_ = 	snop  }
__scs_overlays_trampoline_lowered:
0x8: {  	[smem:$0x3FAA] =	sst s0  }
0x9: {  	[smem:$0x3FAB] =	sst s1  }
0xa: {  	[smem:$0x3FAC] =	sst s2  }
0xb: {  	[smem:$0x3FAD] =	sst s3  }
0xc: {  	[smem:$0x3FAE] =	sst s4  }
0xd: {  	[smem:$0x3FAF] =	sst s5  }
0xe: {  	[smem:$0x3FB0] =	sst s6  }
0xf: {  	[smem:$0x3FB1] =	sst s7  }
0x10: {  	[smem:$0x3FB2] =	sst s8  }
0x11: {  	[smem:$0x3FB3] =	sst s9;
	s0 =	simm.s32 @!p0 $0x0  }
0x12: {  	s1 =	sld [smem:$0x3F99];
	s0 =	simm.s32 @p0 $0x1  }
0x13: {  	[smem:$0x3FB4] =	sst s0;
	s0 =	simm.s32 @!p1 $0x0  }
0x14: {  	s2 =	sld [smem:$0x3F98];
	s0 =	simm.s32 @p1 $0x1  }
0x15: {  	[smem:$0x3FB5] =	sst s0;
	s0 =	simm.s32 @!p2 $0x0  }
0x16: {  	s3 =	sld [smem:$0x3FDB];
	s0 =	simm.s32 @p2 $0x1  }
0x17: {  	s4 =	simm.s32 $0x1BF5;
	[smem:$0x3FB7] =	sst s0  }
0x18: {  	s0 =	sld [smem:$0x3F9A];
	_ =	swait.ge [sflag:s4], $0x0  }
0x19: {  	s7 =	sld [smem:$0x3F9B]  }
0x1a: {  	s8 =	sadd.s32 $0xFFFFE003, lr  }
0x1b: {  	s9 =	sadd.s32 $0xFFFFFEF7, lr;
	s5 =	simm.s32 $0xFFFFFFFF;
	p2 =	slt.u32 s8, $0xFFFFF086  }
0x1c: {  	p1 =	slt.u32 s9, $0xF7A;
	s5 =	simm.s32 @!p2 $0x0  }
0x1d: {  	s5 =	simm.s32 @p1 $0x1;
	p0 =	seq.s32 s7, s2  }
0x1e: {  	s7 =	smul.u32 @!p0 $0xF7A, s2;
	p2 =	seq.s32 @!p0 s5, $0x0  }
0x1f: {  	s9 =	smul.u32 $0xF7A, s1;
	s8 =	simm.s32 @!p0 $0x1BF5;
	p2 =	por !p2, p0  }
0x20: {  	[sflag:s8] =	ssyncset.s32 @!p0 $0xFFFFF086;
	s6 =	sadd.s32 @!p0 s3, s7;
	s7 =	simm.s32 @!p0 $0x108  }
0x21: {  	s3 =	sadd.s32 s3, s9;
	s6 =	sadd.s32 @!p0 $0x88, s6;
	s7 =	simm.s32 @p2 $0x1082  }
0x22: {  	[simem:s7], [sflag:s8] =	dma.local @!p0 [hbm:s6], $0xF7A  }
0x23: {  	s9 =	sor.u32 $0xD0000000, s2;
	s6 =	simm.s32 $0x108;
	_ =	swait.ge @!p0 [sflag:s8], $0x0  }
0x24: {  	s3 =	sadd.s32 $0x88, s3;
	s6 =	simm.s32 @!p1 $0x1082;
	[sflag:s4] =	ssyncset.s32 $0xFFFFF086  }
0x25: {  	[simem:s6], [sflag:s4] =	dma.local [hbm:s3], $0xF7A  }
0x26: {  	[smem:$0x3F9B] =	sst s1;
	(tag) =	ssettag s2;
	_ =	strace s9  }
0x27: {  	s1 =	sld [smem:$0x3FAB]  }
0x28: {  	s2 =	sld [smem:$0x3FAC]  }
0x29: {  	s4 =	sld [smem:$0x3FAE]  }
0x2a: {  	p0 =	seq.s32 s5, $0x0;
	s5 =	sld [smem:$0x3FAF]  }
0x2b: {  	s6 =	sld [smem:$0x3FB0]  }
0x2c: {  	s7 =	sld [smem:$0x3FB1]  }
0x2d: {  	s3 =	simm.s32 $0x108;
	s8 =	sld [smem:$0x3FB2]  }
0x2e: {  	s3 =	simm.s32 @!p0 $0x1082;
	s9 =	sld [smem:$0x3FB3]  }
0x2f: {  	lr =	sadd.s32 s0, s3;
	s0 =	sld [smem:$0x3FAA]  }
0x30: {  	s3 =	sld [smem:$0x3FAD]  }
0x31: {  	[smem:$0x3FB6] =	sst s10  }
0x32: {  	s10 =	sld [smem:$0x3FB4];
	_ =	sdelay $0x3  }
0x33: {  	p0 =	seq.s32 s10, $0x1;
	s10 =	sld [smem:$0x3FB6];
	_ =	sdelay $0x3  }
0x34: {  	[smem:$0x3FB6] =	sst s10  }
0x35: {  	s10 =	sld [smem:$0x3FB5];
	_ =	sdelay $0x3  }
0x36: {  	p1 =	seq.s32 s10, $0x1;
	s10 =	sld [smem:$0x3FB6];
	_ =	sdelay $0x3  }
0x37: {  	[smem:$0x3FB6] =	sst s10  }
0x38: {  	s10 =	sld [smem:$0x3FB7]  }
0x39: {  	_ = 	snop;
	(pc) =	sbr.ind lr, $3  }
0x3a: {  	_ = 	snop  }
0x3b: {  	_ = 	snop  }
0x3c: {  	p2 =	seq.s32 s10, $0x1;
	s10 =	sld [smem:$0x3FB6]  }
0x3d: {  	_ =	shalt  }
0x3e: {  	_ =	shalt  }
0x3f: {  	_ =	shalt  }
0x40: {  	_ =	shalt  }
0x41: {  	_ =	shalt  }
0x42: {  	_ =	shalt  }
0x43: {  	_ =	shalt  }
0x44: {  	_ =	shalt  }
0x45: {  	_ =	shalt  }
0x46: {  	_ =	shalt  }
0x47: {  	_ =	shalt  }
0x48: {  	_ =	shalt  }
0x49: {  	_ =	shalt  }
0x4a: {  	_ =	shalt  }
0x4b: {  	_ =	shalt  }
0x4c: {  	_ =	shalt  }
0x4d: {  	_ =	shalt  }
0x4e: {  	_ =	shalt  }
0x4f: {  	_ =	shalt  }
0x50: {  	_ =	shalt  }
0x51: {  	_ =	shalt  }
0x52: {  	_ =	shalt  }
0x53: {  	_ =	shalt  }
0x54: {  	_ =	shalt  }
0x55: {  	_ =	shalt  }
0x56: {  	_ =	shalt  }
0x57: {  	_ =	shalt  }
0x58: {  	_ =	shalt  }
0x59: {  	_ =	shalt  }
0x5a: {  	_ =	shalt  }
0x5b: {  	_ =	shalt  }
0x5c: {  	_ =	shalt  }
0x5d: {  	_ =	shalt  }
0x5e: {  	_ =	shalt  }
0x5f: {  	_ =	shalt  }
0x60: {  	_ =	shalt  }
0x61: {  	_ =	shalt  }
0x62: {  	_ =	shalt  }
0x63: {  	_ =	shalt  }
0x64: {  	_ =	shalt  }
0x65: {  	_ =	shalt  }
0x66: {  	_ =	shalt  }
0x67: {  	_ =	shalt  }
0x68: {  	_ =	shalt  }
0x69: {  	_ =	shalt  }
0x6a: {  	_ =	shalt  }
0x6b: {  	_ =	shalt  }
0x6c: {  	_ =	shalt  }
0x6d: {  	_ =	shalt  }
0x6e: {  	_ =	shalt  }
0x6f: {  	_ =	shalt  }
0x70: {  	_ =	shalt  }
0x71: {  	_ =	shalt  }
0x72: {  	_ =	shalt  }
0x73: {  	_ =	shalt  }
0x74: {  	_ =	shalt  }
0x75: {  	_ =	shalt  }
0x76: {  	_ =	shalt  }
0x77: {  	_ =	shalt  }
0x78: {  	_ =	shalt  }
0x79: {  	_ =	shalt  }
0x7a: {  	_ =	shalt  }
0x7b: {  	_ =	shalt  }
0x7c: {  	_ =	shalt  }
0x7d: {  	_ =	shalt  }
0x7e: {  	_ =	shalt  }
0x7f: {  	_ =	shalt  }
0x80: {  	_ =	shalt  }
0x81: {  	_ =	shalt  }
0x82: {  	_ =	shalt  }
0x83: {  	_ =	shalt  }
0x84: {  	_ =	shalt  }
0x85: {  	_ =	shalt  }
0x86: {  	_ =	shalt  }
0x87: {  	_ =	shalt  }
.Lfunc_end0:
.L_simem_size_0:
called_computation_lowered:
.L_overlay_start_0:
0x88: {  	s2 =	sld [smem:$0x3FD9]  }
0x89: {  	s3 =	sld [smem:$0x3FFE];
	_ =	sdelay $0x1  }
0x8a: {  	s1 =	srdreg.scid  }
0x8b: {  	s0 =	sand.u32 $0x1, s1  }
0x8c: {  	s14 =	sshll.u32 s0, $0xA;
	s2 =	sadd.s32 s3, s2  }
0x8d: {  	s2 =	sadd.s32 s2, s14  }
0x8e: {  	[smem:$0x3FC2] =	sst s2  }
0x8f: {  	_ = 	snop  }
0x90: {  	s2 =	sld [smem:$0x3FD0];
	_ =	sdelay $0x2  }
0x91: {  	s15 =	simm.s32 $0xA;
	s4 =	simm.s32 $0x10  }
0x92: {  	[smem:s4], [sflag:s15] =	dma.local [hbm:s2], $0x1  }
0x93: {  	_ =	swait.eq [sflag:s15], $0x1  }
0x94: {  	[sflag:s15] =	ssyncset.done $0x0  }
0x95: {  	s16 =	sld [smem:$0x10];
	[sflag:s15] =	ssyncadd.s32 $0xFFFFFFFF  }
0x96: {  	s17 =	sld [smem:$0x11];
	(tm) =	ssettm $0x1  }
0x97: {  	s18 =	sld [smem:$0x3FFB];
	_ =	sdelay $0x3  }
0x98: {  	_ =	strace s18  }
0x99: {  	s4 =	sld [smem:$0x3FFC];
	_ =	sdelay $0x3  }
0x9a: {  	_ =	strace s4  }
0x9b: {  	s4 =	sld [smem:$0x3FFD];
	_ =	sdelay $0x3  }
0x9c: {  	_ =	strace s4  }
0x9d: {  	_ =	strace $0x8FFFFFFF  }
0x9e: {  	s19 =	sld [smem:$0x3FDB];
	_ =	sdelay $0x1  }
0x9f: {  	s5 =	simm.s32 $_scs_section_size  }
0xa0: {  	s6 =	simm.s32 $_size__tile_overlayer_lowered;
	s7 =	simm.s32 $_tile_overlayer_lowered  }
0xa1: {  	s22 =	simm.s32 $0x1BFF;
	s21 =	sshll.u32 s7, $0x1;
	s4 =	sadd.s32 s5, s19  }
0xa2: {  	s8 =	simm.s32 $0x0;
	s20 =	sshll.u32 s6, $0x1;
	s6 =	sadd.s32 s21, s4  }
0xa3: {  	[timem:s8], [sflag:s22] =	dma.local [hbm:s6], s20  }
0xa4: {  	_ =	swait.ge [sflag:s22], s20  }
0xa5: {  	s5 =	ssub.s32 $0x0, s20;
	[sflag:s22] =	ssyncset.done $0x0  }
0xa6: {  	[sflag:s22] =	ssyncadd.s32 s5;
	_ =	sdelay $0x1  }
0xa7: {  	s23 =	simm.s32 $0x1B8B  }
0xa8: {  	_ =	swait.ge [sflag:s23], $0x1  }
0xa9: {  	[sflag:s23] =	ssyncset.done $0x0  }
0xaa: {  	s25 =	simm.s32 $0x1B8E;
	s24 =	sld [smem:$0x3FFE];
	[sflag:s23] =	ssyncadd.s32 $0xFFFFFFFF  }
0xab: {  	s26 =	simm.s32 $execute0_lowered;
	[smem:$0x3FD2] =	sst s25  }
0xac: {  	s6 =	sshll.u32 s26, $0x1;
	_ =	strace $0x80000046;
	[dreg:$0x1] =	wrdreg $0xFFFFFFFF  }
0xad: {  	s28 =	simm.s32 $_size_execute0_lowered;
	s4 =	sadd.s32 s4, s6;
	[dreg:$0x0] =	wrdreg $0x0  }
0xae: {  	s6 =	sshll.u32 s28, $0x1;
	[dreg:$0x2] =	wrdreg s4  }
0xaf: {  	[dreg:$0x3] =	wrdreg s6  }
0xb0: {  	[dreg:$0x4] =	wrdreg $0xC0  }
0xb1: {  	_ =	task [dreg:s8], $0x5FFFF  }
0xb2: {  	[dreg:$0x1] =	wrdreg $0xFFFFFFFF  }
0xb3: {  	[dreg:$0x0] =	wrdreg $0x60  }
0xb4: {  	[dreg:$0x2] =	wrdreg s24  }
0xb5: {  	[dreg:$0x3] =	wrdreg s16  }
0xb6: {  	[dreg:$0x4] =	wrdreg s17  }
0xb7: {  	[dreg:$0x5] =	wrdreg $0x9  }
0xb8: {  	_ =	task.clear_ibuf [dreg:s8], $0x6FFFF;
	_ =	strace $0x90000046  }
0xb9: {  	s29 =	simm.s32 $0x9;
	_ =	strace $0x80000048  }
0xba: {  	_ =	swait.ge [sflag:s29], $0x1  }
0xbb: {  	[sflag:s29] =	ssyncadd.s32 $0xFFFFFFFF  }
0xbc: {  	_ =	strace $0x90000048  }
0xbd: {  	_ =	sfence  }
0xbe: {  	s30 =	sld [smem:$0x0];
	_ =	sdelay $0x2  }
0xbf: {  	s31 =	sshll.u32 s1, $0xD;
	s1 =	sshrl.u32 s1, $0x2  }
0xc0: {  	s3 =	sand.u32 $0x4000, s31;
	s1 =	sadd.s32 s1, s30  }
0xc1: {  	s0 =	sor.u32 s3, s0;
	s1 =	sshll.u32 s1, $0x11  }
0xc2: {  	s0 =	sor.u32 s1, s0  }
0xc3: {  	s0 =	sadd.s32 $0x8F2B, s0  }
0xc4: {  	[sflag:s0] =	ssyncadd.remote.s32 $0x1  }
0xc5: {  	_ =	sfence.sel $0xFFFF  }
0xc6: {  	[dreg:$0x0] =	wrdreg $0xFFFFFFFF;
	(pc) =	sbr.abs _section_cstart, $3  }
0xc7: {  	[dreg:$0x1] =	wrdreg $0xFFFFFFFF  }
0xc8: {  	_ =	task.clear_ibuf [dreg:s8], $0x2FFFF;
	_ =	strace $0x9FFFFFFF  }
0xc9: {  	(tm) =	ssettm $0x7FFFFFFF  }
tec
execute0_lowered:
.L_overlay_start_1:
0x0: {  	(tag) =	ssettag $0x1  }
0x1: {  	s0 =	rddreg [dreg:$0x0]  }
0x2: {  	s2 =	rddreg [dreg:$0x2]  }
0x3: {  	s3 =	srdreg.scid;
	s4 =	stileid.u32  }
0x4: {  	s1 =	simm.s32 $0x0;
	s3 =	sand.u32 $0x1, s3;
	s4 =	sshll.u32 s4, $0x1  }
0x5: {  	[smem:$0x7FF] =	sst s1;
	s5 =	sadd.s32 $0x800, s0;
	s7 =	sadd.s32 $0x6C00, s0  }
0x6: {  	s10 =	sadd.s32 $0xD000, s0;
	s30 =	sadd.s32 $0x13400, s0;
	s4 =	sor.u32 s3, s4  }
0x7: {  	s0 =	simm.s32 $0x3;
	s3 =	ssub.s32 $0x2, s3;
	s6 =	smul.u32 $0x1900, s4  }
0x8: {  	s8 =	sshrl.u32 s3, $0x1;
	s9 =	smul.u32 $0x320, s4;
	s19 =	sshll.u32 s4, $0x7  }
0x9: {  	s4 =	sshll.u32 s4, $0x4;
	s3 =	ssub.s32 s3, s8;
	s2 =	sadd.s32 s2, s19  }
0xa: {  	s8 =	simm.s32 $0x0;
	s6 =	sshrl.u32 s6, $0x3;
	s25 =	sadd.s32 s10, s9  }
0xb: {  	[dreg:$0xc] =	wrdreg s2;
	s21 =	sadd.s32 s7, s9;
	s31 =	smax.u32 s3, $0x1  }
0xc: {  	s2 =	simm.s32 $0x1;
	s3 =	simm.s32 $0x380;
	[dreg:$0x4] =	wrdreg s25  }
0xd: {  	s26 =	sadd.s32 $0x64, s6;
	s11 =	sadd.s32 $0xC8, s6;
	s23 =	sadd.s32 $0x258, s6  }
0xe: {  	[dreg:$0xd] =	wrdreg s21;
	s12 =	sadd.s32 s10, s26;
	s17 =	sadd.s32 s10, s23  }
0xf: {  	s24 =	sadd.s32 s7, s23;
	s25 =	sadd.s32 s5, s23;
	s23 =	rddreg [dreg:$0x1]  }
0x10: {  	s18 =	sadd.s32 $0x12C, s6;
	s13 =	sadd.s32 s10, s11;
	[dreg:$0x5] =	wrdreg s12  }
0x11: {  	s20 =	sadd.s32 $0x190, s6;
	s14 =	sadd.s32 s10, s18;
	[dreg:$0x6] =	wrdreg s13  }
0x12: {  	s22 =	sadd.s32 $0x1F4, s6;
	s15 =	sadd.s32 s10, s20;
	[dreg:$0x7] =	wrdreg s14  }
0x13: {  	s6 =	sadd.s32 $0x2BC, s6;
	s16 =	sadd.s32 s10, s22;
	[dreg:$0x8] =	wrdreg s15  }
0x14: {  	s10 =	sadd.s32 s10, s6;
	s19 =	sadd.s32 s7, s20;
	[dreg:$0x9] =	wrdreg s16  }
0x15: {  	s20 =	sadd.s32 s5, s20;
	s21 =	sadd.s32 s7, s22;
	[dreg:$0xa] =	wrdreg s17  }
0x16: {  	s22 =	sadd.s32 s5, s22;
	s28 =	sadd.s32 s5, s6;
	[dreg:$0xb] =	wrdreg s10  }
0x17: {  	s12 =	sadd.s32 s5, s9;
	s13 =	sadd.s32 s7, s26;
	s14 =	sadd.s32 s5, s26  }
0x18: {  	v0 =	vlaneseq.u32;
	s15 =	sadd.s32 s7, s11;
	s16 =	sadd.s32 s5, s11;
	s17 =	sadd.s32 s7, s18  }
0x19: {  	v1 =	vimm.f32 $0.0e+00;
	v2 =	vmul.u32 $0x32, v0;
	v3 =	vor.u32 $0x10, v0;
	s18 =	sadd.s32 s5, s18;
	s26 =	sadd.s32 s7, s6;
	s29 =	sadd.s32 s23, s4  }
0x1a: {  	v4 =	vor.u32 $0x20, v0;
	v5 =	vor.u32 $0x30, v0;
	v6 =	vor.u32 $0x40, v0;
	s23 =	simm.s32 $0x700;
	s4 =	simm.s32 $0xB00;
	s5 =	simm.s32 $0x2  }
0x1b: {  	v7 =	vor.u32 $0x50, v0;
	v8 =	vor.u32 $0x60, v0;
	v9 =	vor.u32 $0x70, v0;
	s6 =	simm.s32 $0x5;
	s7 =	simm.s32 $0x4;
	_ =	strace $0x80000047  }
.LBB2_1:
0x1c: {  	[tilespmem:s23], [sflag:$0x3] =	stream.linear.gather [hbm4b:s30+s1], $0x400, $0x38;
	[tilespmem:$0x1FF00] =	vst v63  }
0x1d: {  	s9 =	rddreg [dreg:$0x4]  }
0x1e: {  	[tilespmem:s1], [sflag:$0x1] =	stream.linear.gather [hbm4b:s9+s1], $0x320, $0x38;
	[tilespmem:$0x1FF00] =	vst v63  }
0x1f: {  	s10 =	simm.s32 $0x800;
	s9 =	simm.s32 $0x0  }
.LBB2_2:
0x20: {  	p0 =	sne.s32 s10, $0x7C800;
	[tilespmem:s9+$0xCF0] =	vst v1  }
0x21: {  	[tilespmem:s9+$0xB00] =	vst v1  }
0x22: {  	[tilespmem:s9+$0xB10] =	vst v1  }
0x23: {  	[tilespmem:s9+$0xB20] =	vst v1  }
0x24: {  	[tilespmem:s9+$0xB30] =	vst v1  }
0x25: {  	[tilespmem:s9+$0xB40] =	vst v1  }
0x26: {  	[tilespmem:s9+$0xB50] =	vst v1  }
0x27: {  	[tilespmem:s9+$0xB60] =	vst v1  }
0x28: {  	[tilespmem:s9+$0xB70] =	vst v1  }
0x29: {  	[tilespmem:s9+$0xB80] =	vst v1  }
0x2a: {  	[tilespmem:s9+$0xB90] =	vst v1  }
0x2b: {  	[tilespmem:s9+$0xBA0] =	vst v1  }
0x2c: {  	[tilespmem:s9+$0xBB0] =	vst v1  }
0x2d: {  	[tilespmem:s9+$0xBC0] =	vst v1  }
0x2e: {  	[tilespmem:s9+$0xBD0] =	vst v1  }
0x2f: {  	[tilespmem:s9+$0xBE0] =	vst v1  }
0x30: {  	[tilespmem:s9+$0xBF0] =	vst v1  }
0x31: {  	[tilespmem:s9+$0xC00] =	vst v1  }
0x32: {  	[tilespmem:s9+$0xC10] =	vst v1  }
0x33: {  	[tilespmem:s9+$0xC20] =	vst v1  }
0x34: {  	[tilespmem:s9+$0xC30] =	vst v1  }
0x35: {  	[tilespmem:s9+$0xC40] =	vst v1  }
0x36: {  	[tilespmem:s9+$0xC50] =	vst v1  }
0x37: {  	[tilespmem:s9+$0xC60] =	vst v1  }
0x38: {  	[tilespmem:s9+$0xC70] =	vst v1  }
0x39: {  	[tilespmem:s9+$0xC80] =	vst v1  }
0x3a: {  	[tilespmem:s9+$0xC90] =	vst v1  }
.Ltmp0:
0x3b: {  	[tilespmem:s9+$0xCA0] =	vst v1;
	(pc) =	sbr.rel @p0 .LBB2_2-.Ltmp0, $4  }
0x3c: {  	[tilespmem:s9+$0xCB0] =	vst v1  }
0x3d: {  	[tilespmem:s9+$0xCC0] =	vst v1  }
0x3e: {  	[tilespmem:s9+$0xCD0] =	vst v1  }
0x3f: {  	[tilespmem:s9+$0xCE0] =	vst v1;
	s9 =	sshra.s32 s10, $0x2;
	s10 =	sadd.s32 $0x800, s10  }
0x40: {  	[tilespmem:s9+$0xCF0] =	vst v1  }
0x41: {  	[tilespmem:s9+$0xB00] =	vst v1  }
0x42: {  	[tilespmem:s9+$0xB10] =	vst v1  }
0x43: {  	[tilespmem:s9+$0xB20] =	vst v1  }
0x44: {  	[tilespmem:s9+$0xB30] =	vst v1  }
0x45: {  	[tilespmem:s9+$0xB40] =	vst v1  }
0x46: {  	[tilespmem:s9+$0xB50] =	vst v1  }
0x47: {  	[tilespmem:s9+$0xB60] =	vst v1  }
0x48: {  	[tilespmem:s9+$0xB70] =	vst v1  }
0x49: {  	[tilespmem:s9+$0xB80] =	vst v1  }
0x4a: {  	[tilespmem:s9+$0xB90] =	vst v1  }
0x4b: {  	[tilespmem:s9+$0xBA0] =	vst v1  }
0x4c: {  	[tilespmem:s9+$0xBB0] =	vst v1  }
0x4d: {  	[tilespmem:s9+$0xBC0] =	vst v1  }
0x4e: {  	[tilespmem:s9+$0xBD0] =	vst v1  }
0x4f: {  	[tilespmem:s9+$0xBE0] =	vst v1  }
0x50: {  	[tilespmem:s9+$0xBF0] =	vst v1  }
0x51: {  	[tilespmem:s9+$0xC00] =	vst v1  }
0x52: {  	[tilespmem:s9+$0xC10] =	vst v1  }
0x53: {  	[tilespmem:s9+$0xC20] =	vst v1  }
0x54: {  	[tilespmem:s9+$0xC30] =	vst v1  }
0x55: {  	[tilespmem:s9+$0xC40] =	vst v1  }
0x56: {  	[tilespmem:s9+$0xC50] =	vst v1  }
0x57: {  	[tilespmem:s9+$0xC60] =	vst v1  }
0x58: {  	[tilespmem:s9+$0xC70] =	vst v1  }
0x59: {  	[tilespmem:s9+$0xC80] =	vst v1  }
0x5a: {  	[tilespmem:s9+$0xC90] =	vst v1  }
0x5b: {  	[tilespmem:s9+$0xCA0] =	vst v1  }
0x5c: {  	[tilespmem:s9+$0xCB0] =	vst v1  }
0x5d: {  	[tilespmem:s9+$0xCC0] =	vst v1  }
0x5e: {  	[tilespmem:s9+$0xCD0] =	vst v1  }
0x5f: {  	[tilespmem:s9+$0xCE0] =	vst v1  }
0x60: {  	_ =	swait.ge [sflag:s0], $0x400  }
0x61: {  	[sflag:s0] =	ssyncset.done $0x0  }
0x62: {  	[sflag:s0] =	ssyncadd.s32 $0xFFFFFC00  }
0x63: {  	_ =	swait.ge [sflag:s2], $0x320  }
0x64: {  	[sflag:s2] =	ssyncset.done $0x0  }
0x65: {  	s9 =	simm.s32 $0x4;
	s11 =	rddreg [dreg:$0x5];
	[sflag:s2] =	ssyncadd.s32 $0xFFFFFCE0  }
0x66: {  	[tilespmem:s3], [sflag:$0x2] =	stream.linear.gather [hbm4b:s11+s1], $0x320, $0x38;
	[tilespmem:$0x1FF00] =	vst v63  }
.LBB2_4:
0x67: {  	s10 =	sadd.s32 $0xFFFFFFFC, s9  }
0x68: {  	v10 =	vadd.s32 s10, v2;
	_ =	sdelay $0x4  }
0x69: {  	v10 =	vld.idx.msk [tilespmem:v10+s1+$0x0], $0xffff;
	_ =	sdelay $0x6  }
0x6a: {  	v11 =	vshll.u32 v10, $0x7  }
0x6b: {  	s11 =	sadd.s32 $0xFFFFFFFD, s9;
	v11 =	vor.u32 v0, v11;
	v10 =	vld.idx.msk [tilespmem:v10+s23+$0x0], $0xffff  }
0x6c: {  	v12 =	vadd.s32 s11, v2;
	_ =	sdelay $0x3  }
0x6d: {  	[tilespmem:v11+s4+$0x0] =	vst.idx.add.f32.msk $0xffff, v10  }
0x6e: {  	v10 =	vld.idx.msk [tilespmem:v12+s1+$0x0], $0xffff;
	_ =	sdelay $0x6  }
0x6f: {  	v11 =	vshll.u32 v10, $0x7  }
0x70: {  	s11 =	sadd.s32 $0xFFFFFFFE, s9;
	v11 =	vor.u32 v0, v11;
	v10 =	vld.idx.msk [tilespmem:v10+s23+$0x0], $0xffff  }
0x71: {  	v61 =	vadd.s32 s11, v2;
	_ =	sdelay $0x3  }
0x72: {  	[tilespmem:v11+s4+$0x0] =	vst.idx.add.f32.msk $0xffff, v10  }
0x73: {  	v10 =	vld.idx.msk [tilespmem:v61+s1+$0x0], $0xffff;
	_ =	sdelay $0x6  }
0x74: {  	v11 =	vshll.u32 v10, $0x7  }
0x75: {  	s11 =	sadd.s32 $0xFFFFFFFF, s9;
	v11 =	vor.u32 v0, v11;
	v10 =	vld.idx.msk [tilespmem:v10+s23+$0x0], $0xffff  }
0x76: {  	v62 =	vadd.s32 s11, v2;
	_ =	sdelay $0x3  }
0x77: {  	[tilespmem:v11+s4+$0x0] =	vst.idx.add.f32.msk $0xffff, v10  }
0x78: {  	v10 =	vld.idx.msk [tilespmem:v62+s1+$0x0], $0xffff;
	_ =	sdelay $0x6  }
0x79: {  	v11 =	vshll.u32 v10, $0x7  }
0x7a: {  	v11 =	vor.u32 v0, v11;
	v10 =	vld.idx.msk [tilespmem:v10+s23+$0x0], $0xffff  }
0x7b: {  	v63 =	vadd.s32 s9, v2;
	_ =	sdelay $0x3  }
0x7c: {  	[tilespmem:v11+s4+$0x0] =	vst.idx.add.f32.msk $0xffff, v10  }
0x7d: {  	v10 =	vld.idx.msk [tilespmem:v63+s1+$0x0], $0xffff;
	_ =	sdelay $0x6  }
0x7e: {  	v11 =	vshll.u32 v10, $0x7  }
0x7f: {  	p0 =	sne.s32 s9, $0x31;
	v11 =	vor.u32 v0, v11;
	v10 =	vld.idx.msk [tilespmem:v10+s23+$0x0], $0xffff  }
.Ltmp1:
0x80: {  	_ = 	snop;
	(pc) =	sbr.rel @p0 .LBB2_4-.Ltmp1, $2  }
0x81: {  	_ =	sdelay $0x2  }
0x82: {  	s9 =	sadd.s32 $0x5, s9;
	[tilespmem:v11+s4+$0x0] =	vst.idx.add.f32.msk $0xffff, v10  }
0x83: {  	_ =	swait.ge [sflag:s5], $0x320  }
0x84: {  	[sflag:s5] =	ssyncset.done $0x0  }
0x85: {  	s9 =	rddreg [dreg:$0x6];
	[sflag:s5] =	ssyncadd.s32 $0xFFFFFCE0  }
0x86: {  	[tilespmem:s1], [sflag:$0x1] =	stream.linear.gather [hbm4b:s9+s1], $0x320, $0x38;
	[tilespmem:$0x1FF00] =	vst v63  }
0x87: {  	s9 =	simm.s32 $0x4  }
.LBB2_6:
0x88: {  	s10 =	sadd.s32 $0xFFFFFFFC, s9  }
0x89: {  	v10 =	vadd.s32 s10, v2;
	_ =	sdelay $0x4  }
0x8a: {  	v10 =	vld.idx.msk [tilespmem:v10+s3+$0x0], $0xffff;
	_ =	sdelay $0x6  }
0x8b: {  	v11 =	vshll.u32 v10, $0x7  }
0x8c: {  	s11 =	sadd.s32 $0xFFFFFFFD, s9;
	v11 =	vor.u32 v3, v11;
	v10 =	vld.idx.msk [tilespmem:v10+s23+$0x0], $0xffff  }
0x8d: {  	v12 =	vadd.s32 s11, v2;
	_ =	sdelay $0x3  }
0x8e: {  	[tilespmem:v11+s4+$0x0] =	vst.idx.add.f32.msk $0xffff, v10  }
0x8f: {  	v10 =	vld.idx.msk [tilespmem:v12+s3+$0x0], $0xffff;
	_ =	sdelay $0x6  }
0x90: {  	v11 =	vshll.u32 v10, $0x7  }
0x91: {  	s11 =	sadd.s32 $0xFFFFFFFE, s9;
	v11 =	vor.u32 v3, v11;
	v10 =	vld.idx.msk [tilespmem:v10+s23+$0x0], $0xffff  }
0x92: {  	v61 =	vadd.s32 s11, v2;
	_ =	sdelay $0x3  }
0x93: {  	[tilespmem:v11+s4+$0x0] =	vst.idx.add.f32.msk $0xffff, v10  }
0x94: {  	v10 =	vld.idx.msk [tilespmem:v61+s3+$0x0], $0xffff;
	_ =	sdelay $0x6  }
0x95: {  	v11 =	vshll.u32 v10, $0x7  }
0x96: {  	s11 =	sadd.s32 $0xFFFFFFFF, s9;
	v11 =	vor.u32 v3, v11;
	v10 =	vld.idx.msk [tilespmem:v10+s23+$0x0], $0xffff  }
0x97: {  	v62 =	vadd.s32 s11, v2;
	_ =	sdelay $0x3  }
0x98: {  	[tilespmem:v11+s4+$0x0] =	vst.idx.add.f32.msk $0xffff, v10  }
0x99: {  	v10 =	vld.idx.msk [tilespmem:v62+s3+$0x0], $0xffff;
	_ =	sdelay $0x6  }
0x9a: {  	v11 =	vshll.u32 v10, $0x7  }
0x9b: {  	v11 =	vor.u32 v3, v11;
	v10 =	vld.idx.msk [tilespmem:v10+s23+$0x0], $0xffff  }
0x9c: {  	v63 =	vadd.s32 s9, v2;
	_ =	sdelay $0x3  }
0x9d: {  	[tilespmem:v11+s4+$0x0] =	vst.idx.add.f32.msk $0xffff, v10  }
0x9e: {  	v10 =	vld.idx.msk [tilespmem:v63+s3+$0x0], $0xffff;
	_ =	sdelay $0x6  }
0x9f: {  	v11 =	vshll.u32 v10, $0x7  }
0xa0: {  	p0 =	sne.s32 s9, $0x31;
	v11 =	vor.u32 v3, v11;
	v10 =	vld.idx.msk [tilespmem:v10+s23+$0x0], $0xffff  }
.Ltmp2:
0xa1: {  	_ = 	snop;
	(pc) =	sbr.rel @p0 .LBB2_6-.Ltmp2, $2  }
0xa2: {  	_ =	sdelay $0x2  }
0xa3: {  	s9 =	sadd.s32 $0x5, s9;
	[tilespmem:v11+s4+$0x0] =	vst.idx.add.f32.msk $0xffff, v10  }
0xa4: {  	_ =	swait.ge [sflag:s2], $0x320  }
0xa5: {  	[sflag:s2] =	ssyncset.done $0x0  }
0xa6: {  	s9 =	rddreg [dreg:$0x7];
	[sflag:s2] =	ssyncadd.s32 $0xFFFFFCE0  }
0xa7: {  	[tilespmem:s3], [sflag:$0x2] =	stream.linear.gather [hbm4b:s9+s1], $0x320, $0x38;
	[tilespmem:$0x1FF00] =	vst v63  }
0xa8: {  	s9 =	simm.s32 $0x4  }
.LBB2_8:
0xa9: {  	s10 =	sadd.s32 $0xFFFFFFFC, s9  }
0xaa: {  	v10 =	vadd.s32 s10, v2;
	_ =	sdelay $0x4  }
0xab: {  	v10 =	vld.idx.msk [tilespmem:v10+s1+$0x0], $0xffff;
	_ =	sdelay $0x6  }
0xac: {  	v11 =	vshll.u32 v10, $0x7  }
0xad: {  	s11 =	sadd.s32 $0xFFFFFFFD, s9;
	v11 =	vor.u32 v4, v11;
	v10 =	vld.idx.msk [tilespmem:v10+s23+$0x0], $0xffff  }
0xae: {  	v12 =	vadd.s32 s11, v2;
	_ =	sdelay $0x3  }
0xaf: {  	[tilespmem:v11+s4+$0x0] =	vst.idx.add.f32.msk $0xffff, v10  }
0xb0: {  	v10 =	vld.idx.msk [tilespmem:v12+s1+$0x0], $0xffff;
	_ =	sdelay $0x6  }
0xb1: {  	v11 =	vshll.u32 v10, $0x7  }
0xb2: {  	s11 =	sadd.s32 $0xFFFFFFFE, s9;
	v11 =	vor.u32 v4, v11;
	v10 =	vld.idx.msk [tilespmem:v10+s23+$0x0], $0xffff  }
0xb3: {  	v61 =	vadd.s32 s11, v2;
	_ =	sdelay $0x3  }
0xb4: {  	[tilespmem:v11+s4+$0x0] =	vst.idx.add.f32.msk $0xffff, v10  }
0xb5: {  	v10 =	vld.idx.msk [tilespmem:v61+s1+$0x0], $0xffff;
	_ =	sdelay $0x6  }
0xb6: {  	v11 =	vshll.u32 v10, $0x7  }
0xb7: {  	s11 =	sadd.s32 $0xFFFFFFFF, s9;
	v11 =	vor.u32 v4, v11;
	v10 =	vld.idx.msk [tilespmem:v10+s23+$0x0], $0xffff  }
0xb8: {  	v62 =	vadd.s32 s11, v2;
	_ =	sdelay $0x3  }
0xb9: {  	[tilespmem:v11+s4+$0x0] =	vst.idx.add.f32.msk $0xffff, v10  }
0xba: {  	v10 =	vld.idx.msk [tilespmem:v62+s1+$0x0], $0xffff;
	_ =	sdelay $0x6  }
0xbb: {  	v11 =	vshll.u32 v10, $0x7  }
0xbc: {  	v11 =	vor.u32 v4, v11;
	v10 =	vld.idx.msk [tilespmem:v10+s23+$0x0], $0xffff  }
0xbd: {  	v63 =	vadd.s32 s9, v2;
	_ =	sdelay $0x3  }
0xbe: {  	[tilespmem:v11+s4+$0x0] =	vst.idx.add.f32.msk $0xffff, v10  }
0xbf: {  	v10 =	vld.idx.msk [tilespmem:v63+s1+$0x0], $0xffff;
	_ =	sdelay $0x6  }
0xc0: {  	v11 =	vshll.u32 v10, $0x7  }
0xc1: {  	p0 =	sne.s32 s9, $0x31;
	v11 =	vor.u32 v4, v11;
	v10 =	vld.idx.msk [tilespmem:v10+s23+$0x0], $0xffff  }
.Ltmp3:
0xc2: {  	_ = 	snop;
	(pc) =	sbr.rel @p0 .LBB2_8-.Ltmp3, $2  }
0xc3: {  	_ =	sdelay $0x2  }
0xc4: {  	s9 =	sadd.s32 $0x5, s9;
	[tilespmem:v11+s4+$0x0] =	vst.idx.add.f32.msk $0xffff, v10  }
0xc5: {  	_ =	swait.ge [sflag:s5], $0x320  }
0xc6: {  	[sflag:s5] =	ssyncset.done $0x0  }
0xc7: {  	s9 =	rddreg [dreg:$0x8];
	[sflag:s5] =	ssyncadd.s32 $0xFFFFFCE0  }
0xc8: {  	[tilespmem:s1], [sflag:$0x1] =	stream.linear.gather [hbm4b:s9+s1], $0x320, $0x38;
	[tilespmem:$0x1FF00] =	vst v63  }
0xc9: {  	s9 =	simm.s32 $0x4  }
.LBB2_10:
0xca: {  	s10 =	sadd.s32 $0xFFFFFFFC, s9  }
0xcb: {  	v10 =	vadd.s32 s10, v2;
	_ =	sdelay $0x4  }
0xcc: {  	v10 =	vld.idx.msk [tilespmem:v10+s3+$0x0], $0xffff;
	_ =	sdelay $0x6  }
0xcd: {  	v11 =	vshll.u32 v10, $0x7  }
0xce: {  	s11 =	sadd.s32 $0xFFFFFFFD, s9;
	v11 =	vor.u32 v5, v11;
	v10 =	vld.idx.msk [tilespmem:v10+s23+$0x0], $0xffff  }
0xcf: {  	v12 =	vadd.s32 s11, v2;
	_ =	sdelay $0x3  }
0xd0: {  	[tilespmem:v11+s4+$0x0] =	vst.idx.add.f32.msk $0xffff, v10  }
0xd1: {  	v10 =	vld.idx.msk [tilespmem:v12+s3+$0x0], $0xffff;
	_ =	sdelay $0x6  }
0xd2: {  	v11 =	vshll.u32 v10, $0x7  }
0xd3: {  	s11 =	sadd.s32 $0xFFFFFFFE, s9;
	v11 =	vor.u32 v5, v11;
	v10 =	vld.idx.msk [tilespmem:v10+s23+$0x0], $0xffff  }
0xd4: {  	v61 =	vadd.s32 s11, v2;
	_ =	sdelay $0x3  }
0xd5: {  	[tilespmem:v11+s4+$0x0] =	vst.idx.add.f32.msk $0xffff, v10  }
0xd6: {  	v10 =	vld.idx.msk [tilespmem:v61+s3+$0x0], $0xffff;
	_ =	sdelay $0x6  }
0xd7: {  	v11 =	vshll.u32 v10, $0x7  }
0xd8: {  	s11 =	sadd.s32 $0xFFFFFFFF, s9;
	v11 =	vor.u32 v5, v11;
	v10 =	vld.idx.msk [tilespmem:v10+s23+$0x0], $0xffff  }
0xd9: {  	v62 =	vadd.s32 s11, v2;
	_ =	sdelay $0x3  }
0xda: {  	[tilespmem:v11+s4+$0x0] =	vst.idx.add.f32.msk $0xffff, v10  }
0xdb: {  	v10 =	vld.idx.msk [tilespmem:v62+s3+$0x0], $0xffff;
	_ =	sdelay $0x6  }
0xdc: {  	v11 =	vshll.u32 v10, $0x7  }
0xdd: {  	v11 =	vor.u32 v5, v11;
	v10 =	vld.idx.msk [tilespmem:v10+s23+$0x0], $0xffff  }
0xde: {  	v63 =	vadd.s32 s9, v2;
	_ =	sdelay $0x3  }
0xdf: {  	[tilespmem:v11+s4+$0x0] =	vst.idx.add.f32.msk $0xffff, v10  }
0xe0: {  	v10 =	vld.idx.msk [tilespmem:v63+s3+$0x0], $0xffff;
	_ =	sdelay $0x6  }
0xe1: {  	v11 =	vshll.u32 v10, $0x7  }
0xe2: {  	p0 =	sne.s32 s9, $0x31;
	v11 =	vor.u32 v5, v11;
	v10 =	vld.idx.msk [tilespmem:v10+s23+$0x0], $0xffff  }
.Ltmp4:
0xe3: {  	_ = 	snop;
	(pc) =	sbr.rel @p0 .LBB2_10-.Ltmp4, $2  }
0xe4: {  	_ =	sdelay $0x2  }
0xe5: {  	s9 =	sadd.s32 $0x5, s9;
	[tilespmem:v11+s4+$0x0] =	vst.idx.add.f32.msk $0xffff, v10  }
0xe6: {  	_ =	swait.ge [sflag:s2], $0x320  }
0xe7: {  	[sflag:s2] =	ssyncset.done $0x0  }
0xe8: {  	s9 =	rddreg [dreg:$0x9];
	[sflag:s2] =	ssyncadd.s32 $0xFFFFFCE0  }
0xe9: {  	[tilespmem:s3], [sflag:$0x2] =	stream.linear.gather [hbm4b:s9+s1], $0x320, $0x38;
	[tilespmem:$0x1FF00] =	vst v63  }
0xea: {  	s9 =	simm.s32 $0x4  }
.LBB2_12:
0xeb: {  	s10 =	sadd.s32 $0xFFFFFFFC, s9  }
0xec: {  	v10 =	vadd.s32 s10, v2;
	_ =	sdelay $0x4  }
0xed: {  	v10 =	vld.idx.msk [tilespmem:v10+s1+$0x0], $0xffff;
	_ =	sdelay $0x6  }
0xee: {  	v11 =	vshll.u32 v10, $0x7  }
0xef: {  	s11 =	sadd.s32 $0xFFFFFFFD, s9;
	v11 =	vor.u32 v6, v11;
	v10 =	vld.idx.msk [tilespmem:v10+s23+$0x0], $0xffff  }
0xf0: {  	v12 =	vadd.s32 s11, v2;
	_ =	sdelay $0x3  }
0xf1: {  	[tilespmem:v11+s4+$0x0] =	vst.idx.add.f32.msk $0xffff, v10  }
0xf2: {  	v10 =	vld.idx.msk [tilespmem:v12+s1+$0x0], $0xffff;
	_ =	sdelay $0x6  }
0xf3: {  	v11 =	vshll.u32 v10, $0x7  }
0xf4: {  	s11 =	sadd.s32 $0xFFFFFFFE, s9;
	v11 =	vor.u32 v6, v11;
	v10 =	vld.idx.msk [tilespmem:v10+s23+$0x0], $0xffff  }
0xf5: {  	v61 =	vadd.s32 s11, v2;
	_ =	sdelay $0x3  }
0xf6: {  	[tilespmem:v11+s4+$0x0] =	vst.idx.add.f32.msk $0xffff, v10  }
0xf7: {  	v10 =	vld.idx.msk [tilespmem:v61+s1+$0x0], $0xffff;
	_ =	sdelay $0x6  }
0xf8: {  	v11 =	vshll.u32 v10, $0x7  }
0xf9: {  	s11 =	sadd.s32 $0xFFFFFFFF, s9;
	v11 =	vor.u32 v6, v11;
	v10 =	vld.idx.msk [tilespmem:v10+s23+$0x0], $0xffff  }
0xfa: {  	v62 =	vadd.s32 s11, v2;
	_ =	sdelay $0x3  }
0xfb: {  	[tilespmem:v11+s4+$0x0] =	vst.idx.add.f32.msk $0xffff, v10  }
0xfc: {  	v10 =	vld.idx.msk [tilespmem:v62+s1+$0x0], $0xffff;
	_ =	sdelay $0x6  }
0xfd: {  	v11 =	vshll.u32 v10, $0x7  }
0xfe: {  	v11 =	vor.u32 v6, v11;
	v10 =	vld.idx.msk [tilespmem:v10+s23+$0x0], $0xffff  }
0xff: {  	v63 =	vadd.s32 s9, v2;
	_ =	sdelay $0x3  }
0x100: {  	[tilespmem:v11+s4+$0x0] =	vst.idx.add.f32.msk $0xffff, v10  }
0x101: {  	v10 =	vld.idx.msk [tilespmem:v63+s1+$0x0], $0xffff;
	_ =	sdelay $0x6  }
0x102: {  	v11 =	vshll.u32 v10, $0x7  }
0x103: {  	p0 =	sne.s32 s9, $0x31;
	v11 =	vor.u32 v6, v11;
	v10 =	vld.idx.msk [tilespmem:v10+s23+$0x0], $0xffff  }
.Ltmp5:
0x104: {  	_ = 	snop;
	(pc) =	sbr.rel @p0 .LBB2_12-.Ltmp5, $2  }
0x105: {  	_ =	sdelay $0x2  }
0x106: {  	s9 =	sadd.s32 $0x5, s9;
	[tilespmem:v11+s4+$0x0] =	vst.idx.add.f32.msk $0xffff, v10  }
0x107: {  	_ =	swait.ge [sflag:s5], $0x320  }
0x108: {  	[sflag:s5] =	ssyncset.done $0x0  }
0x109: {  	s9 =	rddreg [dreg:$0xa];
	[sflag:s5] =	ssyncadd.s32 $0xFFFFFCE0  }
0x10a: {  	[tilespmem:s1], [sflag:$0x1] =	stream.linear.gather [hbm4b:s9+s1], $0x320, $0x38;
	[tilespmem:$0x1FF00] =	vst v63  }
0x10b: {  	s9 =	simm.s32 $0x4  }
.LBB2_14:
0x10c: {  	s10 =	sadd.s32 $0xFFFFFFFC, s9  }
0x10d: {  	v10 =	vadd.s32 s10, v2;
	_ =	sdelay $0x4  }
0x10e: {  	v10 =	vld.idx.msk [tilespmem:v10+s3+$0x0], $0xffff;
	_ =	sdelay $0x6  }
0x10f: {  	v11 =	vshll.u32 v10, $0x7  }
0x110: {  	s11 =	sadd.s32 $0xFFFFFFFD, s9;
	v11 =	vor.u32 v7, v11;
	v10 =	vld.idx.msk [tilespmem:v10+s23+$0x0], $0xffff  }
0x111: {  	v12 =	vadd.s32 s11, v2;
	_ =	sdelay $0x3  }
0x112: {  	[tilespmem:v11+s4+$0x0] =	vst.idx.add.f32.msk $0xffff, v10  }
0x113: {  	v10 =	vld.idx.msk [tilespmem:v12+s3+$0x0], $0xffff;
	_ =	sdelay $0x6  }
0x114: {  	v11 =	vshll.u32 v10, $0x7  }
0x115: {  	s11 =	sadd.s32 $0xFFFFFFFE, s9;
	v11 =	vor.u32 v7, v11;
	v10 =	vld.idx.msk [tilespmem:v10+s23+$0x0], $0xffff  }
0x116: {  	v61 =	vadd.s32 s11, v2;
	_ =	sdelay $0x3  }
0x117: {  	[tilespmem:v11+s4+$0x0] =	vst.idx.add.f32.msk $0xffff, v10  }
0x118: {  	v10 =	vld.idx.msk [tilespmem:v61+s3+$0x0], $0xffff;
	_ =	sdelay $0x6  }
0x119: {  	v11 =	vshll.u32 v10, $0x7  }
0x11a: {  	s11 =	sadd.s32 $0xFFFFFFFF, s9;
	v11 =	vor.u32 v7, v11;
	v10 =	vld.idx.msk [tilespmem:v10+s23+$0x0], $0xffff  }
0x11b: {  	v62 =	vadd.s32 s11, v2;
	_ =	sdelay $0x3  }
0x11c: {  	[tilespmem:v11+s4+$0x0] =	vst.idx.add.f32.msk $0xffff, v10  }
0x11d: {  	v10 =	vld.idx.msk [tilespmem:v62+s3+$0x0], $0xffff;
	_ =	sdelay $0x6  }
0x11e: {  	v11 =	vshll.u32 v10, $0x7  }
0x11f: {  	v11 =	vor.u32 v7, v11;
	v10 =	vld.idx.msk [tilespmem:v10+s23+$0x0], $0xffff  }
0x120: {  	v63 =	vadd.s32 s9, v2;
	_ =	sdelay $0x3  }
0x121: {  	[tilespmem:v11+s4+$0x0] =	vst.idx.add.f32.msk $0xffff, v10  }
0x122: {  	v10 =	vld.idx.msk [tilespmem:v63+s3+$0x0], $0xffff;
	_ =	sdelay $0x6  }
0x123: {  	v11 =	vshll.u32 v10, $0x7  }
0x124: {  	p0 =	sne.s32 s9, $0x31;
	v11 =	vor.u32 v7, v11;
	v10 =	vld.idx.msk [tilespmem:v10+s23+$0x0], $0xffff  }
.Ltmp6:
0x125: {  	_ = 	snop;
	(pc) =	sbr.rel @p0 .LBB2_14-.Ltmp6, $2  }
0x126: {  	_ =	sdelay $0x2  }
0x127: {  	s9 =	sadd.s32 $0x5, s9;
	[tilespmem:v11+s4+$0x0] =	vst.idx.add.f32.msk $0xffff, v10  }
0x128: {  	_ =	swait.ge [sflag:s2], $0x320  }
0x129: {  	[sflag:s2] =	ssyncset.done $0x0  }
0x12a: {  	s9 =	rddreg [dreg:$0xb];
	[sflag:s2] =	ssyncadd.s32 $0xFFFFFCE0  }
0x12b: {  	[tilespmem:s3], [sflag:$0x2] =	stream.linear.gather [hbm4b:s9+s1], $0x320, $0x38;
	[tilespmem:$0x1FF00] =	vst v63  }
0x12c: {  	s9 =	simm.s32 $0x4  }
.LBB2_16:
0x12d: {  	s10 =	sadd.s32 $0xFFFFFFFC, s9  }
0x12e: {  	v10 =	vadd.s32 s10, v2;
	_ =	sdelay $0x4  }
0x12f: {  	v10 =	vld.idx.msk [tilespmem:v10+s1+$0x0], $0xffff;
	_ =	sdelay $0x6  }
0x130: {  	v11 =	vshll.u32 v10, $0x7  }
0x131: {  	s11 =	sadd.s32 $0xFFFFFFFD, s9;
	v11 =	vor.u32 v8, v11;
	v10 =	vld.idx.msk [tilespmem:v10+s23+$0x0], $0xffff  }
0x132: {  	v12 =	vadd.s32 s11, v2;
	_ =	sdelay $0x3  }
0x133: {  	[tilespmem:v11+s4+$0x0] =	vst.idx.add.f32.msk $0xffff, v10  }
0x134: {  	v10 =	vld.idx.msk [tilespmem:v12+s1+$0x0], $0xffff;
	_ =	sdelay $0x6  }
0x135: {  	v11 =	vshll.u32 v10, $0x7  }
0x136: {  	s11 =	sadd.s32 $0xFFFFFFFE, s9;
	v11 =	vor.u32 v8, v11;
	v10 =	vld.idx.msk [tilespmem:v10+s23+$0x0], $0xffff  }
0x137: {  	v61 =	vadd.s32 s11, v2;
	_ =	sdelay $0x3  }
0x138: {  	[tilespmem:v11+s4+$0x0] =	vst.idx.add.f32.msk $0xffff, v10  }
0x139: {  	v10 =	vld.idx.msk [tilespmem:v61+s1+$0x0], $0xffff;
	_ =	sdelay $0x6  }
0x13a: {  	v11 =	vshll.u32 v10, $0x7  }
0x13b: {  	s11 =	sadd.s32 $0xFFFFFFFF, s9;
	v11 =	vor.u32 v8, v11;
	v10 =	vld.idx.msk [tilespmem:v10+s23+$0x0], $0xffff  }
0x13c: {  	v62 =	vadd.s32 s11, v2;
	_ =	sdelay $0x3  }
0x13d: {  	[tilespmem:v11+s4+$0x0] =	vst.idx.add.f32.msk $0xffff, v10  }
0x13e: {  	v10 =	vld.idx.msk [tilespmem:v62+s1+$0x0], $0xffff;
	_ =	sdelay $0x6  }
0x13f: {  	v11 =	vshll.u32 v10, $0x7  }
0x140: {  	v11 =	vor.u32 v8, v11;
	v10 =	vld.idx.msk [tilespmem:v10+s23+$0x0], $0xffff  }
0x141: {  	v63 =	vadd.s32 s9, v2;
	_ =	sdelay $0x3  }
0x142: {  	[tilespmem:v11+s4+$0x0] =	vst.idx.add.f32.msk $0xffff, v10  }
0x143: {  	v10 =	vld.idx.msk [tilespmem:v63+s1+$0x0], $0xffff;
	_ =	sdelay $0x6  }
0x144: {  	v11 =	vshll.u32 v10, $0x7  }
0x145: {  	p0 =	sne.s32 s9, $0x31;
	v11 =	vor.u32 v8, v11;
	v10 =	vld.idx.msk [tilespmem:v10+s23+$0x0], $0xffff  }
.Ltmp7:
0x146: {  	_ = 	snop;
	(pc) =	sbr.rel @p0 .LBB2_16-.Ltmp7, $2  }
0x147: {  	_ =	sdelay $0x2  }
0x148: {  	s9 =	sadd.s32 $0x5, s9;
	[tilespmem:v11+s4+$0x0] =	vst.idx.add.f32.msk $0xffff, v10  }
0x149: {  	_ =	swait.ge [sflag:s5], $0x320  }
0x14a: {  	[sflag:s5] =	ssyncset.done $0x0  }
0x14b: {  	s9 =	simm.s32 $0x4;
	[sflag:s5] =	ssyncadd.s32 $0xFFFFFCE0  }
.LBB2_18:
0x14c: {  	s10 =	sadd.s32 $0xFFFFFFFC, s9  }
0x14d: {  	v10 =	vadd.s32 s10, v2;
	_ =	sdelay $0x4  }
0x14e: {  	v10 =	vld.idx.msk [tilespmem:v10+s3+$0x0], $0xffff;
	_ =	sdelay $0x6  }
0x14f: {  	v11 =	vshll.u32 v10, $0x7  }
0x150: {  	s11 =	sadd.s32 $0xFFFFFFFD, s9;
	v11 =	vor.u32 v9, v11;
	v10 =	vld.idx.msk [tilespmem:v10+s23+$0x0], $0xffff  }
0x151: {  	v12 =	vadd.s32 s11, v2;
	_ =	sdelay $0x3  }
0x152: {  	[tilespmem:v11+s4+$0x0] =	vst.idx.add.f32.msk $0xffff, v10  }
0x153: {  	v10 =	vld.idx.msk [tilespmem:v12+s3+$0x0], $0xffff;
	_ =	sdelay $0x6  }
0x154: {  	v11 =	vshll.u32 v10, $0x7  }
0x155: {  	s11 =	sadd.s32 $0xFFFFFFFE, s9;
	v11 =	vor.u32 v9, v11;
	v10 =	vld.idx.msk [tilespmem:v10+s23+$0x0], $0xffff  }
0x156: {  	v61 =	vadd.s32 s11, v2;
	_ =	sdelay $0x3  }
0x157: {  	[tilespmem:v11+s4+$0x0] =	vst.idx.add.f32.msk $0xffff, v10  }
0x158: {  	v10 =	vld.idx.msk [tilespmem:v61+s3+$0x0], $0xffff;
	_ =	sdelay $0x6  }
0x159: {  	v11 =	vshll.u32 v10, $0x7  }
0x15a: {  	s11 =	sadd.s32 $0xFFFFFFFF, s9;
	v11 =	vor.u32 v9, v11;
	v10 =	vld.idx.msk [tilespmem:v10+s23+$0x0], $0xffff  }
0x15b: {  	v62 =	vadd.s32 s11, v2;
	_ =	sdelay $0x3  }
0x15c: {  	[tilespmem:v11+s4+$0x0] =	vst.idx.add.f32.msk $0xffff, v10  }
0x15d: {  	v10 =	vld.idx.msk [tilespmem:v62+s3+$0x0], $0xffff;
	_ =	sdelay $0x6  }
0x15e: {  	v11 =	vshll.u32 v10, $0x7  }
0x15f: {  	v11 =	vor.u32 v9, v11;
	v10 =	vld.idx.msk [tilespmem:v10+s23+$0x0], $0xffff  }
0x160: {  	v63 =	vadd.s32 s9, v2;
	_ =	sdelay $0x3  }
0x161: {  	[tilespmem:v11+s4+$0x0] =	vst.idx.add.f32.msk $0xffff, v10  }
0x162: {  	v10 =	vld.idx.msk [tilespmem:v63+s3+$0x0], $0xffff;
	_ =	sdelay $0x6  }
0x163: {  	v11 =	vshll.u32 v10, $0x7  }
0x164: {  	p0 =	sne.s32 s9, $0x31;
	v11 =	vor.u32 v9, v11;
	v10 =	vld.idx.msk [tilespmem:v10+s23+$0x0], $0xffff  }
.Ltmp8:
0x165: {  	_ = 	snop;
	(pc) =	sbr.rel @p0 .LBB2_18-.Ltmp8, $2  }
0x166: {  	_ =	sdelay $0x2  }
0x167: {  	s9 =	sadd.s32 $0x5, s9;
	[tilespmem:v11+s4+$0x0] =	vst.idx.add.f32.msk $0xffff, v10  }
0x168: {  	s9 =	rddreg [dreg:$0xc];
	s10 =	simm.s32 $0x400;
	s11 =	simm.s32 $0x8000  }
0x169: {  	[hbm4b:s9+s10] =	stream.strided.scatter [tilespmem:s4], [sflag:$0x4], $0x1F400, s11, s10, $0x38;
	[tilespmem:$0x1FF00] =	vst v63  }
0x16a: {  	s10 =	rddreg [dreg:$0xd]  }
0x16b: {  	[tilespmem:s1], [sflag:$0x5] =	stream.linear.gather [hbm4b:s10+s1], $0x320, $0x38;
	[tilespmem:$0x1FF00] =	vst v63  }
0x16c: {  	_ =	swait.ge [sflag:s6], $0x320  }
0x16d: {  	s11 =	simm.s32 $0x0;
	[sflag:s6] =	ssyncset.done $0x0  }
0x16e: {  	v11 =	vadd.s32 s11, v2;
	s10 =	simm.s32 $0x1;
	[sflag:s6] =	ssyncadd.s32 $0xFFFFFCE0  }
0x16f: {  	[tilespmem:s3], [sflag:$0x5] =	stream.linear.gather [hbm4b:s12+s1], $0x320, $0x38;
	[tilespmem:$0x1FF00] =	vst v63  }
0x170: {  	s11 =	simm.s32 $0x2;
	v12 =	vadd.s32 s10, v2;
	_ =	swait.ge [sflag:s6], $0x320  }
0x171: {  	v14 =	vadd.s32 s11, v2;
	s10 =	simm.s32 $0x3;
	[sflag:s6] =	ssyncset.done $0x0  }
0x172: {  	s11 =	simm.s32 $0x4;
	v13 =	vadd.s32 s10, v2;
	[sflag:s6] =	ssyncadd.s32 $0xFFFFFCE0  }
0x173: {  	v15 =	vadd.s32 s11, v2;
	v10 =	vld.idx.msk [tilespmem:v11+s1+$0x0], $0xffff;
	_ =	sdelay $0x1  }
0x174: {  	v16 =	vld.idx.msk [tilespmem:v12+s1+$0x0], $0xffff  }
0x175: {  	v17 =	vld.idx.msk [tilespmem:v14+s1+$0x0], $0xffff  }
0x176: {  	v18 =	vld.idx.msk [tilespmem:v13+s1+$0x0], $0xffff  }
0x177: {  	v20 =	vld.idx.msk [tilespmem:v15+s1+$0x0], $0xffff;
	v10 =	vshll.u32 v10, $0x7  }
0x178: {  	s11 =	simm.s32 $0x5;
	v23 =	vld.idx.msk [tilespmem:v13+s3+$0x0], $0xffff;
	v19 =	vor.u32 v0, v10  }
0x179: {  	v13 =	vadd.s32 s11, v2;
	v21 =	vld.idx.msk [tilespmem:v14+s3+$0x0], $0xffff;
	v16 =	vshll.u32 v16, $0x7  }
0x17a: {  	s10 =	simm.s32 $0x6;
	v12 =	vld.idx.msk [tilespmem:v12+s3+$0x0], $0xffff;
	v16 =	vor.u32 v0, v16  }
0x17b: {  	v14 =	vshll.u32 v17, $0x7;
	v17 =	vld.idx.msk [tilespmem:v11+s3+$0x0], $0xffff;
	v11 =	vadd.s32 s10, v2  }
0x17c: {  	v10 =	vld.idx.msk [tilespmem:v15+s3+$0x0], $0xffff;
	v14 =	vor.u32 v0, v14;
	v15 =	vshll.u32 v18, $0x7  }
0x17d: {  	s10 =	simm.s32 $0x8;
	v18 =	vor.u32 v0, v15;
	v19 =	vld.idx.msk [tilespmem:v19+s4+$0x0], $0xffff  }
0x17e: {  	s11 =	simm.s32 $0x7;
	v22 =	vld.idx.msk [tilespmem:v13+s1+$0x0], $0xffff;
	v24 =	vadd.s32 s10, v2  }
0x17f: {  	v20 =	vshll.u32 v20, $0x7;
	v15 =	vadd.s32 s11, v2;
	v16 =	vld.idx.msk [tilespmem:v16+s4+$0x0], $0xffff  }
0x180: {  	v20 =	vor.u32 v0, v20;
	s11 =	simm.s32 $0x9;
	v26 =	vld.idx.msk [tilespmem:v11+s1+$0x0], $0xffff  }
0x181: {  	v27 =	vadd.s32 s11, v2;
	v25 =	vld.idx.msk [tilespmem:v14+s4+$0x0], $0xffff  }
0x182: {  	v28 =	vld.idx.msk [tilespmem:v18+s4+$0x0], $0xffff;
	v14 =	vmul.f32 v17, v19  }
0x183: {  	v18 =	vld.idx.msk [tilespmem:v24+s1+$0x0], $0xffff;
	v17 =	vimm.f32 $0.0e+00  }
0x184: {  	v19 =	vld.idx.msk [tilespmem:v15+s1+$0x0], $0xffff;
	v12 =	vmul.f32 v12, v16;
	v17 =	vadd.f32 v14, v17  }
0x185: {  	v16 =	vld.idx.msk [tilespmem:v20+s4+$0x0], $0xffff;
	v20 =	vshll.u32 v22, $0x7  }
0x186: {  	v25 =	vmul.f32 v21, v25;
	v21 =	vor.u32 v0, v20;
	v14 =	vld.idx.msk [tilespmem:v27+s3+$0x0], $0xffff;
	v22 =	vadd.f32 v12, v17  }
0x187: {  	v12 =	vshll.u32 v26, $0x7;
	v17 =	vld.idx.msk [tilespmem:v27+s1+$0x0], $0xffff  }
0x188: {  	s9 =	simm.s32 $0xE;
	s10 =	simm.s32 $0x13;
	s11 =	simm.s32 $0xA;
	v23 =	vmul.f32 v23, v28;
	v20 =	vor.u32 v0, v12;
	v12 =	vld.idx.msk [tilespmem:v24+s3+$0x0], $0xffff;
	v22 =	vadd.f32 v25, v22  }
.LBB2_20:
0x189: {  	p0 =	sne.s32 s10, $0x31;
	v24 =	vadd.s32 s11, v2;
	v25 =	vld.idx.msk [tilespmem:v15+s3+$0x0], $0xffff;
	v15 =	vshll.u32 v19, $0x7  }
0x18a: {  	s11 =	sadd.s32 $0xFFFFFFFD, s9;
	v27 =	vmul.f32 v10, v16;
	v19 =	vld.idx.msk [tilespmem:v13+s3+$0x0], $0xffff;
	v26 =	vor.u32 v0, v15;
	v15 =	vadd.f32 v23, v22  }
0x18b: {  	v16 =	vadd.s32 s11, v2;
	v18 =	vshll.u32 v18, $0x7;
	v13 =	vmov v24;
	v21 =	vld.idx.msk [tilespmem:v21+s4+$0x0], $0xffff  }
0x18c: {  	s11 =	sadd.s32 $0xFFFFFFFE, s9;
	v18 =	vor.u32 v0, v18;
	v10 =	vmovc v14;
	v22 =	vld.idx.msk [tilespmem:v11+s3+$0x0], $0xffff;
	v23 =	vadd.f32 v27, v15;
	v11 =	vmov v16  }
0x18d: {  	v15 =	vadd.s32 s11, v2;
	v17 =	vshll.u32 v17, $0x7;
	v14 =	vld.idx.msk [tilespmem:v20+s4+$0x0], $0xffff  }
0x18e: {  	s11 =	sadd.s32 $0xFFFFFFFF, s9;
	v17 =	vor.u32 v0, v17;
	v20 =	vld.idx.msk [tilespmem:v24+s1+$0x0], $0xffff  }
0x18f: {  	v24 =	vadd.s32 s11, v2;
	v26 =	vld.idx.msk [tilespmem:v26+s4+$0x0], $0xffff  }
0x190: {  	v28 =	vadd.s32 s9, v2;
	s9 =	smov.u32 s10;
	v27 =	vld.idx.msk [tilespmem:v16+s1+$0x0], $0xffff  }
0x191: {  	v16 =	vmul.f32 v19, v21;
	v29 =	vld.idx.msk [tilespmem:v18+s4+$0x0], $0xffff  }
0x192: {  	v19 =	vld.idx.msk [tilespmem:v15+s1+$0x0], $0xffff  }
.Ltmp9:
0x193: {  	v23 =	vadd.f32 v16, v23;
	v22 =	vmul.f32 v22, v14;
	v16 =	vld.idx.msk [tilespmem:v17+s4+$0x0], $0xffff;
	(pc) =	sbr.rel @p0 .LBB2_20-.Ltmp9, $4  }
0x194: {  	v14 =	vshll.u32 v20, $0x7;
	v18 =	vld.idx.msk [tilespmem:v24+s1+$0x0], $0xffff  }
0x195: {  	v21 =	vor.u32 v0, v14;
	v22 =	vadd.f32 v22, v23;
	v23 =	vmul.f32 v25, v26;
	v14 =	vld.idx.msk [tilespmem:v28+s3+$0x0], $0xffff  }
0x196: {  	v20 =	vshll.u32 v27, $0x7;
	v17 =	vld.idx.msk [tilespmem:v28+s1+$0x0], $0xffff  }
0x197: {  	s10 =	sadd.s32 $0x5, s10;
	s11 =	sadd.s32 $0xFFFFFFFC, s9;
	v20 =	vor.u32 v0, v20;
	v22 =	vadd.f32 v23, v22;
	v23 =	vmul.f32 v12, v29;
	v12 =	vld.idx.msk [tilespmem:v24+s3+$0x0], $0xffff  }
0x198: {  	_ =	sdelay $0x1  }
0x199: {  	v24 =	vadd.s32 s11, v2  }
0x19a: {  	s10 =	sadd.s32 $0xFFFFFFFD, s9  }
0x19b: {  	v15 =	vld.idx.msk [tilespmem:v15+s3+$0x0], $0xffff;
	v25 =	vadd.s32 s10, v2  }
0x19c: {  	v13 =	vld.idx.msk [tilespmem:v13+s3+$0x0], $0xffff;
	s11 =	sadd.s32 $0xFFFFFFFE, s9  }
0x19d: {  	v19 =	vshll.u32 v19, $0x7;
	v21 =	vld.idx.msk [tilespmem:v21+s4+$0x0], $0xffff;
	v26 =	vadd.s32 s11, v2  }
0x19e: {  	v19 =	vor.u32 v0, v19;
	s11 =	sadd.s32 $0xFFFFFFFF, s9;
	v27 =	vld.idx.msk [tilespmem:v24+s1+$0x0], $0xffff  }
0x19f: {  	v11 =	vld.idx.msk [tilespmem:v11+s3+$0x0], $0xffff;
	v18 =	vshll.u32 v18, $0x7;
	v28 =	vadd.s32 s11, v2  }
0x1a0: {  	v18 =	vor.u32 v0, v18;
	v29 =	vld.idx.msk [tilespmem:v25+s1+$0x0], $0xffff  }
0x1a1: {  	v20 =	vld.idx.msk [tilespmem:v20+s4+$0x0], $0xffff;
	v30 =	vadd.s32 s9, v2;
	v17 =	vshll.u32 v17, $0x7  }
0x1a2: {  	v10 =	vmul.f32 v10, v16;
	v22 =	vadd.f32 v23, v22;
	v16 =	vor.u32 v0, v17;
	v17 =	vld.idx.msk [tilespmem:v26+s1+$0x0], $0xffff  }
0x1a3: {  	v19 =	vld.idx.msk [tilespmem:v19+s4+$0x0], $0xffff;
	v23 =	vshll.u32 v27, $0x7  }
0x1a4: {  	v10 =	vadd.f32 v10, v22;
	v13 =	vmul.f32 v13, v21;
	v21 =	vld.idx.msk [tilespmem:v28+s1+$0x0], $0xffff;
	v22 =	vor.u32 v0, v23  }
0x1a5: {  	v18 =	vld.idx.msk [tilespmem:v18+s4+$0x0], $0xffff;
	v23 =	vshll.u32 v29, $0x7  }
0x1a6: {  	v11 =	vmul.f32 v11, v20;
	v10 =	vadd.f32 v13, v10;
	v13 =	vld.idx.msk [tilespmem:v30+s1+$0x0], $0xffff;
	v20 =	vor.u32 v0, v23  }
0x1a7: {  	v16 =	vld.idx.msk [tilespmem:v16+s4+$0x0], $0xffff;
	v17 =	vshll.u32 v17, $0x7  }
0x1a8: {  	v10 =	vadd.f32 v11, v10;
	v11 =	vmul.f32 v15, v19;
	v15 =	vld.idx.msk [tilespmem:v24+s3+$0x0], $0xffff;
	v17 =	vor.u32 v0, v17  }
0x1a9: {  	v21 =	vshll.u32 v21, $0x7;
	v19 =	vld.idx.msk [tilespmem:v22+s4+$0x0], $0xffff  }
0x1aa: {  	v10 =	vadd.f32 v11, v10;
	v11 =	vmul.f32 v12, v18;
	v12 =	vld.idx.msk [tilespmem:v25+s3+$0x0], $0xffff;
	v18 =	vor.u32 v0, v21  }
0x1ab: {  	v13 =	vshll.u32 v13, $0x7;
	v20 =	vld.idx.msk [tilespmem:v20+s4+$0x0], $0xffff  }
0x1ac: {  	v21 =	vld.idx.msk [tilespmem:v26+s3+$0x0], $0xffff;
	v13 =	vor.u32 v0, v13;
	v10 =	vadd.f32 v11, v10;
	v11 =	vmul.f32 v14, v16  }
0x1ad: {  	v14 =	vld.idx.msk [tilespmem:v17+s4+$0x0], $0xffff  }
0x1ae: {  	v16 =	vld.idx.msk [tilespmem:v28+s3+$0x0], $0xffff;
	v10 =	vadd.f32 v11, v10;
	v11 =	vmul.f32 v15, v19  }
0x1af: {  	v15 =	vld.idx.msk [tilespmem:v18+s4+$0x0], $0xffff  }
0x1b0: {  	v17 =	vld.idx.msk [tilespmem:v30+s3+$0x0], $0xffff;
	v10 =	vadd.f32 v11, v10;
	v11 =	vmul.f32 v12, v20  }
0x1b1: {  	v12 =	vld.idx.msk [tilespmem:v13+s4+$0x0], $0xffff  }
0x1b2: {  	v10 =	vadd.f32 v11, v10;
	v11 =	vmul.f32 v21, v14;
	_ =	sdelay $0x1  }
0x1b3: {  	v10 =	vadd.f32 v11, v10;
	v11 =	vmul.f32 v16, v15;
	_ =	sdelay $0x1  }
0x1b4: {  	v10 =	vadd.f32 v11, v10;
	v11 =	vmul.f32 v17, v12;
	_ =	sdelay $0x1  }
0x1b5: {  	v10 =	vadd.f32 v11, v10;
	_ =	sdelay $0x1  }
0x1b6: {  	[tilespmem:$0x700] =	vst v10  }
0x1b7: {  	[tilespmem:s1], [sflag:$0x5] =	stream.linear.gather [hbm4b:s13+s1], $0x320, $0x38;
	[tilespmem:$0x1FF00] =	vst v63  }
0x1b8: {  	_ =	swait.ge [sflag:s6], $0x320  }
0x1b9: {  	s11 =	simm.s32 $0x0;
	[sflag:s6] =	ssyncset.done $0x0  }
0x1ba: {  	s10 =	simm.s32 $0x1;
	v11 =	vadd.s32 s11, v2;
	[sflag:s6] =	ssyncadd.s32 $0xFFFFFCE0  }
0x1bb: {  	[tilespmem:s3], [sflag:$0x5] =	stream.linear.gather [hbm4b:s14+s1], $0x320, $0x38;
	[tilespmem:$0x1FF00] =	vst v63  }
0x1bc: {  	v12 =	vadd.s32 s10, v2;
	s11 =	simm.s32 $0x2;
	_ =	swait.ge [sflag:s6], $0x320  }
0x1bd: {  	s10 =	simm.s32 $0x3;
	v14 =	vadd.s32 s11, v2;
	[sflag:s6] =	ssyncset.done $0x0  }
0x1be: {  	v13 =	vadd.s32 s10, v2;
	s11 =	simm.s32 $0x4;
	[sflag:s6] =	ssyncadd.s32 $0xFFFFFCE0  }
0x1bf: {  	v15 =	vadd.s32 s11, v2;
	v10 =	vld.idx.msk [tilespmem:v11+s1+$0x0], $0xffff;
	_ =	sdelay $0x1  }
0x1c0: {  	v16 =	vld.idx.msk [tilespmem:v12+s1+$0x0], $0xffff  }
0x1c1: {  	v17 =	vld.idx.msk [tilespmem:v14+s1+$0x0], $0xffff  }
0x1c2: {  	v18 =	vld.idx.msk [tilespmem:v13+s1+$0x0], $0xffff  }
0x1c3: {  	v20 =	vld.idx.msk [tilespmem:v15+s1+$0x0], $0xffff;
	v10 =	vshll.u32 v10, $0x7  }
0x1c4: {  	s11 =	simm.s32 $0x5;
	v23 =	vld.idx.msk [tilespmem:v13+s3+$0x0], $0xffff;
	v19 =	vor.u32 v3, v10  }
0x1c5: {  	v13 =	vadd.s32 s11, v2;
	v21 =	vld.idx.msk [tilespmem:v14+s3+$0x0], $0xffff;
	v16 =	vshll.u32 v16, $0x7  }
0x1c6: {  	s10 =	simm.s32 $0x6;
	v12 =	vld.idx.msk [tilespmem:v12+s3+$0x0], $0xffff;
	v16 =	vor.u32 v3, v16  }
0x1c7: {  	v14 =	vshll.u32 v17, $0x7;
	v17 =	vld.idx.msk [tilespmem:v11+s3+$0x0], $0xffff;
	v11 =	vadd.s32 s10, v2  }
0x1c8: {  	v10 =	vld.idx.msk [tilespmem:v15+s3+$0x0], $0xffff;
	v14 =	vor.u32 v3, v14;
	v15 =	vshll.u32 v18, $0x7  }
0x1c9: {  	s10 =	simm.s32 $0x8;
	v18 =	vor.u32 v3, v15;
	v19 =	vld.idx.msk [tilespmem:v19+s4+$0x0], $0xffff  }
0x1ca: {  	s11 =	simm.s32 $0x7;
	v22 =	vld.idx.msk [tilespmem:v13+s1+$0x0], $0xffff;
	v59 =	vadd.s32 s10, v2  }
0x1cb: {  	v20 =	vshll.u32 v20, $0x7;
	v15 =	vadd.s32 s11, v2;
	v16 =	vld.idx.msk [tilespmem:v16+s4+$0x0], $0xffff  }
0x1cc: {  	v20 =	vor.u32 v3, v20;
	s11 =	simm.s32 $0x9;
	v61 =	vld.idx.msk [tilespmem:v11+s1+$0x0], $0xffff  }
0x1cd: {  	v62 =	vadd.s32 s11, v2;
	v60 =	vld.idx.msk [tilespmem:v14+s4+$0x0], $0xffff  }
0x1ce: {  	v63 =	vld.idx.msk [tilespmem:v18+s4+$0x0], $0xffff;
	v14 =	vmul.f32 v17, v19  }
0x1cf: {  	v18 =	vld.idx.msk [tilespmem:v59+s1+$0x0], $0xffff;
	v17 =	vimm.f32 $0.0e+00  }
0x1d0: {  	v19 =	vld.idx.msk [tilespmem:v15+s1+$0x0], $0xffff;
	v12 =	vmul.f32 v12, v16;
	v17 =	vadd.f32 v14, v17  }
0x1d1: {  	v16 =	vld.idx.msk [tilespmem:v20+s4+$0x0], $0xffff;
	v20 =	vshll.u32 v22, $0x7  }
0x1d2: {  	v25 =	vmul.f32 v21, v60;
	v21 =	vor.u32 v3, v20;
	v14 =	vld.idx.msk [tilespmem:v62+s3+$0x0], $0xffff;
	v22 =	vadd.f32 v12, v17  }
0x1d3: {  	v12 =	vshll.u32 v61, $0x7;
	v17 =	vld.idx.msk [tilespmem:v62+s1+$0x0], $0xffff  }
0x1d4: {  	s9 =	simm.s32 $0xE;
	s10 =	simm.s32 $0x13;
	s11 =	simm.s32 $0xA;
	v23 =	vmul.f32 v23, v63;
	v20 =	vor.u32 v3, v12;
	v12 =	vld.idx.msk [tilespmem:v59+s3+$0x0], $0xffff;
	v22 =	vadd.f32 v25, v22  }
.LBB2_22:
0x1d5: {  	p0 =	sne.s32 s10, $0x31;
	v24 =	vadd.s32 s11, v2;
	v25 =	vld.idx.msk [tilespmem:v15+s3+$0x0], $0xffff;
	v15 =	vshll.u32 v19, $0x7  }
0x1d6: {  	s11 =	sadd.s32 $0xFFFFFFFD, s9;
	v27 =	vmul.f32 v10, v16;
	v19 =	vld.idx.msk [tilespmem:v13+s3+$0x0], $0xffff;
	v26 =	vor.u32 v3, v15;
	v15 =	vadd.f32 v23, v22  }
0x1d7: {  	v16 =	vadd.s32 s11, v2;
	v18 =	vshll.u32 v18, $0x7;
	v13 =	vmov v24;
	v21 =	vld.idx.msk [tilespmem:v21+s4+$0x0], $0xffff  }
0x1d8: {  	s11 =	sadd.s32 $0xFFFFFFFE, s9;
	v18 =	vor.u32 v3, v18;
	v10 =	vmovc v14;
	v22 =	vld.idx.msk [tilespmem:v11+s3+$0x0], $0xffff;
	v23 =	vadd.f32 v27, v15;
	v11 =	vmov v16  }
0x1d9: {  	v15 =	vadd.s32 s11, v2;
	v17 =	vshll.u32 v17, $0x7;
	v14 =	vld.idx.msk [tilespmem:v20+s4+$0x0], $0xffff  }
0x1da: {  	s11 =	sadd.s32 $0xFFFFFFFF, s9;
	v17 =	vor.u32 v3, v17;
	v20 =	vld.idx.msk [tilespmem:v24+s1+$0x0], $0xffff  }
0x1db: {  	v24 =	vadd.s32 s11, v2;
	v26 =	vld.idx.msk [tilespmem:v26+s4+$0x0], $0xffff  }
0x1dc: {  	v28 =	vadd.s32 s9, v2;
	s9 =	smov.u32 s10;
	v27 =	vld.idx.msk [tilespmem:v16+s1+$0x0], $0xffff  }
0x1dd: {  	v16 =	vmul.f32 v19, v21;
	v29 =	vld.idx.msk [tilespmem:v18+s4+$0x0], $0xffff  }
0x1de: {  	v19 =	vld.idx.msk [tilespmem:v15+s1+$0x0], $0xffff  }
.Ltmp10:
0x1df: {  	v23 =	vadd.f32 v16, v23;
	v22 =	vmul.f32 v22, v14;
	v16 =	vld.idx.msk [tilespmem:v17+s4+$0x0], $0xffff;
	(pc) =	sbr.rel @p0 .LBB2_22-.Ltmp10, $4  }
0x1e0: {  	v14 =	vshll.u32 v20, $0x7;
	v18 =	vld.idx.msk [tilespmem:v24+s1+$0x0], $0xffff  }
0x1e1: {  	v21 =	vor.u32 v3, v14;
	v22 =	vadd.f32 v22, v23;
	v23 =	vmul.f32 v25, v26;
	v14 =	vld.idx.msk [tilespmem:v28+s3+$0x0], $0xffff  }
0x1e2: {  	v20 =	vshll.u32 v27, $0x7;
	v17 =	vld.idx.msk [tilespmem:v28+s1+$0x0], $0xffff  }
0x1e3: {  	s10 =	sadd.s32 $0x5, s10;
	s11 =	sadd.s32 $0xFFFFFFFC, s9;
	v20 =	vor.u32 v3, v20;
	v22 =	vadd.f32 v23, v22;
	v23 =	vmul.f32 v12, v29;
	v12 =	vld.idx.msk [tilespmem:v24+s3+$0x0], $0xffff  }
0x1e4: {  	_ =	sdelay $0x1  }
0x1e5: {  	v24 =	vadd.s32 s11, v2  }
0x1e6: {  	s10 =	sadd.s32 $0xFFFFFFFD, s9  }
0x1e7: {  	v15 =	vld.idx.msk [tilespmem:v15+s3+$0x0], $0xffff;
	v25 =	vadd.s32 s10, v2  }
0x1e8: {  	v13 =	vld.idx.msk [tilespmem:v13+s3+$0x0], $0xffff;
	s11 =	sadd.s32 $0xFFFFFFFE, s9  }
0x1e9: {  	v19 =	vshll.u32 v19, $0x7;
	v21 =	vld.idx.msk [tilespmem:v21+s4+$0x0], $0xffff;
	v26 =	vadd.s32 s11, v2  }
0x1ea: {  	v19 =	vor.u32 v3, v19;
	s11 =	sadd.s32 $0xFFFFFFFF, s9;
	v27 =	vld.idx.msk [tilespmem:v24+s1+$0x0], $0xffff  }
0x1eb: {  	v11 =	vld.idx.msk [tilespmem:v11+s3+$0x0], $0xffff;
	v18 =	vshll.u32 v18, $0x7;
	v28 =	vadd.s32 s11, v2  }
0x1ec: {  	v18 =	vor.u32 v3, v18;
	v29 =	vld.idx.msk [tilespmem:v25+s1+$0x0], $0xffff  }
0x1ed: {  	v20 =	vld.idx.msk [tilespmem:v20+s4+$0x0], $0xffff;
	v30 =	vadd.s32 s9, v2;
	v17 =	vshll.u32 v17, $0x7  }
0x1ee: {  	v10 =	vmul.f32 v10, v16;
	v22 =	vadd.f32 v23, v22;
	v16 =	vor.u32 v3, v17;
	v17 =	vld.idx.msk [tilespmem:v26+s1+$0x0], $0xffff  }
0x1ef: {  	v19 =	vld.idx.msk [tilespmem:v19+s4+$0x0], $0xffff;
	v23 =	vshll.u32 v27, $0x7  }
0x1f0: {  	v10 =	vadd.f32 v10, v22;
	v13 =	vmul.f32 v13, v21;
	v21 =	vld.idx.msk [tilespmem:v28+s1+$0x0], $0xffff;
	v22 =	vor.u32 v3, v23  }
0x1f1: {  	v18 =	vld.idx.msk [tilespmem:v18+s4+$0x0], $0xffff;
	v23 =	vshll.u32 v29, $0x7  }
0x1f2: {  	v11 =	vmul.f32 v11, v20;
	v10 =	vadd.f32 v13, v10;
	v13 =	vld.idx.msk [tilespmem:v30+s1+$0x0], $0xffff;
	v20 =	vor.u32 v3, v23  }
0x1f3: {  	v16 =	vld.idx.msk [tilespmem:v16+s4+$0x0], $0xffff;
	v17 =	vshll.u32 v17, $0x7  }
0x1f4: {  	v10 =	vadd.f32 v11, v10;
	v11 =	vmul.f32 v15, v19;
	v15 =	vld.idx.msk [tilespmem:v24+s3+$0x0], $0xffff;
	v17 =	vor.u32 v3, v17  }
0x1f5: {  	v21 =	vshll.u32 v21, $0x7;
	v19 =	vld.idx.msk [tilespmem:v22+s4+$0x0], $0xffff  }
0x1f6: {  	v10 =	vadd.f32 v11, v10;
	v11 =	vmul.f32 v12, v18;
	v12 =	vld.idx.msk [tilespmem:v25+s3+$0x0], $0xffff;
	v18 =	vor.u32 v3, v21  }
0x1f7: {  	v13 =	vshll.u32 v13, $0x7;
	v20 =	vld.idx.msk [tilespmem:v20+s4+$0x0], $0xffff  }
0x1f8: {  	v21 =	vld.idx.msk [tilespmem:v26+s3+$0x0], $0xffff;
	v13 =	vor.u32 v3, v13;
	v10 =	vadd.f32 v11, v10;
	v11 =	vmul.f32 v14, v16  }
0x1f9: {  	v14 =	vld.idx.msk [tilespmem:v17+s4+$0x0], $0xffff  }
0x1fa: {  	v16 =	vld.idx.msk [tilespmem:v28+s3+$0x0], $0xffff;
	v10 =	vadd.f32 v11, v10;
	v11 =	vmul.f32 v15, v19  }
0x1fb: {  	v15 =	vld.idx.msk [tilespmem:v18+s4+$0x0], $0xffff  }
0x1fc: {  	v17 =	vld.idx.msk [tilespmem:v30+s3+$0x0], $0xffff;
	v10 =	vadd.f32 v11, v10;
	v11 =	vmul.f32 v12, v20  }
0x1fd: {  	v12 =	vld.idx.msk [tilespmem:v13+s4+$0x0], $0xffff  }
0x1fe: {  	v10 =	vadd.f32 v11, v10;
	v11 =	vmul.f32 v21, v14;
	_ =	sdelay $0x1  }
0x1ff: {  	v10 =	vadd.f32 v11, v10;
	v11 =	vmul.f32 v16, v15;
	_ =	sdelay $0x1  }
0x200: {  	v10 =	vadd.f32 v11, v10;
	v11 =	vmul.f32 v17, v12;
	_ =	sdelay $0x1  }
0x201: {  	v10 =	vadd.f32 v11, v10;
	_ =	sdelay $0x1  }
0x202: {  	[tilespmem:$0x710] =	vst v10  }
0x203: {  	[tilespmem:s1], [sflag:$0x5] =	stream.linear.gather [hbm4b:s15+s1], $0x320, $0x38;
	[tilespmem:$0x1FF00] =	vst v63  }
0x204: {  	_ =	swait.ge [sflag:s6], $0x320  }
0x205: {  	s11 =	simm.s32 $0x0;
	[sflag:s6] =	ssyncset.done $0x0  }
0x206: {  	s10 =	simm.s32 $0x1;
	v11 =	vadd.s32 s11, v2;
	[sflag:s6] =	ssyncadd.s32 $0xFFFFFCE0  }
0x207: {  	[tilespmem:s3], [sflag:$0x5] =	stream.linear.gather [hbm4b:s16+s1], $0x320, $0x38;
	[tilespmem:$0x1FF00] =	vst v63  }
0x208: {  	v12 =	vadd.s32 s10, v2;
	s11 =	simm.s32 $0x2;
	_ =	swait.ge [sflag:s6], $0x320  }
0x209: {  	s10 =	simm.s32 $0x3;
	v14 =	vadd.s32 s11, v2;
	[sflag:s6] =	ssyncset.done $0x0  }
0x20a: {  	v13 =	vadd.s32 s10, v2;
	s11 =	simm.s32 $0x4;
	[sflag:s6] =	ssyncadd.s32 $0xFFFFFCE0  }
0x20b: {  	v15 =	vadd.s32 s11, v2;
	v10 =	vld.idx.msk [tilespmem:v11+s1+$0x0], $0xffff;
	_ =	sdelay $0x1  }
0x20c: {  	v16 =	vld.idx.msk [tilespmem:v12+s1+$0x0], $0xffff  }
0x20d: {  	v17 =	vld.idx.msk [tilespmem:v14+s1+$0x0], $0xffff  }
0x20e: {  	v18 =	vld.idx.msk [tilespmem:v13+s1+$0x0], $0xffff  }
0x20f: {  	v20 =	vld.idx.msk [tilespmem:v15+s1+$0x0], $0xffff;
	v10 =	vshll.u32 v10, $0x7  }
0x210: {  	s11 =	simm.s32 $0x5;
	v23 =	vld.idx.msk [tilespmem:v13+s3+$0x0], $0xffff;
	v19 =	vor.u32 v4, v10  }
0x211: {  	v13 =	vadd.s32 s11, v2;
	v21 =	vld.idx.msk [tilespmem:v14+s3+$0x0], $0xffff;
	v16 =	vshll.u32 v16, $0x7  }
0x212: {  	s10 =	simm.s32 $0x6;
	v12 =	vld.idx.msk [tilespmem:v12+s3+$0x0], $0xffff;
	v16 =	vor.u32 v4, v16  }
0x213: {  	v14 =	vshll.u32 v17, $0x7;
	v17 =	vld.idx.msk [tilespmem:v11+s3+$0x0], $0xffff;
	v11 =	vadd.s32 s10, v2  }
0x214: {  	v10 =	vld.idx.msk [tilespmem:v15+s3+$0x0], $0xffff;
	v14 =	vor.u32 v4, v14;
	v15 =	vshll.u32 v18, $0x7  }
0x215: {  	s10 =	simm.s32 $0x8;
	v18 =	vor.u32 v4, v15;
	v19 =	vld.idx.msk [tilespmem:v19+s4+$0x0], $0xffff  }
0x216: {  	s11 =	simm.s32 $0x7;
	v22 =	vld.idx.msk [tilespmem:v13+s1+$0x0], $0xffff;
	v59 =	vadd.s32 s10, v2  }
0x217: {  	v20 =	vshll.u32 v20, $0x7;
	v15 =	vadd.s32 s11, v2;
	v16 =	vld.idx.msk [tilespmem:v16+s4+$0x0], $0xffff  }
0x218: {  	v20 =	vor.u32 v4, v20;
	s11 =	simm.s32 $0x9;
	v61 =	vld.idx.msk [tilespmem:v11+s1+$0x0], $0xffff  }
0x219: {  	v62 =	vadd.s32 s11, v2;
	v60 =	vld.idx.msk [tilespmem:v14+s4+$0x0], $0xffff  }
0x21a: {  	v63 =	vld.idx.msk [tilespmem:v18+s4+$0x0], $0xffff;
	v14 =	vmul.f32 v17, v19  }
0x21b: {  	v18 =	vld.idx.msk [tilespmem:v59+s1+$0x0], $0xffff;
	v17 =	vimm.f32 $0.0e+00  }
0x21c: {  	v19 =	vld.idx.msk [tilespmem:v15+s1+$0x0], $0xffff;
	v12 =	vmul.f32 v12, v16;
	v17 =	vadd.f32 v14, v17  }
0x21d: {  	v16 =	vld.idx.msk [tilespmem:v20+s4+$0x0], $0xffff;
	v20 =	vshll.u32 v22, $0x7  }
0x21e: {  	v25 =	vmul.f32 v21, v60;
	v21 =	vor.u32 v4, v20;
	v14 =	vld.idx.msk [tilespmem:v62+s3+$0x0], $0xffff;
	v22 =	vadd.f32 v12, v17  }
0x21f: {  	v12 =	vshll.u32 v61, $0x7;
	v17 =	vld.idx.msk [tilespmem:v62+s1+$0x0], $0xffff  }
0x220: {  	s9 =	simm.s32 $0xE;
	s10 =	simm.s32 $0x13;
	s11 =	simm.s32 $0xA;
	v23 =	vmul.f32 v23, v63;
	v20 =	vor.u32 v4, v12;
	v12 =	vld.idx.msk [tilespmem:v59+s3+$0x0], $0xffff;
	v22 =	vadd.f32 v25, v22  }
.LBB2_24:
0x221: {  	p0 =	sne.s32 s10, $0x31;
	v24 =	vadd.s32 s11, v2;
	v25 =	vld.idx.msk [tilespmem:v15+s3+$0x0], $0xffff;
	v15 =	vshll.u32 v19, $0x7  }
0x222: {  	s11 =	sadd.s32 $0xFFFFFFFD, s9;
	v27 =	vmul.f32 v10, v16;
	v19 =	vld.idx.msk [tilespmem:v13+s3+$0x0], $0xffff;
	v26 =	vor.u32 v4, v15;
	v15 =	vadd.f32 v23, v22  }
0x223: {  	v16 =	vadd.s32 s11, v2;
	v18 =	vshll.u32 v18, $0x7;
	v13 =	vmov v24;
	v21 =	vld.idx.msk [tilespmem:v21+s4+$0x0], $0xffff  }
0x224: {  	s11 =	sadd.s32 $0xFFFFFFFE, s9;
	v18 =	vor.u32 v4, v18;
	v10 =	vmovc v14;
	v22 =	vld.idx.msk [tilespmem:v11+s3+$0x0], $0xffff;
	v23 =	vadd.f32 v27, v15;
	v11 =	vmov v16  }
0x225: {  	v15 =	vadd.s32 s11, v2;
	v17 =	vshll.u32 v17, $0x7;
	v14 =	vld.idx.msk [tilespmem:v20+s4+$0x0], $0xffff  }
0x226: {  	s11 =	sadd.s32 $0xFFFFFFFF, s9;
	v17 =	vor.u32 v4, v17;
	v20 =	vld.idx.msk [tilespmem:v24+s1+$0x0], $0xffff  }
0x227: {  	v24 =	vadd.s32 s11, v2;
	v26 =	vld.idx.msk [tilespmem:v26+s4+$0x0], $0xffff  }
0x228: {  	v28 =	vadd.s32 s9, v2;
	s9 =	smov.u32 s10;
	v27 =	vld.idx.msk [tilespmem:v16+s1+$0x0], $0xffff  }
0x229: {  	v16 =	vmul.f32 v19, v21;
	v29 =	vld.idx.msk [tilespmem:v18+s4+$0x0], $0xffff  }
0x22a: {  	v19 =	vld.idx.msk [tilespmem:v15+s1+$0x0], $0xffff  }
.Ltmp11:
0x22b: {  	v23 =	vadd.f32 v16, v23;
	v22 =	vmul.f32 v22, v14;
	v16 =	vld.idx.msk [tilespmem:v17+s4+$0x0], $0xffff;
	(pc) =	sbr.rel @p0 .LBB2_24-.Ltmp11, $4  }
0x22c: {  	v14 =	vshll.u32 v20, $0x7;
	v18 =	vld.idx.msk [tilespmem:v24+s1+$0x0], $0xffff  }
0x22d: {  	v21 =	vor.u32 v4, v14;
	v22 =	vadd.f32 v22, v23;
	v23 =	vmul.f32 v25, v26;
	v14 =	vld.idx.msk [tilespmem:v28+s3+$0x0], $0xffff  }
0x22e: {  	v20 =	vshll.u32 v27, $0x7;
	v17 =	vld.idx.msk [tilespmem:v28+s1+$0x0], $0xffff  }
0x22f: {  	s10 =	sadd.s32 $0x5, s10;
	s11 =	sadd.s32 $0xFFFFFFFC, s9;
	v20 =	vor.u32 v4, v20;
	v22 =	vadd.f32 v23, v22;
	v23 =	vmul.f32 v12, v29;
	v12 =	vld.idx.msk [tilespmem:v24+s3+$0x0], $0xffff  }
0x230: {  	_ =	sdelay $0x1  }
0x231: {  	v24 =	vadd.s32 s11, v2  }
0x232: {  	s10 =	sadd.s32 $0xFFFFFFFD, s9  }
0x233: {  	v15 =	vld.idx.msk [tilespmem:v15+s3+$0x0], $0xffff;
	v25 =	vadd.s32 s10, v2  }
0x234: {  	v13 =	vld.idx.msk [tilespmem:v13+s3+$0x0], $0xffff;
	s11 =	sadd.s32 $0xFFFFFFFE, s9  }
0x235: {  	v19 =	vshll.u32 v19, $0x7;
	v21 =	vld.idx.msk [tilespmem:v21+s4+$0x0], $0xffff;
	v26 =	vadd.s32 s11, v2  }
0x236: {  	v19 =	vor.u32 v4, v19;
	s11 =	sadd.s32 $0xFFFFFFFF, s9;
	v27 =	vld.idx.msk [tilespmem:v24+s1+$0x0], $0xffff  }
0x237: {  	v11 =	vld.idx.msk [tilespmem:v11+s3+$0x0], $0xffff;
	v18 =	vshll.u32 v18, $0x7;
	v28 =	vadd.s32 s11, v2  }
0x238: {  	v18 =	vor.u32 v4, v18;
	v29 =	vld.idx.msk [tilespmem:v25+s1+$0x0], $0xffff  }
0x239: {  	v20 =	vld.idx.msk [tilespmem:v20+s4+$0x0], $0xffff;
	v30 =	vadd.s32 s9, v2;
	v17 =	vshll.u32 v17, $0x7  }
0x23a: {  	v10 =	vmul.f32 v10, v16;
	v22 =	vadd.f32 v23, v22;
	v16 =	vor.u32 v4, v17;
	v17 =	vld.idx.msk [tilespmem:v26+s1+$0x0], $0xffff  }
0x23b: {  	v19 =	vld.idx.msk [tilespmem:v19+s4+$0x0], $0xffff;
	v23 =	vshll.u32 v27, $0x7  }
0x23c: {  	v10 =	vadd.f32 v10, v22;
	v13 =	vmul.f32 v13, v21;
	v21 =	vld.idx.msk [tilespmem:v28+s1+$0x0], $0xffff;
	v22 =	vor.u32 v4, v23  }
0x23d: {  	v18 =	vld.idx.msk [tilespmem:v18+s4+$0x0], $0xffff;
	v23 =	vshll.u32 v29, $0x7  }
0x23e: {  	v11 =	vmul.f32 v11, v20;
	v10 =	vadd.f32 v13, v10;
	v13 =	vld.idx.msk [tilespmem:v30+s1+$0x0], $0xffff;
	v20 =	vor.u32 v4, v23  }
0x23f: {  	v16 =	vld.idx.msk [tilespmem:v16+s4+$0x0], $0xffff;
	v17 =	vshll.u32 v17, $0x7  }
0x240: {  	v10 =	vadd.f32 v11, v10;
	v11 =	vmul.f32 v15, v19;
	v15 =	vld.idx.msk [tilespmem:v24+s3+$0x0], $0xffff;
	v17 =	vor.u32 v4, v17  }
0x241: {  	v21 =	vshll.u32 v21, $0x7;
	v19 =	vld.idx.msk [tilespmem:v22+s4+$0x0], $0xffff  }
0x242: {  	v10 =	vadd.f32 v11, v10;
	v11 =	vmul.f32 v12, v18;
	v12 =	vld.idx.msk [tilespmem:v25+s3+$0x0], $0xffff;
	v18 =	vor.u32 v4, v21  }
0x243: {  	v13 =	vshll.u32 v13, $0x7;
	v20 =	vld.idx.msk [tilespmem:v20+s4+$0x0], $0xffff  }
0x244: {  	v21 =	vld.idx.msk [tilespmem:v26+s3+$0x0], $0xffff;
	v13 =	vor.u32 v4, v13;
	v10 =	vadd.f32 v11, v10;
	v11 =	vmul.f32 v14, v16  }
0x245: {  	v14 =	vld.idx.msk [tilespmem:v17+s4+$0x0], $0xffff  }
0x246: {  	v16 =	vld.idx.msk [tilespmem:v28+s3+$0x0], $0xffff;
	v10 =	vadd.f32 v11, v10;
	v11 =	vmul.f32 v15, v19  }
0x247: {  	v15 =	vld.idx.msk [tilespmem:v18+s4+$0x0], $0xffff  }
0x248: {  	v17 =	vld.idx.msk [tilespmem:v30+s3+$0x0], $0xffff;
	v10 =	vadd.f32 v11, v10;
	v11 =	vmul.f32 v12, v20  }
0x249: {  	v12 =	vld.idx.msk [tilespmem:v13+s4+$0x0], $0xffff  }
0x24a: {  	v10 =	vadd.f32 v11, v10;
	v11 =	vmul.f32 v21, v14;
	_ =	sdelay $0x1  }
0x24b: {  	v10 =	vadd.f32 v11, v10;
	v11 =	vmul.f32 v16, v15;
	_ =	sdelay $0x1  }
0x24c: {  	v10 =	vadd.f32 v11, v10;
	v11 =	vmul.f32 v17, v12;
	_ =	sdelay $0x1  }
0x24d: {  	v10 =	vadd.f32 v11, v10;
	_ =	sdelay $0x1  }
0x24e: {  	[tilespmem:$0x720] =	vst v10  }
0x24f: {  	[tilespmem:s1], [sflag:$0x5] =	stream.linear.gather [hbm4b:s17+s1], $0x320, $0x38;
	[tilespmem:$0x1FF00] =	vst v63  }
0x250: {  	_ =	swait.ge [sflag:s6], $0x320  }
0x251: {  	s11 =	simm.s32 $0x0;
	[sflag:s6] =	ssyncset.done $0x0  }
0x252: {  	s10 =	simm.s32 $0x1;
	v11 =	vadd.s32 s11, v2;
	[sflag:s6] =	ssyncadd.s32 $0xFFFFFCE0  }
0x253: {  	[tilespmem:s3], [sflag:$0x5] =	stream.linear.gather [hbm4b:s18+s1], $0x320, $0x38;
	[tilespmem:$0x1FF00] =	vst v63  }
0x254: {  	v12 =	vadd.s32 s10, v2;
	s11 =	simm.s32 $0x2;
	_ =	swait.ge [sflag:s6], $0x320  }
0x255: {  	s10 =	simm.s32 $0x3;
	v14 =	vadd.s32 s11, v2;
	[sflag:s6] =	ssyncset.done $0x0  }
0x256: {  	v13 =	vadd.s32 s10, v2;
	s11 =	simm.s32 $0x4;
	[sflag:s6] =	ssyncadd.s32 $0xFFFFFCE0  }
0x257: {  	v15 =	vadd.s32 s11, v2;
	v10 =	vld.idx.msk [tilespmem:v11+s1+$0x0], $0xffff;
	_ =	sdelay $0x1  }
0x258: {  	v16 =	vld.idx.msk [tilespmem:v12+s1+$0x0], $0xffff  }
0x259: {  	v17 =	vld.idx.msk [tilespmem:v14+s1+$0x0], $0xffff  }
0x25a: {  	v18 =	vld.idx.msk [tilespmem:v13+s1+$0x0], $0xffff  }
0x25b: {  	v20 =	vld.idx.msk [tilespmem:v15+s1+$0x0], $0xffff;
	v10 =	vshll.u32 v10, $0x7  }
0x25c: {  	s11 =	simm.s32 $0x5;
	v23 =	vld.idx.msk [tilespmem:v13+s3+$0x0], $0xffff;
	v19 =	vor.u32 v5, v10  }
0x25d: {  	v13 =	vadd.s32 s11, v2;
	v21 =	vld.idx.msk [tilespmem:v14+s3+$0x0], $0xffff;
	v16 =	vshll.u32 v16, $0x7  }
0x25e: {  	s10 =	simm.s32 $0x6;
	v12 =	vld.idx.msk [tilespmem:v12+s3+$0x0], $0xffff;
	v16 =	vor.u32 v5, v16  }
0x25f: {  	v14 =	vshll.u32 v17, $0x7;
	v17 =	vld.idx.msk [tilespmem:v11+s3+$0x0], $0xffff;
	v11 =	vadd.s32 s10, v2  }
0x260: {  	v10 =	vld.idx.msk [tilespmem:v15+s3+$0x0], $0xffff;
	v14 =	vor.u32 v5, v14;
	v15 =	vshll.u32 v18, $0x7  }
0x261: {  	s10 =	simm.s32 $0x8;
	v18 =	vor.u32 v5, v15;
	v19 =	vld.idx.msk [tilespmem:v19+s4+$0x0], $0xffff  }
0x262: {  	s11 =	simm.s32 $0x7;
	v22 =	vld.idx.msk [tilespmem:v13+s1+$0x0], $0xffff;
	v59 =	vadd.s32 s10, v2  }
0x263: {  	v20 =	vshll.u32 v20, $0x7;
	v15 =	vadd.s32 s11, v2;
	v16 =	vld.idx.msk [tilespmem:v16+s4+$0x0], $0xffff  }
0x264: {  	v20 =	vor.u32 v5, v20;
	s11 =	simm.s32 $0x9;
	v61 =	vld.idx.msk [tilespmem:v11+s1+$0x0], $0xffff  }
0x265: {  	v62 =	vadd.s32 s11, v2;
	v60 =	vld.idx.msk [tilespmem:v14+s4+$0x0], $0xffff  }
0x266: {  	v63 =	vld.idx.msk [tilespmem:v18+s4+$0x0], $0xffff;
	v14 =	vmul.f32 v17, v19  }
0x267: {  	v18 =	vld.idx.msk [tilespmem:v59+s1+$0x0], $0xffff;
	v17 =	vimm.f32 $0.0e+00  }
0x268: {  	v19 =	vld.idx.msk [tilespmem:v15+s1+$0x0], $0xffff;
	v12 =	vmul.f32 v12, v16;
	v17 =	vadd.f32 v14, v17  }
0x269: {  	v16 =	vld.idx.msk [tilespmem:v20+s4+$0x0], $0xffff;
	v20 =	vshll.u32 v22, $0x7  }
0x26a: {  	v25 =	vmul.f32 v21, v60;
	v21 =	vor.u32 v5, v20;
	v14 =	vld.idx.msk [tilespmem:v62+s3+$0x0], $0xffff;
	v22 =	vadd.f32 v12, v17  }
0x26b: {  	v12 =	vshll.u32 v61, $0x7;
	v17 =	vld.idx.msk [tilespmem:v62+s1+$0x0], $0xffff  }
0x26c: {  	s9 =	simm.s32 $0xE;
	s10 =	simm.s32 $0x13;
	s11 =	simm.s32 $0xA;
	v23 =	vmul.f32 v23, v63;
	v20 =	vor.u32 v5, v12;
	v12 =	vld.idx.msk [tilespmem:v59+s3+$0x0], $0xffff;
	v22 =	vadd.f32 v25, v22  }
.LBB2_26:
0x26d: {  	p0 =	sne.s32 s10, $0x31;
	v24 =	vadd.s32 s11, v2;
	v25 =	vld.idx.msk [tilespmem:v15+s3+$0x0], $0xffff;
	v15 =	vshll.u32 v19, $0x7  }
0x26e: {  	s11 =	sadd.s32 $0xFFFFFFFD, s9;
	v27 =	vmul.f32 v10, v16;
	v19 =	vld.idx.msk [tilespmem:v13+s3+$0x0], $0xffff;
	v26 =	vor.u32 v5, v15;
	v15 =	vadd.f32 v23, v22  }
0x26f: {  	v16 =	vadd.s32 s11, v2;
	v18 =	vshll.u32 v18, $0x7;
	v13 =	vmov v24;
	v21 =	vld.idx.msk [tilespmem:v21+s4+$0x0], $0xffff  }
0x270: {  	s11 =	sadd.s32 $0xFFFFFFFE, s9;
	v18 =	vor.u32 v5, v18;
	v10 =	vmovc v14;
	v22 =	vld.idx.msk [tilespmem:v11+s3+$0x0], $0xffff;
	v23 =	vadd.f32 v27, v15;
	v11 =	vmov v16  }
0x271: {  	v15 =	vadd.s32 s11, v2;
	v17 =	vshll.u32 v17, $0x7;
	v14 =	vld.idx.msk [tilespmem:v20+s4+$0x0], $0xffff  }
0x272: {  	s11 =	sadd.s32 $0xFFFFFFFF, s9;
	v17 =	vor.u32 v5, v17;
	v20 =	vld.idx.msk [tilespmem:v24+s1+$0x0], $0xffff  }
0x273: {  	v24 =	vadd.s32 s11, v2;
	v26 =	vld.idx.msk [tilespmem:v26+s4+$0x0], $0xffff  }
0x274: {  	v28 =	vadd.s32 s9, v2;
	s9 =	smov.u32 s10;
	v27 =	vld.idx.msk [tilespmem:v16+s1+$0x0], $0xffff  }
0x275: {  	v16 =	vmul.f32 v19, v21;
	v29 =	vld.idx.msk [tilespmem:v18+s4+$0x0], $0xffff  }
0x276: {  	v19 =	vld.idx.msk [tilespmem:v15+s1+$0x0], $0xffff  }
.Ltmp12:
0x277: {  	v23 =	vadd.f32 v16, v23;
	v22 =	vmul.f32 v22, v14;
	v16 =	vld.idx.msk [tilespmem:v17+s4+$0x0], $0xffff;
	(pc) =	sbr.rel @p0 .LBB2_26-.Ltmp12, $4  }
0x278: {  	v14 =	vshll.u32 v20, $0x7;
	v18 =	vld.idx.msk [tilespmem:v24+s1+$0x0], $0xffff  }
0x279: {  	v21 =	vor.u32 v5, v14;
	v22 =	vadd.f32 v22, v23;
	v23 =	vmul.f32 v25, v26;
	v14 =	vld.idx.msk [tilespmem:v28+s3+$0x0], $0xffff  }
0x27a: {  	v20 =	vshll.u32 v27, $0x7;
	v17 =	vld.idx.msk [tilespmem:v28+s1+$0x0], $0xffff  }
0x27b: {  	s10 =	sadd.s32 $0x5, s10;
	s11 =	sadd.s32 $0xFFFFFFFC, s9;
	v20 =	vor.u32 v5, v20;
	v22 =	vadd.f32 v23, v22;
	v23 =	vmul.f32 v12, v29;
	v12 =	vld.idx.msk [tilespmem:v24+s3+$0x0], $0xffff  }
0x27c: {  	_ =	sdelay $0x1  }
0x27d: {  	v24 =	vadd.s32 s11, v2  }
0x27e: {  	s10 =	sadd.s32 $0xFFFFFFFD, s9  }
0x27f: {  	v15 =	vld.idx.msk [tilespmem:v15+s3+$0x0], $0xffff;
	v25 =	vadd.s32 s10, v2  }
0x280: {  	v13 =	vld.idx.msk [tilespmem:v13+s3+$0x0], $0xffff;
	s11 =	sadd.s32 $0xFFFFFFFE, s9  }
0x281: {  	v19 =	vshll.u32 v19, $0x7;
	v21 =	vld.idx.msk [tilespmem:v21+s4+$0x0], $0xffff;
	v26 =	vadd.s32 s11, v2  }
0x282: {  	v19 =	vor.u32 v5, v19;
	s11 =	sadd.s32 $0xFFFFFFFF, s9;
	v27 =	vld.idx.msk [tilespmem:v24+s1+$0x0], $0xffff  }
0x283: {  	v11 =	vld.idx.msk [tilespmem:v11+s3+$0x0], $0xffff;
	v18 =	vshll.u32 v18, $0x7;
	v28 =	vadd.s32 s11, v2  }
0x284: {  	v18 =	vor.u32 v5, v18;
	v29 =	vld.idx.msk [tilespmem:v25+s1+$0x0], $0xffff  }
0x285: {  	v20 =	vld.idx.msk [tilespmem:v20+s4+$0x0], $0xffff;
	v30 =	vadd.s32 s9, v2;
	v17 =	vshll.u32 v17, $0x7  }
0x286: {  	v10 =	vmul.f32 v10, v16;
	v22 =	vadd.f32 v23, v22;
	v16 =	vor.u32 v5, v17;
	v17 =	vld.idx.msk [tilespmem:v26+s1+$0x0], $0xffff  }
0x287: {  	v19 =	vld.idx.msk [tilespmem:v19+s4+$0x0], $0xffff;
	v23 =	vshll.u32 v27, $0x7  }
0x288: {  	v10 =	vadd.f32 v10, v22;
	v13 =	vmul.f32 v13, v21;
	v21 =	vld.idx.msk [tilespmem:v28+s1+$0x0], $0xffff;
	v22 =	vor.u32 v5, v23  }
0x289: {  	v18 =	vld.idx.msk [tilespmem:v18+s4+$0x0], $0xffff;
	v23 =	vshll.u32 v29, $0x7  }
0x28a: {  	v11 =	vmul.f32 v11, v20;
	v10 =	vadd.f32 v13, v10;
	v13 =	vld.idx.msk [tilespmem:v30+s1+$0x0], $0xffff;
	v20 =	vor.u32 v5, v23  }
0x28b: {  	v16 =	vld.idx.msk [tilespmem:v16+s4+$0x0], $0xffff;
	v17 =	vshll.u32 v17, $0x7  }
0x28c: {  	v10 =	vadd.f32 v11, v10;
	v11 =	vmul.f32 v15, v19;
	v15 =	vld.idx.msk [tilespmem:v24+s3+$0x0], $0xffff;
	v17 =	vor.u32 v5, v17  }
0x28d: {  	v21 =	vshll.u32 v21, $0x7;
	v19 =	vld.idx.msk [tilespmem:v22+s4+$0x0], $0xffff  }
0x28e: {  	v10 =	vadd.f32 v11, v10;
	v11 =	vmul.f32 v12, v18;
	v12 =	vld.idx.msk [tilespmem:v25+s3+$0x0], $0xffff;
	v18 =	vor.u32 v5, v21  }
0x28f: {  	v13 =	vshll.u32 v13, $0x7;
	v20 =	vld.idx.msk [tilespmem:v20+s4+$0x0], $0xffff  }
0x290: {  	v21 =	vld.idx.msk [tilespmem:v26+s3+$0x0], $0xffff;
	v13 =	vor.u32 v5, v13;
	v10 =	vadd.f32 v11, v10;
	v11 =	vmul.f32 v14, v16  }
0x291: {  	v14 =	vld.idx.msk [tilespmem:v17+s4+$0x0], $0xffff  }
0x292: {  	v16 =	vld.idx.msk [tilespmem:v28+s3+$0x0], $0xffff;
	v10 =	vadd.f32 v11, v10;
	v11 =	vmul.f32 v15, v19  }
0x293: {  	v15 =	vld.idx.msk [tilespmem:v18+s4+$0x0], $0xffff  }
0x294: {  	v17 =	vld.idx.msk [tilespmem:v30+s3+$0x0], $0xffff;
	v10 =	vadd.f32 v11, v10;
	v11 =	vmul.f32 v12, v20  }
0x295: {  	v12 =	vld.idx.msk [tilespmem:v13+s4+$0x0], $0xffff  }
0x296: {  	v10 =	vadd.f32 v11, v10;
	v11 =	vmul.f32 v21, v14;
	_ =	sdelay $0x1  }
0x297: {  	v10 =	vadd.f32 v11, v10;
	v11 =	vmul.f32 v16, v15;
	_ =	sdelay $0x1  }
0x298: {  	v10 =	vadd.f32 v11, v10;
	v11 =	vmul.f32 v17, v12;
	_ =	sdelay $0x1  }
0x299: {  	v10 =	vadd.f32 v11, v10;
	_ =	sdelay $0x1  }
0x29a: {  	[tilespmem:$0x730] =	vst v10  }
0x29b: {  	[tilespmem:s1], [sflag:$0x5] =	stream.linear.gather [hbm4b:s19+s1], $0x320, $0x38;
	[tilespmem:$0x1FF00] =	vst v63  }
0x29c: {  	_ =	swait.ge [sflag:s6], $0x320  }
0x29d: {  	s11 =	simm.s32 $0x0;
	[sflag:s6] =	ssyncset.done $0x0  }
0x29e: {  	s10 =	simm.s32 $0x1;
	v11 =	vadd.s32 s11, v2;
	[sflag:s6] =	ssyncadd.s32 $0xFFFFFCE0  }
0x29f: {  	[tilespmem:s3], [sflag:$0x5] =	stream.linear.gather [hbm4b:s20+s1], $0x320, $0x38;
	[tilespmem:$0x1FF00] =	vst v63  }
0x2a0: {  	v12 =	vadd.s32 s10, v2;
	s11 =	simm.s32 $0x2;
	_ =	swait.ge [sflag:s6], $0x320  }
0x2a1: {  	s10 =	simm.s32 $0x3;
	v14 =	vadd.s32 s11, v2;
	[sflag:s6] =	ssyncset.done $0x0  }
0x2a2: {  	v13 =	vadd.s32 s10, v2;
	s11 =	simm.s32 $0x4;
	[sflag:s6] =	ssyncadd.s32 $0xFFFFFCE0  }
0x2a3: {  	v15 =	vadd.s32 s11, v2;
	v10 =	vld.idx.msk [tilespmem:v11+s1+$0x0], $0xffff;
	_ =	sdelay $0x1  }
0x2a4: {  	v16 =	vld.idx.msk [tilespmem:v12+s1+$0x0], $0xffff  }
0x2a5: {  	v17 =	vld.idx.msk [tilespmem:v14+s1+$0x0], $0xffff  }
0x2a6: {  	v18 =	vld.idx.msk [tilespmem:v13+s1+$0x0], $0xffff  }
0x2a7: {  	v20 =	vld.idx.msk [tilespmem:v15+s1+$0x0], $0xffff;
	v10 =	vshll.u32 v10, $0x7  }
0x2a8: {  	s11 =	simm.s32 $0x5;
	v23 =	vld.idx.msk [tilespmem:v13+s3+$0x0], $0xffff;
	v19 =	vor.u32 v6, v10  }
0x2a9: {  	v13 =	vadd.s32 s11, v2;
	v21 =	vld.idx.msk [tilespmem:v14+s3+$0x0], $0xffff;
	v16 =	vshll.u32 v16, $0x7  }
0x2aa: {  	s10 =	simm.s32 $0x6;
	v12 =	vld.idx.msk [tilespmem:v12+s3+$0x0], $0xffff;
	v16 =	vor.u32 v6, v16  }
0x2ab: {  	v14 =	vshll.u32 v17, $0x7;
	v17 =	vld.idx.msk [tilespmem:v11+s3+$0x0], $0xffff;
	v11 =	vadd.s32 s10, v2  }
0x2ac: {  	v10 =	vld.idx.msk [tilespmem:v15+s3+$0x0], $0xffff;
	v14 =	vor.u32 v6, v14;
	v15 =	vshll.u32 v18, $0x7  }
0x2ad: {  	s10 =	simm.s32 $0x8;
	v18 =	vor.u32 v6, v15;
	v19 =	vld.idx.msk [tilespmem:v19+s4+$0x0], $0xffff  }
0x2ae: {  	s11 =	simm.s32 $0x7;
	v22 =	vld.idx.msk [tilespmem:v13+s1+$0x0], $0xffff;
	v59 =	vadd.s32 s10, v2  }
0x2af: {  	v20 =	vshll.u32 v20, $0x7;
	v15 =	vadd.s32 s11, v2;
	v16 =	vld.idx.msk [tilespmem:v16+s4+$0x0], $0xffff  }
0x2b0: {  	v20 =	vor.u32 v6, v20;
	s11 =	simm.s32 $0x9;
	v61 =	vld.idx.msk [tilespmem:v11+s1+$0x0], $0xffff  }
0x2b1: {  	v62 =	vadd.s32 s11, v2;
	v60 =	vld.idx.msk [tilespmem:v14+s4+$0x0], $0xffff  }
0x2b2: {  	v63 =	vld.idx.msk [tilespmem:v18+s4+$0x0], $0xffff;
	v14 =	vmul.f32 v17, v19  }
0x2b3: {  	v18 =	vld.idx.msk [tilespmem:v59+s1+$0x0], $0xffff;
	v17 =	vimm.f32 $0.0e+00  }
0x2b4: {  	v19 =	vld.idx.msk [tilespmem:v15+s1+$0x0], $0xffff;
	v12 =	vmul.f32 v12, v16;
	v17 =	vadd.f32 v14, v17  }
0x2b5: {  	v16 =	vld.idx.msk [tilespmem:v20+s4+$0x0], $0xffff;
	v20 =	vshll.u32 v22, $0x7  }
0x2b6: {  	v25 =	vmul.f32 v21, v60;
	v21 =	vor.u32 v6, v20;
	v14 =	vld.idx.msk [tilespmem:v62+s3+$0x0], $0xffff;
	v22 =	vadd.f32 v12, v17  }
0x2b7: {  	v12 =	vshll.u32 v61, $0x7;
	v17 =	vld.idx.msk [tilespmem:v62+s1+$0x0], $0xffff  }
0x2b8: {  	s9 =	simm.s32 $0xE;
	s10 =	simm.s32 $0x13;
	s11 =	simm.s32 $0xA;
	v23 =	vmul.f32 v23, v63;
	v20 =	vor.u32 v6, v12;
	v12 =	vld.idx.msk [tilespmem:v59+s3+$0x0], $0xffff;
	v22 =	vadd.f32 v25, v22  }
.LBB2_28:
0x2b9: {  	p0 =	sne.s32 s10, $0x31;
	v24 =	vadd.s32 s11, v2;
	v25 =	vld.idx.msk [tilespmem:v15+s3+$0x0], $0xffff;
	v15 =	vshll.u32 v19, $0x7  }
0x2ba: {  	s11 =	sadd.s32 $0xFFFFFFFD, s9;
	v27 =	vmul.f32 v10, v16;
	v19 =	vld.idx.msk [tilespmem:v13+s3+$0x0], $0xffff;
	v26 =	vor.u32 v6, v15;
	v15 =	vadd.f32 v23, v22  }
0x2bb: {  	v16 =	vadd.s32 s11, v2;
	v18 =	vshll.u32 v18, $0x7;
	v13 =	vmov v24;
	v21 =	vld.idx.msk [tilespmem:v21+s4+$0x0], $0xffff  }
0x2bc: {  	s11 =	sadd.s32 $0xFFFFFFFE, s9;
	v18 =	vor.u32 v6, v18;
	v10 =	vmovc v14;
	v22 =	vld.idx.msk [tilespmem:v11+s3+$0x0], $0xffff;
	v23 =	vadd.f32 v27, v15;
	v11 =	vmov v16  }
0x2bd: {  	v15 =	vadd.s32 s11, v2;
	v17 =	vshll.u32 v17, $0x7;
	v14 =	vld.idx.msk [tilespmem:v20+s4+$0x0], $0xffff  }
0x2be: {  	s11 =	sadd.s32 $0xFFFFFFFF, s9;
	v17 =	vor.u32 v6, v17;
	v20 =	vld.idx.msk [tilespmem:v24+s1+$0x0], $0xffff  }
0x2bf: {  	v24 =	vadd.s32 s11, v2;
	v26 =	vld.idx.msk [tilespmem:v26+s4+$0x0], $0xffff  }
0x2c0: {  	v28 =	vadd.s32 s9, v2;
	s9 =	smov.u32 s10;
	v27 =	vld.idx.msk [tilespmem:v16+s1+$0x0], $0xffff  }
0x2c1: {  	v16 =	vmul.f32 v19, v21;
	v29 =	vld.idx.msk [tilespmem:v18+s4+$0x0], $0xffff  }
0x2c2: {  	v19 =	vld.idx.msk [tilespmem:v15+s1+$0x0], $0xffff  }
.Ltmp13:
0x2c3: {  	v23 =	vadd.f32 v16, v23;
	v22 =	vmul.f32 v22, v14;
	v16 =	vld.idx.msk [tilespmem:v17+s4+$0x0], $0xffff;
	(pc) =	sbr.rel @p0 .LBB2_28-.Ltmp13, $4  }
0x2c4: {  	v14 =	vshll.u32 v20, $0x7;
	v18 =	vld.idx.msk [tilespmem:v24+s1+$0x0], $0xffff  }
0x2c5: {  	v21 =	vor.u32 v6, v14;
	v22 =	vadd.f32 v22, v23;
	v23 =	vmul.f32 v25, v26;
	v14 =	vld.idx.msk [tilespmem:v28+s3+$0x0], $0xffff  }
0x2c6: {  	v20 =	vshll.u32 v27, $0x7;
	v17 =	vld.idx.msk [tilespmem:v28+s1+$0x0], $0xffff  }
0x2c7: {  	s10 =	sadd.s32 $0x5, s10;
	s11 =	sadd.s32 $0xFFFFFFFC, s9;
	v20 =	vor.u32 v6, v20;
	v22 =	vadd.f32 v23, v22;
	v23 =	vmul.f32 v12, v29;
	v12 =	vld.idx.msk [tilespmem:v24+s3+$0x0], $0xffff  }
0x2c8: {  	_ =	sdelay $0x1  }
0x2c9: {  	v24 =	vadd.s32 s11, v2  }
0x2ca: {  	s10 =	sadd.s32 $0xFFFFFFFD, s9  }
0x2cb: {  	v15 =	vld.idx.msk [tilespmem:v15+s3+$0x0], $0xffff;
	v25 =	vadd.s32 s10, v2  }
0x2cc: {  	v13 =	vld.idx.msk [tilespmem:v13+s3+$0x0], $0xffff;
	s11 =	sadd.s32 $0xFFFFFFFE, s9  }
0x2cd: {  	v19 =	vshll.u32 v19, $0x7;
	v21 =	vld.idx.msk [tilespmem:v21+s4+$0x0], $0xffff;
	v26 =	vadd.s32 s11, v2  }
0x2ce: {  	v19 =	vor.u32 v6, v19;
	s11 =	sadd.s32 $0xFFFFFFFF, s9;
	v27 =	vld.idx.msk [tilespmem:v24+s1+$0x0], $0xffff  }
0x2cf: {  	v11 =	vld.idx.msk [tilespmem:v11+s3+$0x0], $0xffff;
	v18 =	vshll.u32 v18, $0x7;
	v28 =	vadd.s32 s11, v2  }
0x2d0: {  	v18 =	vor.u32 v6, v18;
	v29 =	vld.idx.msk [tilespmem:v25+s1+$0x0], $0xffff  }
0x2d1: {  	v20 =	vld.idx.msk [tilespmem:v20+s4+$0x0], $0xffff;
	v30 =	vadd.s32 s9, v2;
	v17 =	vshll.u32 v17, $0x7  }
0x2d2: {  	v10 =	vmul.f32 v10, v16;
	v22 =	vadd.f32 v23, v22;
	v16 =	vor.u32 v6, v17;
	v17 =	vld.idx.msk [tilespmem:v26+s1+$0x0], $0xffff  }
0x2d3: {  	v19 =	vld.idx.msk [tilespmem:v19+s4+$0x0], $0xffff;
	v23 =	vshll.u32 v27, $0x7  }
0x2d4: {  	v10 =	vadd.f32 v10, v22;
	v13 =	vmul.f32 v13, v21;
	v21 =	vld.idx.msk [tilespmem:v28+s1+$0x0], $0xffff;
	v22 =	vor.u32 v6, v23  }
0x2d5: {  	v18 =	vld.idx.msk [tilespmem:v18+s4+$0x0], $0xffff;
	v23 =	vshll.u32 v29, $0x7  }
0x2d6: {  	v11 =	vmul.f32 v11, v20;
	v10 =	vadd.f32 v13, v10;
	v13 =	vld.idx.msk [tilespmem:v30+s1+$0x0], $0xffff;
	v20 =	vor.u32 v6, v23  }
0x2d7: {  	v16 =	vld.idx.msk [tilespmem:v16+s4+$0x0], $0xffff;
	v17 =	vshll.u32 v17, $0x7  }
0x2d8: {  	v10 =	vadd.f32 v11, v10;
	v11 =	vmul.f32 v15, v19;
	v15 =	vld.idx.msk [tilespmem:v24+s3+$0x0], $0xffff;
	v17 =	vor.u32 v6, v17  }
0x2d9: {  	v21 =	vshll.u32 v21, $0x7;
	v19 =	vld.idx.msk [tilespmem:v22+s4+$0x0], $0xffff  }
0x2da: {  	v10 =	vadd.f32 v11, v10;
	v11 =	vmul.f32 v12, v18;
	v12 =	vld.idx.msk [tilespmem:v25+s3+$0x0], $0xffff;
	v18 =	vor.u32 v6, v21  }
0x2db: {  	v13 =	vshll.u32 v13, $0x7;
	v20 =	vld.idx.msk [tilespmem:v20+s4+$0x0], $0xffff  }
0x2dc: {  	v21 =	vld.idx.msk [tilespmem:v26+s3+$0x0], $0xffff;
	v13 =	vor.u32 v6, v13;
	v10 =	vadd.f32 v11, v10;
	v11 =	vmul.f32 v14, v16  }
0x2dd: {  	v14 =	vld.idx.msk [tilespmem:v17+s4+$0x0], $0xffff  }
0x2de: {  	v16 =	vld.idx.msk [tilespmem:v28+s3+$0x0], $0xffff;
	v10 =	vadd.f32 v11, v10;
	v11 =	vmul.f32 v15, v19  }
0x2df: {  	v15 =	vld.idx.msk [tilespmem:v18+s4+$0x0], $0xffff  }
0x2e0: {  	v17 =	vld.idx.msk [tilespmem:v30+s3+$0x0], $0xffff;
	v10 =	vadd.f32 v11, v10;
	v11 =	vmul.f32 v12, v20  }
0x2e1: {  	v12 =	vld.idx.msk [tilespmem:v13+s4+$0x0], $0xffff  }
0x2e2: {  	v10 =	vadd.f32 v11, v10;
	v11 =	vmul.f32 v21, v14;
	_ =	sdelay $0x1  }
0x2e3: {  	v10 =	vadd.f32 v11, v10;
	v11 =	vmul.f32 v16, v15;
	_ =	sdelay $0x1  }
0x2e4: {  	v10 =	vadd.f32 v11, v10;
	v11 =	vmul.f32 v17, v12;
	_ =	sdelay $0x1  }
0x2e5: {  	v10 =	vadd.f32 v11, v10;
	_ =	sdelay $0x1  }
0x2e6: {  	[tilespmem:$0x740] =	vst v10  }
0x2e7: {  	[tilespmem:s1], [sflag:$0x5] =	stream.linear.gather [hbm4b:s21+s1], $0x320, $0x38;
	[tilespmem:$0x1FF00] =	vst v63  }
0x2e8: {  	_ =	swait.ge [sflag:s6], $0x320  }
0x2e9: {  	s11 =	simm.s32 $0x0;
	[sflag:s6] =	ssyncset.done $0x0  }
0x2ea: {  	s10 =	simm.s32 $0x1;
	v11 =	vadd.s32 s11, v2;
	[sflag:s6] =	ssyncadd.s32 $0xFFFFFCE0  }
0x2eb: {  	[tilespmem:s3], [sflag:$0x5] =	stream.linear.gather [hbm4b:s22+s1], $0x320, $0x38;
	[tilespmem:$0x1FF00] =	vst v63  }
0x2ec: {  	v12 =	vadd.s32 s10, v2;
	s11 =	simm.s32 $0x2;
	_ =	swait.ge [sflag:s6], $0x320  }
0x2ed: {  	s10 =	simm.s32 $0x3;
	v14 =	vadd.s32 s11, v2;
	[sflag:s6] =	ssyncset.done $0x0  }
0x2ee: {  	v13 =	vadd.s32 s10, v2;
	s11 =	simm.s32 $0x4;
	[sflag:s6] =	ssyncadd.s32 $0xFFFFFCE0  }
0x2ef: {  	v15 =	vadd.s32 s11, v2;
	v10 =	vld.idx.msk [tilespmem:v11+s1+$0x0], $0xffff;
	_ =	sdelay $0x1  }
0x2f0: {  	v16 =	vld.idx.msk [tilespmem:v12+s1+$0x0], $0xffff  }
0x2f1: {  	v17 =	vld.idx.msk [tilespmem:v14+s1+$0x0], $0xffff  }
0x2f2: {  	v18 =	vld.idx.msk [tilespmem:v13+s1+$0x0], $0xffff  }
0x2f3: {  	v20 =	vld.idx.msk [tilespmem:v15+s1+$0x0], $0xffff;
	v10 =	vshll.u32 v10, $0x7  }
0x2f4: {  	s11 =	simm.s32 $0x5;
	v23 =	vld.idx.msk [tilespmem:v13+s3+$0x0], $0xffff;
	v19 =	vor.u32 v7, v10  }
0x2f5: {  	v13 =	vadd.s32 s11, v2;
	v21 =	vld.idx.msk [tilespmem:v14+s3+$0x0], $0xffff;
	v16 =	vshll.u32 v16, $0x7  }
0x2f6: {  	s10 =	simm.s32 $0x6;
	v12 =	vld.idx.msk [tilespmem:v12+s3+$0x0], $0xffff;
	v16 =	vor.u32 v7, v16  }
0x2f7: {  	v14 =	vshll.u32 v17, $0x7;
	v17 =	vld.idx.msk [tilespmem:v11+s3+$0x0], $0xffff;
	v11 =	vadd.s32 s10, v2  }
0x2f8: {  	v10 =	vld.idx.msk [tilespmem:v15+s3+$0x0], $0xffff;
	v14 =	vor.u32 v7, v14;
	v15 =	vshll.u32 v18, $0x7  }
0x2f9: {  	s10 =	simm.s32 $0x8;
	v18 =	vor.u32 v7, v15;
	v19 =	vld.idx.msk [tilespmem:v19+s4+$0x0], $0xffff  }
0x2fa: {  	s11 =	simm.s32 $0x7;
	v22 =	vld.idx.msk [tilespmem:v13+s1+$0x0], $0xffff;
	v59 =	vadd.s32 s10, v2  }
0x2fb: {  	v20 =	vshll.u32 v20, $0x7;
	v15 =	vadd.s32 s11, v2;
	v16 =	vld.idx.msk [tilespmem:v16+s4+$0x0], $0xffff  }
0x2fc: {  	v20 =	vor.u32 v7, v20;
	s11 =	simm.s32 $0x9;
	v61 =	vld.idx.msk [tilespmem:v11+s1+$0x0], $0xffff  }
0x2fd: {  	v62 =	vadd.s32 s11, v2;
	v60 =	vld.idx.msk [tilespmem:v14+s4+$0x0], $0xffff  }
0x2fe: {  	v63 =	vld.idx.msk [tilespmem:v18+s4+$0x0], $0xffff;
	v14 =	vmul.f32 v17, v19  }
0x2ff: {  	v18 =	vld.idx.msk [tilespmem:v59+s1+$0x0], $0xffff;
	v17 =	vimm.f32 $0.0e+00  }
0x300: {  	v19 =	vld.idx.msk [tilespmem:v15+s1+$0x0], $0xffff;
	v12 =	vmul.f32 v12, v16;
	v17 =	vadd.f32 v14, v17  }
0x301: {  	v16 =	vld.idx.msk [tilespmem:v20+s4+$0x0], $0xffff;
	v20 =	vshll.u32 v22, $0x7  }
0x302: {  	v25 =	vmul.f32 v21, v60;
	v21 =	vor.u32 v7, v20;
	v14 =	vld.idx.msk [tilespmem:v62+s3+$0x0], $0xffff;
	v22 =	vadd.f32 v12, v17  }
0x303: {  	v12 =	vshll.u32 v61, $0x7;
	v17 =	vld.idx.msk [tilespmem:v62+s1+$0x0], $0xffff  }
0x304: {  	s9 =	simm.s32 $0xE;
	s10 =	simm.s32 $0x13;
	s11 =	simm.s32 $0xA;
	v23 =	vmul.f32 v23, v63;
	v20 =	vor.u32 v7, v12;
	v12 =	vld.idx.msk [tilespmem:v59+s3+$0x0], $0xffff;
	v22 =	vadd.f32 v25, v22  }
.LBB2_30:
0x305: {  	p0 =	sne.s32 s10, $0x31;
	v24 =	vadd.s32 s11, v2;
	v25 =	vld.idx.msk [tilespmem:v15+s3+$0x0], $0xffff;
	v15 =	vshll.u32 v19, $0x7  }
0x306: {  	s11 =	sadd.s32 $0xFFFFFFFD, s9;
	v27 =	vmul.f32 v10, v16;
	v19 =	vld.idx.msk [tilespmem:v13+s3+$0x0], $0xffff;
	v26 =	vor.u32 v7, v15;
	v15 =	vadd.f32 v23, v22  }
0x307: {  	v16 =	vadd.s32 s11, v2;
	v18 =	vshll.u32 v18, $0x7;
	v13 =	vmov v24;
	v21 =	vld.idx.msk [tilespmem:v21+s4+$0x0], $0xffff  }
0x308: {  	s11 =	sadd.s32 $0xFFFFFFFE, s9;
	v18 =	vor.u32 v7, v18;
	v10 =	vmovc v14;
	v22 =	vld.idx.msk [tilespmem:v11+s3+$0x0], $0xffff;
	v23 =	vadd.f32 v27, v15;
	v11 =	vmov v16  }
0x309: {  	v15 =	vadd.s32 s11, v2;
	v17 =	vshll.u32 v17, $0x7;
	v14 =	vld.idx.msk [tilespmem:v20+s4+$0x0], $0xffff  }
0x30a: {  	s11 =	sadd.s32 $0xFFFFFFFF, s9;
	v17 =	vor.u32 v7, v17;
	v20 =	vld.idx.msk [tilespmem:v24+s1+$0x0], $0xffff  }
0x30b: {  	v24 =	vadd.s32 s11, v2;
	v26 =	vld.idx.msk [tilespmem:v26+s4+$0x0], $0xffff  }
0x30c: {  	v28 =	vadd.s32 s9, v2;
	s9 =	smov.u32 s10;
	v27 =	vld.idx.msk [tilespmem:v16+s1+$0x0], $0xffff  }
0x30d: {  	v16 =	vmul.f32 v19, v21;
	v29 =	vld.idx.msk [tilespmem:v18+s4+$0x0], $0xffff  }
0x30e: {  	v19 =	vld.idx.msk [tilespmem:v15+s1+$0x0], $0xffff  }
.Ltmp14:
0x30f: {  	v23 =	vadd.f32 v16, v23;
	v22 =	vmul.f32 v22, v14;
	v16 =	vld.idx.msk [tilespmem:v17+s4+$0x0], $0xffff;
	(pc) =	sbr.rel @p0 .LBB2_30-.Ltmp14, $4  }
0x310: {  	v14 =	vshll.u32 v20, $0x7;
	v18 =	vld.idx.msk [tilespmem:v24+s1+$0x0], $0xffff  }
0x311: {  	v21 =	vor.u32 v7, v14;
	v22 =	vadd.f32 v22, v23;
	v23 =	vmul.f32 v25, v26;
	v14 =	vld.idx.msk [tilespmem:v28+s3+$0x0], $0xffff  }
0x312: {  	v20 =	vshll.u32 v27, $0x7;
	v17 =	vld.idx.msk [tilespmem:v28+s1+$0x0], $0xffff  }
0x313: {  	s10 =	sadd.s32 $0x5, s10;
	s11 =	sadd.s32 $0xFFFFFFFC, s9;
	v20 =	vor.u32 v7, v20;
	v22 =	vadd.f32 v23, v22;
	v23 =	vmul.f32 v12, v29;
	v12 =	vld.idx.msk [tilespmem:v24+s3+$0x0], $0xffff  }
0x314: {  	_ =	sdelay $0x1  }
0x315: {  	v24 =	vadd.s32 s11, v2  }
0x316: {  	s10 =	sadd.s32 $0xFFFFFFFD, s9  }
0x317: {  	v15 =	vld.idx.msk [tilespmem:v15+s3+$0x0], $0xffff;
	v25 =	vadd.s32 s10, v2  }
0x318: {  	v13 =	vld.idx.msk [tilespmem:v13+s3+$0x0], $0xffff;
	s11 =	sadd.s32 $0xFFFFFFFE, s9  }
0x319: {  	v19 =	vshll.u32 v19, $0x7;
	v21 =	vld.idx.msk [tilespmem:v21+s4+$0x0], $0xffff;
	v26 =	vadd.s32 s11, v2  }
0x31a: {  	v19 =	vor.u32 v7, v19;
	s11 =	sadd.s32 $0xFFFFFFFF, s9;
	v27 =	vld.idx.msk [tilespmem:v24+s1+$0x0], $0xffff  }
0x31b: {  	v11 =	vld.idx.msk [tilespmem:v11+s3+$0x0], $0xffff;
	v18 =	vshll.u32 v18, $0x7;
	v28 =	vadd.s32 s11, v2  }
0x31c: {  	v18 =	vor.u32 v7, v18;
	v29 =	vld.idx.msk [tilespmem:v25+s1+$0x0], $0xffff  }
0x31d: {  	v20 =	vld.idx.msk [tilespmem:v20+s4+$0x0], $0xffff;
	v30 =	vadd.s32 s9, v2;
	v17 =	vshll.u32 v17, $0x7  }
0x31e: {  	v10 =	vmul.f32 v10, v16;
	v22 =	vadd.f32 v23, v22;
	v16 =	vor.u32 v7, v17;
	v17 =	vld.idx.msk [tilespmem:v26+s1+$0x0], $0xffff  }
0x31f: {  	v19 =	vld.idx.msk [tilespmem:v19+s4+$0x0], $0xffff;
	v23 =	vshll.u32 v27, $0x7  }
0x320: {  	v10 =	vadd.f32 v10, v22;
	v13 =	vmul.f32 v13, v21;
	v21 =	vld.idx.msk [tilespmem:v28+s1+$0x0], $0xffff;
	v22 =	vor.u32 v7, v23  }
0x321: {  	v18 =	vld.idx.msk [tilespmem:v18+s4+$0x0], $0xffff;
	v23 =	vshll.u32 v29, $0x7  }
0x322: {  	v11 =	vmul.f32 v11, v20;
	v10 =	vadd.f32 v13, v10;
	v13 =	vld.idx.msk [tilespmem:v30+s1+$0x0], $0xffff;
	v20 =	vor.u32 v7, v23  }
0x323: {  	v16 =	vld.idx.msk [tilespmem:v16+s4+$0x0], $0xffff;
	v17 =	vshll.u32 v17, $0x7  }
0x324: {  	v10 =	vadd.f32 v11, v10;
	v11 =	vmul.f32 v15, v19;
	v15 =	vld.idx.msk [tilespmem:v24+s3+$0x0], $0xffff;
	v17 =	vor.u32 v7, v17  }
0x325: {  	v21 =	vshll.u32 v21, $0x7;
	v19 =	vld.idx.msk [tilespmem:v22+s4+$0x0], $0xffff  }
0x326: {  	v10 =	vadd.f32 v11, v10;
	v11 =	vmul.f32 v12, v18;
	v12 =	vld.idx.msk [tilespmem:v25+s3+$0x0], $0xffff;
	v18 =	vor.u32 v7, v21  }
0x327: {  	v13 =	vshll.u32 v13, $0x7;
	v20 =	vld.idx.msk [tilespmem:v20+s4+$0x0], $0xffff  }
0x328: {  	v21 =	vld.idx.msk [tilespmem:v26+s3+$0x0], $0xffff;
	v13 =	vor.u32 v7, v13;
	v10 =	vadd.f32 v11, v10;
	v11 =	vmul.f32 v14, v16  }
0x329: {  	v14 =	vld.idx.msk [tilespmem:v17+s4+$0x0], $0xffff  }
0x32a: {  	v16 =	vld.idx.msk [tilespmem:v28+s3+$0x0], $0xffff;
	v10 =	vadd.f32 v11, v10;
	v11 =	vmul.f32 v15, v19  }
0x32b: {  	v15 =	vld.idx.msk [tilespmem:v18+s4+$0x0], $0xffff  }
0x32c: {  	v17 =	vld.idx.msk [tilespmem:v30+s3+$0x0], $0xffff;
	v10 =	vadd.f32 v11, v10;
	v11 =	vmul.f32 v12, v20  }
0x32d: {  	v12 =	vld.idx.msk [tilespmem:v13+s4+$0x0], $0xffff  }
0x32e: {  	v10 =	vadd.f32 v11, v10;
	v11 =	vmul.f32 v21, v14;
	_ =	sdelay $0x1  }
0x32f: {  	v10 =	vadd.f32 v11, v10;
	v11 =	vmul.f32 v16, v15;
	_ =	sdelay $0x1  }
0x330: {  	v10 =	vadd.f32 v11, v10;
	v11 =	vmul.f32 v17, v12;
	_ =	sdelay $0x1  }
0x331: {  	v10 =	vadd.f32 v11, v10;
	_ =	sdelay $0x1  }
0x332: {  	[tilespmem:$0x750] =	vst v10  }
0x333: {  	[tilespmem:s1], [sflag:$0x5] =	stream.linear.gather [hbm4b:s24+s1], $0x320, $0x38;
	[tilespmem:$0x1FF00] =	vst v63  }
0x334: {  	_ =	swait.ge [sflag:s6], $0x320  }
0x335: {  	s11 =	simm.s32 $0x0;
	[sflag:s6] =	ssyncset.done $0x0  }
0x336: {  	s10 =	simm.s32 $0x1;
	v11 =	vadd.s32 s11, v2;
	[sflag:s6] =	ssyncadd.s32 $0xFFFFFCE0  }
0x337: {  	[tilespmem:s3], [sflag:$0x5] =	stream.linear.gather [hbm4b:s25+s1], $0x320, $0x38;
	[tilespmem:$0x1FF00] =	vst v63  }
0x338: {  	v12 =	vadd.s32 s10, v2;
	s11 =	simm.s32 $0x2;
	_ =	swait.ge [sflag:s6], $0x320  }
0x339: {  	s10 =	simm.s32 $0x3;
	v14 =	vadd.s32 s11, v2;
	[sflag:s6] =	ssyncset.done $0x0  }
0x33a: {  	v13 =	vadd.s32 s10, v2;
	s11 =	simm.s32 $0x4;
	[sflag:s6] =	ssyncadd.s32 $0xFFFFFCE0  }
0x33b: {  	v15 =	vadd.s32 s11, v2;
	v10 =	vld.idx.msk [tilespmem:v11+s1+$0x0], $0xffff;
	_ =	sdelay $0x1  }
0x33c: {  	v16 =	vld.idx.msk [tilespmem:v12+s1+$0x0], $0xffff  }
0x33d: {  	v17 =	vld.idx.msk [tilespmem:v14+s1+$0x0], $0xffff  }
0x33e: {  	v18 =	vld.idx.msk [tilespmem:v13+s1+$0x0], $0xffff  }
0x33f: {  	v20 =	vld.idx.msk [tilespmem:v15+s1+$0x0], $0xffff;
	v10 =	vshll.u32 v10, $0x7  }
0x340: {  	s11 =	simm.s32 $0x5;
	v23 =	vld.idx.msk [tilespmem:v13+s3+$0x0], $0xffff;
	v19 =	vor.u32 v8, v10  }
0x341: {  	v13 =	vadd.s32 s11, v2;
	v21 =	vld.idx.msk [tilespmem:v14+s3+$0x0], $0xffff;
	v16 =	vshll.u32 v16, $0x7  }
0x342: {  	s10 =	simm.s32 $0x6;
	v12 =	vld.idx.msk [tilespmem:v12+s3+$0x0], $0xffff;
	v16 =	vor.u32 v8, v16  }
0x343: {  	v14 =	vshll.u32 v17, $0x7;
	v17 =	vld.idx.msk [tilespmem:v11+s3+$0x0], $0xffff;
	v11 =	vadd.s32 s10, v2  }
0x344: {  	v10 =	vld.idx.msk [tilespmem:v15+s3+$0x0], $0xffff;
	v14 =	vor.u32 v8, v14;
	v15 =	vshll.u32 v18, $0x7  }
0x345: {  	s10 =	simm.s32 $0x8;
	v18 =	vor.u32 v8, v15;
	v19 =	vld.idx.msk [tilespmem:v19+s4+$0x0], $0xffff  }
0x346: {  	s11 =	simm.s32 $0x7;
	v22 =	vld.idx.msk [tilespmem:v13+s1+$0x0], $0xffff;
	v59 =	vadd.s32 s10, v2  }
0x347: {  	v20 =	vshll.u32 v20, $0x7;
	v15 =	vadd.s32 s11, v2;
	v16 =	vld.idx.msk [tilespmem:v16+s4+$0x0], $0xffff  }
0x348: {  	v20 =	vor.u32 v8, v20;
	s11 =	simm.s32 $0x9;
	v61 =	vld.idx.msk [tilespmem:v11+s1+$0x0], $0xffff  }
0x349: {  	v62 =	vadd.s32 s11, v2;
	v60 =	vld.idx.msk [tilespmem:v14+s4+$0x0], $0xffff  }
0x34a: {  	v63 =	vld.idx.msk [tilespmem:v18+s4+$0x0], $0xffff;
	v14 =	vmul.f32 v17, v19  }
0x34b: {  	v18 =	vld.idx.msk [tilespmem:v59+s1+$0x0], $0xffff;
	v17 =	vimm.f32 $0.0e+00  }
0x34c: {  	v19 =	vld.idx.msk [tilespmem:v15+s1+$0x0], $0xffff;
	v12 =	vmul.f32 v12, v16;
	v17 =	vadd.f32 v14, v17  }
0x34d: {  	v16 =	vld.idx.msk [tilespmem:v20+s4+$0x0], $0xffff;
	v20 =	vshll.u32 v22, $0x7  }
0x34e: {  	v25 =	vmul.f32 v21, v60;
	v21 =	vor.u32 v8, v20;
	v14 =	vld.idx.msk [tilespmem:v62+s3+$0x0], $0xffff;
	v22 =	vadd.f32 v12, v17  }
0x34f: {  	v12 =	vshll.u32 v61, $0x7;
	v17 =	vld.idx.msk [tilespmem:v62+s1+$0x0], $0xffff  }
0x350: {  	s9 =	simm.s32 $0xE;
	s10 =	simm.s32 $0x13;
	s11 =	simm.s32 $0xA;
	v23 =	vmul.f32 v23, v63;
	v20 =	vor.u32 v8, v12;
	v12 =	vld.idx.msk [tilespmem:v59+s3+$0x0], $0xffff;
	v22 =	vadd.f32 v25, v22  }
.LBB2_32:
0x351: {  	p0 =	sne.s32 s10, $0x31;
	v24 =	vadd.s32 s11, v2;
	v25 =	vld.idx.msk [tilespmem:v15+s3+$0x0], $0xffff;
	v15 =	vshll.u32 v19, $0x7  }
0x352: {  	s11 =	sadd.s32 $0xFFFFFFFD, s9;
	v27 =	vmul.f32 v10, v16;
	v19 =	vld.idx.msk [tilespmem:v13+s3+$0x0], $0xffff;
	v26 =	vor.u32 v8, v15;
	v15 =	vadd.f32 v23, v22  }
0x353: {  	v16 =	vadd.s32 s11, v2;
	v18 =	vshll.u32 v18, $0x7;
	v13 =	vmov v24;
	v21 =	vld.idx.msk [tilespmem:v21+s4+$0x0], $0xffff  }
0x354: {  	s11 =	sadd.s32 $0xFFFFFFFE, s9;
	v18 =	vor.u32 v8, v18;
	v10 =	vmovc v14;
	v22 =	vld.idx.msk [tilespmem:v11+s3+$0x0], $0xffff;
	v23 =	vadd.f32 v27, v15;
	v11 =	vmov v16  }
0x355: {  	v15 =	vadd.s32 s11, v2;
	v17 =	vshll.u32 v17, $0x7;
	v14 =	vld.idx.msk [tilespmem:v20+s4+$0x0], $0xffff  }
0x356: {  	s11 =	sadd.s32 $0xFFFFFFFF, s9;
	v17 =	vor.u32 v8, v17;
	v20 =	vld.idx.msk [tilespmem:v24+s1+$0x0], $0xffff  }
0x357: {  	v24 =	vadd.s32 s11, v2;
	v26 =	vld.idx.msk [tilespmem:v26+s4+$0x0], $0xffff  }
0x358: {  	v28 =	vadd.s32 s9, v2;
	s9 =	smov.u32 s10;
	v27 =	vld.idx.msk [tilespmem:v16+s1+$0x0], $0xffff  }
0x359: {  	v16 =	vmul.f32 v19, v21;
	v29 =	vld.idx.msk [tilespmem:v18+s4+$0x0], $0xffff  }
0x35a: {  	v19 =	vld.idx.msk [tilespmem:v15+s1+$0x0], $0xffff  }
.Ltmp15:
0x35b: {  	v23 =	vadd.f32 v16, v23;
	v22 =	vmul.f32 v22, v14;
	v16 =	vld.idx.msk [tilespmem:v17+s4+$0x0], $0xffff;
	(pc) =	sbr.rel @p0 .LBB2_32-.Ltmp15, $4  }
0x35c: {  	v14 =	vshll.u32 v20, $0x7;
	v18 =	vld.idx.msk [tilespmem:v24+s1+$0x0], $0xffff  }
0x35d: {  	v21 =	vor.u32 v8, v14;
	v22 =	vadd.f32 v22, v23;
	v23 =	vmul.f32 v25, v26;
	v14 =	vld.idx.msk [tilespmem:v28+s3+$0x0], $0xffff  }
0x35e: {  	v20 =	vshll.u32 v27, $0x7;
	v17 =	vld.idx.msk [tilespmem:v28+s1+$0x0], $0xffff  }
0x35f: {  	s10 =	sadd.s32 $0x5, s10;
	s11 =	sadd.s32 $0xFFFFFFFC, s9;
	v20 =	vor.u32 v8, v20;
	v22 =	vadd.f32 v23, v22;
	v23 =	vmul.f32 v12, v29;
	v12 =	vld.idx.msk [tilespmem:v24+s3+$0x0], $0xffff  }
0x360: {  	_ =	sdelay $0x1  }
0x361: {  	v24 =	vadd.s32 s11, v2  }
0x362: {  	s10 =	sadd.s32 $0xFFFFFFFD, s9  }
0x363: {  	v15 =	vld.idx.msk [tilespmem:v15+s3+$0x0], $0xffff;
	v25 =	vadd.s32 s10, v2  }
0x364: {  	v13 =	vld.idx.msk [tilespmem:v13+s3+$0x0], $0xffff;
	s11 =	sadd.s32 $0xFFFFFFFE, s9  }
0x365: {  	v19 =	vshll.u32 v19, $0x7;
	v21 =	vld.idx.msk [tilespmem:v21+s4+$0x0], $0xffff;
	v26 =	vadd.s32 s11, v2  }
0x366: {  	v19 =	vor.u32 v8, v19;
	s11 =	sadd.s32 $0xFFFFFFFF, s9;
	v27 =	vld.idx.msk [tilespmem:v24+s1+$0x0], $0xffff  }
0x367: {  	v11 =	vld.idx.msk [tilespmem:v11+s3+$0x0], $0xffff;
	v18 =	vshll.u32 v18, $0x7;
	v28 =	vadd.s32 s11, v2  }
0x368: {  	v18 =	vor.u32 v8, v18;
	v29 =	vld.idx.msk [tilespmem:v25+s1+$0x0], $0xffff  }
0x369: {  	v20 =	vld.idx.msk [tilespmem:v20+s4+$0x0], $0xffff;
	v30 =	vadd.s32 s9, v2;
	v17 =	vshll.u32 v17, $0x7  }
0x36a: {  	v10 =	vmul.f32 v10, v16;
	v22 =	vadd.f32 v23, v22;
	v16 =	vor.u32 v8, v17;
	v17 =	vld.idx.msk [tilespmem:v26+s1+$0x0], $0xffff  }
0x36b: {  	v19 =	vld.idx.msk [tilespmem:v19+s4+$0x0], $0xffff;
	v23 =	vshll.u32 v27, $0x7  }
0x36c: {  	v10 =	vadd.f32 v10, v22;
	v13 =	vmul.f32 v13, v21;
	v21 =	vld.idx.msk [tilespmem:v28+s1+$0x0], $0xffff;
	v22 =	vor.u32 v8, v23  }
0x36d: {  	v18 =	vld.idx.msk [tilespmem:v18+s4+$0x0], $0xffff;
	v23 =	vshll.u32 v29, $0x7  }
0x36e: {  	v11 =	vmul.f32 v11, v20;
	v10 =	vadd.f32 v13, v10;
	v13 =	vld.idx.msk [tilespmem:v30+s1+$0x0], $0xffff;
	v20 =	vor.u32 v8, v23  }
0x36f: {  	v16 =	vld.idx.msk [tilespmem:v16+s4+$0x0], $0xffff;
	v17 =	vshll.u32 v17, $0x7  }
0x370: {  	v10 =	vadd.f32 v11, v10;
	v11 =	vmul.f32 v15, v19;
	v15 =	vld.idx.msk [tilespmem:v24+s3+$0x0], $0xffff;
	v17 =	vor.u32 v8, v17  }
0x371: {  	v21 =	vshll.u32 v21, $0x7;
	v19 =	vld.idx.msk [tilespmem:v22+s4+$0x0], $0xffff  }
0x372: {  	v10 =	vadd.f32 v11, v10;
	v11 =	vmul.f32 v12, v18;
	v12 =	vld.idx.msk [tilespmem:v25+s3+$0x0], $0xffff;
	v18 =	vor.u32 v8, v21  }
0x373: {  	v13 =	vshll.u32 v13, $0x7;
	v20 =	vld.idx.msk [tilespmem:v20+s4+$0x0], $0xffff  }
0x374: {  	v21 =	vld.idx.msk [tilespmem:v26+s3+$0x0], $0xffff;
	v13 =	vor.u32 v8, v13;
	v10 =	vadd.f32 v11, v10;
	v11 =	vmul.f32 v14, v16  }
0x375: {  	v14 =	vld.idx.msk [tilespmem:v17+s4+$0x0], $0xffff  }
0x376: {  	v16 =	vld.idx.msk [tilespmem:v28+s3+$0x0], $0xffff;
	v10 =	vadd.f32 v11, v10;
	v11 =	vmul.f32 v15, v19  }
0x377: {  	v15 =	vld.idx.msk [tilespmem:v18+s4+$0x0], $0xffff  }
0x378: {  	v17 =	vld.idx.msk [tilespmem:v30+s3+$0x0], $0xffff;
	v10 =	vadd.f32 v11, v10;
	v11 =	vmul.f32 v12, v20  }
0x379: {  	v12 =	vld.idx.msk [tilespmem:v13+s4+$0x0], $0xffff  }
0x37a: {  	v10 =	vadd.f32 v11, v10;
	v11 =	vmul.f32 v21, v14;
	_ =	sdelay $0x1  }
0x37b: {  	v10 =	vadd.f32 v11, v10;
	v11 =	vmul.f32 v16, v15;
	_ =	sdelay $0x1  }
0x37c: {  	v10 =	vadd.f32 v11, v10;
	v11 =	vmul.f32 v17, v12;
	_ =	sdelay $0x1  }
0x37d: {  	v10 =	vadd.f32 v11, v10;
	_ =	sdelay $0x1  }
0x37e: {  	[tilespmem:$0x760] =	vst v10  }
0x37f: {  	[tilespmem:s1], [sflag:$0x5] =	stream.linear.gather [hbm4b:s26+s1], $0x320, $0x38;
	[tilespmem:$0x1FF00] =	vst v63  }
0x380: {  	_ =	swait.ge [sflag:s6], $0x320  }
0x381: {  	s11 =	simm.s32 $0x0;
	[sflag:s6] =	ssyncset.done $0x0  }
0x382: {  	s10 =	simm.s32 $0x1;
	v11 =	vadd.s32 s11, v2;
	[sflag:s6] =	ssyncadd.s32 $0xFFFFFCE0  }
0x383: {  	[tilespmem:s3], [sflag:$0x5] =	stream.linear.gather [hbm4b:s28+s1], $0x320, $0x38;
	[tilespmem:$0x1FF00] =	vst v63  }
0x384: {  	v12 =	vadd.s32 s10, v2;
	s11 =	simm.s32 $0x2;
	_ =	swait.ge [sflag:s6], $0x320  }
0x385: {  	s10 =	simm.s32 $0x3;
	v14 =	vadd.s32 s11, v2;
	[sflag:s6] =	ssyncset.done $0x0  }
0x386: {  	v13 =	vadd.s32 s10, v2;
	s11 =	simm.s32 $0x4;
	[sflag:s6] =	ssyncadd.s32 $0xFFFFFCE0  }
0x387: {  	v15 =	vadd.s32 s11, v2;
	v10 =	vld.idx.msk [tilespmem:v11+s1+$0x0], $0xffff;
	_ =	sdelay $0x1  }
0x388: {  	v16 =	vld.idx.msk [tilespmem:v12+s1+$0x0], $0xffff  }
0x389: {  	v17 =	vld.idx.msk [tilespmem:v14+s1+$0x0], $0xffff  }
0x38a: {  	v18 =	vld.idx.msk [tilespmem:v13+s1+$0x0], $0xffff  }
0x38b: {  	v20 =	vld.idx.msk [tilespmem:v15+s1+$0x0], $0xffff;
	v10 =	vshll.u32 v10, $0x7  }
0x38c: {  	s11 =	simm.s32 $0x5;
	v23 =	vld.idx.msk [tilespmem:v13+s3+$0x0], $0xffff;
	v19 =	vor.u32 v9, v10  }
0x38d: {  	v13 =	vadd.s32 s11, v2;
	v21 =	vld.idx.msk [tilespmem:v14+s3+$0x0], $0xffff;
	v16 =	vshll.u32 v16, $0x7  }
0x38e: {  	s10 =	simm.s32 $0x6;
	v12 =	vld.idx.msk [tilespmem:v12+s3+$0x0], $0xffff;
	v16 =	vor.u32 v9, v16  }
0x38f: {  	v14 =	vshll.u32 v17, $0x7;
	v17 =	vld.idx.msk [tilespmem:v11+s3+$0x0], $0xffff;
	v11 =	vadd.s32 s10, v2  }
0x390: {  	v10 =	vld.idx.msk [tilespmem:v15+s3+$0x0], $0xffff;
	v14 =	vor.u32 v9, v14;
	v15 =	vshll.u32 v18, $0x7  }
0x391: {  	s10 =	simm.s32 $0x8;
	v18 =	vor.u32 v9, v15;
	v19 =	vld.idx.msk [tilespmem:v19+s4+$0x0], $0xffff  }
0x392: {  	s11 =	simm.s32 $0x7;
	v22 =	vld.idx.msk [tilespmem:v13+s1+$0x0], $0xffff;
	v59 =	vadd.s32 s10, v2  }
0x393: {  	v20 =	vshll.u32 v20, $0x7;
	v15 =	vadd.s32 s11, v2;
	v16 =	vld.idx.msk [tilespmem:v16+s4+$0x0], $0xffff  }
0x394: {  	v20 =	vor.u32 v9, v20;
	s11 =	simm.s32 $0x9;
	v61 =	vld.idx.msk [tilespmem:v11+s1+$0x0], $0xffff  }
0x395: {  	v62 =	vadd.s32 s11, v2;
	v60 =	vld.idx.msk [tilespmem:v14+s4+$0x0], $0xffff  }
0x396: {  	v63 =	vld.idx.msk [tilespmem:v18+s4+$0x0], $0xffff;
	v14 =	vmul.f32 v17, v19  }
0x397: {  	v18 =	vld.idx.msk [tilespmem:v59+s1+$0x0], $0xffff;
	v17 =	vimm.f32 $0.0e+00  }
0x398: {  	v19 =	vld.idx.msk [tilespmem:v15+s1+$0x0], $0xffff;
	v12 =	vmul.f32 v12, v16;
	v17 =	vadd.f32 v14, v17  }
0x399: {  	v16 =	vld.idx.msk [tilespmem:v20+s4+$0x0], $0xffff;
	v20 =	vshll.u32 v22, $0x7  }
0x39a: {  	v25 =	vmul.f32 v21, v60;
	v21 =	vor.u32 v9, v20;
	v14 =	vld.idx.msk [tilespmem:v62+s3+$0x0], $0xffff;
	v22 =	vadd.f32 v12, v17  }
0x39b: {  	v12 =	vshll.u32 v61, $0x7;
	v17 =	vld.idx.msk [tilespmem:v62+s1+$0x0], $0xffff  }
0x39c: {  	s9 =	simm.s32 $0xE;
	s10 =	simm.s32 $0x13;
	s11 =	simm.s32 $0xA;
	v23 =	vmul.f32 v23, v63;
	v20 =	vor.u32 v9, v12;
	v12 =	vld.idx.msk [tilespmem:v59+s3+$0x0], $0xffff;
	v22 =	vadd.f32 v25, v22  }
.LBB2_34:
0x39d: {  	p0 =	sne.s32 s10, $0x31;
	v24 =	vadd.s32 s11, v2;
	v25 =	vld.idx.msk [tilespmem:v15+s3+$0x0], $0xffff;
	v15 =	vshll.u32 v19, $0x7  }
0x39e: {  	s11 =	sadd.s32 $0xFFFFFFFD, s9;
	v27 =	vmul.f32 v10, v16;
	v19 =	vld.idx.msk [tilespmem:v13+s3+$0x0], $0xffff;
	v26 =	vor.u32 v9, v15;
	v15 =	vadd.f32 v23, v22  }
0x39f: {  	v16 =	vadd.s32 s11, v2;
	v18 =	vshll.u32 v18, $0x7;
	v13 =	vmov v24;
	v21 =	vld.idx.msk [tilespmem:v21+s4+$0x0], $0xffff  }
0x3a0: {  	s11 =	sadd.s32 $0xFFFFFFFE, s9;
	v18 =	vor.u32 v9, v18;
	v10 =	vmovc v14;
	v22 =	vld.idx.msk [tilespmem:v11+s3+$0x0], $0xffff;
	v23 =	vadd.f32 v27, v15;
	v11 =	vmov v16  }
0x3a1: {  	v15 =	vadd.s32 s11, v2;
	v17 =	vshll.u32 v17, $0x7;
	v14 =	vld.idx.msk [tilespmem:v20+s4+$0x0], $0xffff  }
0x3a2: {  	s11 =	sadd.s32 $0xFFFFFFFF, s9;
	v17 =	vor.u32 v9, v17;
	v20 =	vld.idx.msk [tilespmem:v24+s1+$0x0], $0xffff  }
0x3a3: {  	v24 =	vadd.s32 s11, v2;
	v26 =	vld.idx.msk [tilespmem:v26+s4+$0x0], $0xffff  }
0x3a4: {  	v28 =	vadd.s32 s9, v2;
	s9 =	smov.u32 s10;
	v27 =	vld.idx.msk [tilespmem:v16+s1+$0x0], $0xffff  }
0x3a5: {  	v16 =	vmul.f32 v19, v21;
	v29 =	vld.idx.msk [tilespmem:v18+s4+$0x0], $0xffff  }
0x3a6: {  	v19 =	vld.idx.msk [tilespmem:v15+s1+$0x0], $0xffff  }
.Ltmp16:
0x3a7: {  	v23 =	vadd.f32 v16, v23;
	v22 =	vmul.f32 v22, v14;
	v16 =	vld.idx.msk [tilespmem:v17+s4+$0x0], $0xffff;
	(pc) =	sbr.rel @p0 .LBB2_34-.Ltmp16, $4  }
0x3a8: {  	v14 =	vshll.u32 v20, $0x7;
	v18 =	vld.idx.msk [tilespmem:v24+s1+$0x0], $0xffff  }
0x3a9: {  	v21 =	vor.u32 v9, v14;
	v22 =	vadd.f32 v22, v23;
	v23 =	vmul.f32 v25, v26;
	v14 =	vld.idx.msk [tilespmem:v28+s3+$0x0], $0xffff  }
0x3aa: {  	v20 =	vshll.u32 v27, $0x7;
	v17 =	vld.idx.msk [tilespmem:v28+s1+$0x0], $0xffff  }
0x3ab: {  	s10 =	sadd.s32 $0x5, s10;
	s11 =	sadd.s32 $0xFFFFFFFC, s9;
	v20 =	vor.u32 v9, v20;
	v22 =	vadd.f32 v23, v22;
	v23 =	vmul.f32 v12, v29;
	v12 =	vld.idx.msk [tilespmem:v24+s3+$0x0], $0xffff  }
0x3ac: {  	_ =	sdelay $0x1  }
0x3ad: {  	v24 =	vadd.s32 s11, v2  }
0x3ae: {  	s10 =	sadd.s32 $0xFFFFFFFD, s9  }
0x3af: {  	v15 =	vld.idx.msk [tilespmem:v15+s3+$0x0], $0xffff;
	v25 =	vadd.s32 s10, v2  }
0x3b0: {  	v13 =	vld.idx.msk [tilespmem:v13+s3+$0x0], $0xffff;
	s11 =	sadd.s32 $0xFFFFFFFE, s9  }
0x3b1: {  	v19 =	vshll.u32 v19, $0x7;
	v21 =	vld.idx.msk [tilespmem:v21+s4+$0x0], $0xffff;
	v26 =	vadd.s32 s11, v2  }
0x3b2: {  	v19 =	vor.u32 v9, v19;
	s11 =	sadd.s32 $0xFFFFFFFF, s9;
	v27 =	vld.idx.msk [tilespmem:v24+s1+$0x0], $0xffff  }
0x3b3: {  	v11 =	vld.idx.msk [tilespmem:v11+s3+$0x0], $0xffff;
	v18 =	vshll.u32 v18, $0x7;
	v28 =	vadd.s32 s11, v2  }
0x3b4: {  	v18 =	vor.u32 v9, v18;
	v29 =	vld.idx.msk [tilespmem:v25+s1+$0x0], $0xffff  }
0x3b5: {  	v20 =	vld.idx.msk [tilespmem:v20+s4+$0x0], $0xffff;
	v30 =	vadd.s32 s9, v2;
	v17 =	vshll.u32 v17, $0x7  }
0x3b6: {  	v10 =	vmul.f32 v10, v16;
	v22 =	vadd.f32 v23, v22;
	v46 =	vor.u32 v9, v17;
	v47 =	vld.idx.msk [tilespmem:v26+s1+$0x0], $0xffff  }
0x3b7: {  	v19 =	vld.idx.msk [tilespmem:v19+s4+$0x0], $0xffff;
	v48 =	vshll.u32 v27, $0x7  }
0x3b8: {  	v10 =	vadd.f32 v10, v22;
	v13 =	vmul.f32 v13, v21;
	v49 =	vld.idx.msk [tilespmem:v28+s1+$0x0], $0xffff;
	v50 =	vor.u32 v9, v48  }
0x3b9: {  	v18 =	vld.idx.msk [tilespmem:v18+s4+$0x0], $0xffff;
	v51 =	vshll.u32 v29, $0x7  }
0x3ba: {  	v11 =	vmul.f32 v11, v20;
	v52 =	vld.idx.msk [tilespmem:v30+s1+$0x0], $0xffff;
	v10 =	vadd.f32 v13, v10;
	v53 =	vor.u32 v9, v51  }
0x3bb: {  	v16 =	vld.idx.msk [tilespmem:v46+s4+$0x0], $0xffff;
	v17 =	vshll.u32 v47, $0x7  }
0x3bc: {  	v54 =	vld.idx.msk [tilespmem:v24+s3+$0x0], $0xffff;
	v10 =	vadd.f32 v11, v10;
	v11 =	vmul.f32 v15, v19;
	v17 =	vor.u32 v9, v17  }
0x3bd: {  	v21 =	vshll.u32 v49, $0x7;
	v55 =	vld.idx.msk [tilespmem:v50+s4+$0x0], $0xffff  }
0x3be: {  	v56 =	vld.idx.msk [tilespmem:v25+s3+$0x0], $0xffff;
	v10 =	vadd.f32 v11, v10;
	v11 =	vmul.f32 v12, v18;
	v57 =	vor.u32 v9, v21  }
0x3bf: {  	v13 =	vshll.u32 v52, $0x7;
	v20 =	vld.idx.msk [tilespmem:v53+s4+$0x0], $0xffff  }
0x3c0: {  	v58 =	vld.idx.msk [tilespmem:v26+s3+$0x0], $0xffff;
	v13 =	vor.u32 v9, v13;
	v10 =	vadd.f32 v11, v10;
	v11 =	vmul.f32 v14, v16  }
0x3c1: {  	v59 =	vld.idx.msk [tilespmem:v17+s4+$0x0], $0xffff  }
0x3c2: {  	v60 =	vld.idx.msk [tilespmem:v28+s3+$0x0], $0xffff;
	v10 =	vadd.f32 v11, v10;
	v11 =	vmul.f32 v54, v55  }
0x3c3: {  	v61 =	vld.idx.msk [tilespmem:v57+s4+$0x0], $0xffff  }
0x3c4: {  	v62 =	vld.idx.msk [tilespmem:v30+s3+$0x0], $0xffff;
	v10 =	vadd.f32 v11, v10;
	v11 =	vmul.f32 v56, v20  }
0x3c5: {  	v63 =	vld.idx.msk [tilespmem:v13+s4+$0x0], $0xffff  }
0x3c6: {  	v10 =	vadd.f32 v11, v10;
	v11 =	vmul.f32 v58, v59;
	_ =	sdelay $0x1  }
0x3c7: {  	v10 =	vadd.f32 v11, v10;
	v11 =	vmul.f32 v60, v61;
	_ =	sdelay $0x1  }
0x3c8: {  	v10 =	vadd.f32 v11, v10;
	v11 =	vmul.f32 v62, v63;
	_ =	sdelay $0x1  }
0x3c9: {  	v10 =	vadd.f32 v11, v10;
	_ =	sdelay $0x1  }
0x3ca: {  	s8 =	sadd.s32 $0x1, s8;
	[tilespmem:$0x770] =	vst v10  }
0x3cb: {  	[hbm4b:s29+s1] =	stream.linear.scatter [tilespmem:s23], [sflag:$0x5], $0x80, $0x38;
	[tilespmem:$0x1FF00] =	vst v63  }
0x3cc: {  	p0 =	sne.s32 s8, s31;
	_ =	swait.ge [sflag:s6], $0x80  }
.Ltmp17:
0x3cd: {  	[sflag:s6] =	ssyncset.done $0x0;
	(pc) =	sbr.rel @p0 .LBB2_1-.Ltmp17, $4  }
0x3ce: {  	[sflag:s6] =	ssyncadd.s32 $0xFFFFFF80  }
0x3cf: {  	_ =	swait.ge [sflag:s7], $0x1F400  }
0x3d0: {  	[sflag:s7] =	ssyncset.done $0x0  }
0x3d1: {  	[sflag:s7] =	ssyncadd.s32 $0xFFFE0C00  }
0x3d2: {  	_ =	sfence.sel $0x180000  }
0x3d3: {  	[bflag:$0x0] =	sbarrier.arrive $0xFFFF  }
0x3d4: {  	_ =	strace $0x90000047  }
0x3d5: {  	s0 =	stileid.u32;
	[bflag:$0x2] =	sbarrier.arrive $0xFFFF  }
0x3d6: {  	p0 =	sne.s32 s0, $0x0;
	s0 =	rddreg [dreg:$0x3]  }
0x3d7: {  	s0 =	sadd.s32 @!p0 $0x100000, s0  }
0x3d8: {  	[sflag:s0] =	ssyncadd.tile.s32 @!p0 $0x1;
	_ =	shalt  }
.Lfunc_end2:
_tile_overlayer_lowered:
.L_overlay_start_2:
0x3d9: {  	(tag) =	ssettag $0x2  }
0x3da: {  	s0 =	rddreg [dreg:$0x0];
	s2 =	stileid.u32  }
0x3db: {  	s1 =	rddreg [dreg:$0x1];
	p0 =	sne.s32 s2, $0x0  }
0x3dc: {  	s3 =	rddreg [dreg:$0x2];
	[bflag:$0x3] =	sbarrier.arrive $0xFFFF;
	s2 =	simm.s32 @!p0 $0x1C05  }
0x3dd: {  	[timem:s3], [sflag:s2] =	dma.local @!p0 [hbm:s0], s1  }
0x3de: {  	s0 =	simm.s32 @!p0 $0x5  }
0x3df: {  	_ =	swait.ge @!p0 [sflag:s0], s1  }
0x3e0: {  	s1 =	ssub.s32 @!p0 $0x0, s1;
	[sflag:s0] =	ssyncset.done @!p0 $0x0  }
0x3e1: {  	[sflag:s0] =	ssyncadd.s32 @!p0 s1  }
0x3e2: {  	[bflag:$0x3] =	sbarrier.arrive $0xFFFF  }
0x3e3: {  	_ =	shalt  }

</sc_bundles>
